<compile_context>
chip_gen: v7x
topology: tpu7x:2x2x1
jax: 0.10.2.dev20260603
libtpu: 0.0.44.dev20260713+nightly
codegen_flags: <defaults>
</compile_context>

<pallas_src>
import functools

import jax
import jax.numpy as jnp
from jax import lax
from jax.experimental import pallas as pl
from jax.experimental.pallas import tpu as pltpu
from jax.experimental.pallas import tpu_sc as plsc

DIM = 128
LANES = 16
NW = 32
K = 128
GPC = K // LANES


def _make_kernel(batch):
    rows_w = batch // NW
    mesh = plsc.VectorSubcoreMesh(core_axis_name="c", subcore_axis_name="s")

    @functools.partial(
        pl.kernel,
        out_type=jax.ShapeDtypeStruct((batch * DIM,), jnp.float32),
        mesh=mesh,
        scratch_types=[
            pltpu.VMEM((48,), jnp.int32),
            pltpu.VMEM((2, K), jnp.int32),
            pltpu.VMEM((2, K), jnp.int32),
            pltpu.VMEM((2, K), jnp.float32),
            pltpu.VMEM((2, K, DIM), jnp.float32),
            pltpu.VMEM((rows_w * DIM,), jnp.float32),
            pltpu.SemaphoreType.DMA,
            pltpu.SemaphoreType.DMA,
            pltpu.SemaphoreType.DMA,
            pltpu.SemaphoreType.DMA,
        ],
        compiler_params=pltpu.CompilerParams(needs_layout_passes=False),
    )
    def ker(fi_hbm, ei_hbm, sc_hbm, w_hbm, starts_hbm, out_hbm,
            starts_v, fidx_v, ei_v, scl_v, rows_v, acc_v,
            sem_i0, sem_i1, sem_g0, sem_g1):
        sem_i = (sem_i0, sem_i1)
        sem_g = (sem_g0, sem_g1)
        cid = lax.axis_index("c")
        sid = lax.axis_index("s")
        wid = sid * 2 + cid
        base = wid * rows_w

        pltpu.sync_copy(starts_hbm, starts_v)
        svec = starts_v[pl.ds(wid, LANES)]
        lo = svec[0]
        hi = svec[1]
        lo_a = lo - lax.rem(lo, 8)
        nchunks = (hi - lo_a + K - 1) // K
        npairs = (nchunks + 1) // 2

        zeros = jnp.zeros((LANES,), jnp.float32)

        @plsc.parallel_loop(0, rows_w * DIM // LANES, unroll=8)
        def _zero(i):
            acc_v[pl.ds(i * LANES, LANES)] = zeros

        iota = lax.broadcasted_iota(jnp.int32, (LANES,), 0)

        def chunk_off(m):
            return pl.multiple_of(lo_a + m * K, 8)

        def fire_idx(m, p):
            off = chunk_off(m)
            pltpu.async_copy(fi_hbm.at[pl.ds(off, K)], fidx_v.at[p], sem_i[p])
            pltpu.async_copy(ei_hbm.at[pl.ds(off, K)], ei_v.at[p], sem_i[p])
            pltpu.async_copy(sc_hbm.at[pl.ds(off, K)], scl_v.at[p], sem_i[p])

        def wait_idx(p):
            pltpu.make_async_copy(fi_hbm.at[pl.ds(0, K)], fidx_v.at[p], sem_i[p]).wait()
            pltpu.make_async_copy(ei_hbm.at[pl.ds(0, K)], ei_v.at[p], sem_i[p]).wait()
            pltpu.make_async_copy(sc_hbm.at[pl.ds(0, K)], scl_v.at[p], sem_i[p]).wait()

        NSUB = 4
        SUB = K // NSUB

        def fire_gather(p):
            for t in range(NSUB):
                pltpu.async_copy(
                    w_hbm.at[fidx_v.at[p, pl.ds(t * SUB, SUB)]],
                    rows_v.at[p, pl.ds(t * SUB, SUB)], sem_g[p])

        def wait_gather(p):
            for t in range(NSUB):
                pltpu.make_async_copy(
                    w_hbm.at[fidx_v.at[p, pl.ds(t * SUB, SUB)]],
                    rows_v.at[p, pl.ds(t * SUB, SUB)], sem_g[p]).wait()

        def process(m, p):
            off = chunk_off(m)

            @plsc.parallel_loop(0, GPC, unroll=2)
            def _stage(g):
                sl = pl.ds(g * LANES, LANES)
                jg = off + g * LANES + iota
                e = ei_v[p, sl]
                ei_v[p, sl] = jnp.clip(e - base, 0, rows_w - 1) * DIM
                s_raw = scl_v[p, sl]
                scl_v[p, sl] = jnp.where((jg >= lo) & (jg < hi), s_raw, 0.0)

            def flush(a_prev, acc):
                for h in range(DIM // LANES):
                    view = acc_v.at[pl.ds(h * LANES,
                                          rows_w * DIM - h * LANES)]
                    plsc.addupdate_scatter(view, [a_prev], acc[h])

            init = (iota, jnp.int32(-1)) + \
                (jnp.zeros((LANES,), jnp.float32),) * (DIM // LANES)

            @plsc.parallel_loop(0, K, unroll=2, carry=init)
            def _row(j, carry):
                a_prev, s_prev = carry[0], carry[1]
                acc = carry[2:]
                gbase = (j // LANES) * LANES
                lane = jnp.full((LANES,), 0, jnp.int32) + (j - gbase)
                a16 = ei_v[p, pl.ds(gbase, LANES)]
                s16 = scl_v[p, pl.ds(gbase, LANES)]
                av = jnp.take_along_axis(a16, lane, axis=0) + iota
                sv = jnp.take_along_axis(s16, lane, axis=0)
                prod = tuple(rows_v[p, j, pl.ds(h * LANES, LANES)] * sv
                             for h in range(DIM // LANES))
                s_cur = av[0]

                def if_same(_):
                    return tuple(acc[h] + prod[h]
                                 for h in range(DIM // LANES))

                def if_new(_):
                    flush(a_prev, acc)
                    return prod

                newacc = lax.cond(s_cur == s_prev, if_same, if_new, 0)
                return (av, s_cur) + newacc

            flush(_row[0], _row[2:])

        fire_idx(0, 0)
        fire_idx(1, 1)
        wait_idx(0)
        fire_gather(0)

        def half_iter(m, p):
            q = 1 - p
            wait_idx(q)
            fire_gather(q)
            wait_gather(p)
            process(m, p)
            fire_idx(m + 2, p)

        def pair_body(m2, _):
            m = 2 * m2
            half_iter(m, 0)
            half_iter(m + 1, 1)
            return 0

        lax.fori_loop(0, npairs, pair_body, 0)

        wait_gather(0)
        wait_idx(1)

        pltpu.sync_copy(acc_v, out_hbm.at[pl.ds(base * DIM, rows_w * DIM)])

    return ker


def kernel(feature_index, embed_index, scaling, W):
    batch = 16384
    rows_w = batch // NW
    bounds = jnp.arange(NW + 1, dtype=jnp.int32) * rows_w
    starts = jnp.searchsorted(embed_index, bounds).astype(jnp.int32)
    starts = jnp.pad(starts, (0, 48 - (NW + 1)))
    pad = 4 * K
    fi = jnp.pad(feature_index, (0, pad))
    ei = jnp.pad(embed_index, (0, pad))
    sc = jnp.pad(scaling, (0, pad))
    ker = _make_kernel(batch)
    return ker(fi, ei, sc, W, starts).reshape(batch, DIM)

# --- scband reference (transcript-rebuilt; emitter-appended) ---
"""Pipeline reference for scband-flexi-hash-embedding-45294725104081 (READ-ONLY COPY).

The authoritative reference and input builder live on the scoring server;
editing this copy changes nothing except your own understanding.
"""

import jax, jax.numpy as jnp
import numpy as np

N_FEATURES = 1048576
DIM = 128
NNZ = 425984
BATCH = 16384

def setup_inputs(seed: int = 0) -> dict:
    key = jax.random.key(seed)
    k1, k2, k3, k4 = jax.random.split(key, 4)
    feature_index = jax.random.randint(k1, (NNZ,), 0, N_FEATURES, dtype=jnp.int64 if jax.config.jax_enable_x64 else jnp.int32).astype(jnp.int32)
    embed_index = jnp.sort(jax.random.randint(k2, (NNZ,), 0, BATCH, dtype=jnp.int32))
    scaling = jax.random.uniform(k3, (NNZ,), dtype=jnp.float32)
    W = jax.random.normal(k4, (N_FEATURES, DIM), dtype=jnp.float32) * 0.02
    return {"feature_index": feature_index, "embed_index": embed_index, "scaling": scaling, "W": W}

def reference(feature_index, embed_index, scaling, W):
    # FlexiHashEmbedding forward: gather embeddings for hashed feature columns,
    # scale by COO data values, scatter-add into per-row embeddings.
    feature_embed = jnp.take(W, feature_index, axis=0)          # [NNZ, DIM]
    feature_scale = feature_embed * scaling[:, None]            # [NNZ, DIM]
    summed = jax.ops.segment_sum(feature_scale, embed_index, num_segments=BATCH)  # [BATCH, DIM]
    return summed

if __name__ == "__main__":
    import jax
    _d = setup_inputs()
    print(jax.jit(kernel)(*tuple(_d.values())))

</pallas_src>

<mosaic_0001>
#map = affine_map<(d0, d1) -> (0)>
#map1 = affine_map<(d0, d1) -> (0, 0)>
module attributes {stable_mosaic.version = 14 : i64} {
  func.func @ker(%arg0: i32, %arg1: i32, %arg2: memref<426496xi32, #tpu.memory_space<hbm>>, %arg3: memref<426496xi32, #tpu.memory_space<hbm>>, %arg4: memref<426496xf32, #tpu.memory_space<hbm>>, %arg5: memref<1048576x128xf32, #tpu.memory_space<hbm>>, %arg6: memref<48xi32, #tpu.memory_space<hbm>>, %arg7: memref<2097152xf32, #tpu.memory_space<hbm>>, %arg8: memref<48xi32, #tpu.memory_space<vmem>>, %arg9: memref<2x128xi32, #tpu.memory_space<vmem>>, %arg10: memref<2x128xi32, #tpu.memory_space<vmem>>, %arg11: memref<2x128xf32, #tpu.memory_space<vmem>>, %arg12: memref<2x128x128xf32, #tpu.memory_space<vmem>>, %arg13: memref<65536xf32, #tpu.memory_space<vmem>>, %arg14: memref<!tpu.dma_semaphore, #tpu.memory_space<semaphore_mem>>, %arg15: memref<!tpu.dma_semaphore, #tpu.memory_space<semaphore_mem>>, %arg16: memref<!tpu.dma_semaphore, #tpu.memory_space<semaphore_mem>>, %arg17: memref<!tpu.dma_semaphore, #tpu.memory_space<semaphore_mem>>) attributes {dimension_semantics = [#tpu.dimension_semantics<core_parallel>, #tpu.dimension_semantics<subcore_parallel>], iteration_bounds = array<i64: 2, 16>, scalar_prefetch = 0 : i64, scratch_operands = 10 : i64, tpu.core_type = #tpu.core_type<sc_vector_subcore>, window_params = [{transform_indices = #map}, {transform_indices = #map}, {transform_indices = #map}, {transform_indices = #map1}, {transform_indices = #map}, {transform_indices = #map}]} {
    %mul3A = arith.constant 2 : i32
    %mul3A_0 = arith.muli %arg1, %mul3A : i32
    %add3A = arith.addi %mul3A_0, %arg0 : i32
    %mul3A_1 = arith.constant 512 : i32
    %mul3A_2 = arith.muli %add3A, %mul3A_1 : i32
    "tpu.region"() ({
      %run_scoped3A = tpu.sem_alloc : memref<!tpu.dma_semaphore, #tpu.memory_space<semaphore_mem>>
      tpu.enqueue_dma source(%arg6 : memref<48xi32, #tpu.memory_space<hbm>>) target(%arg8 : memref<48xi32, #tpu.memory_space<vmem>>) target_semaphore(%run_scoped3A : memref<!tpu.dma_semaphore, #tpu.memory_space<semaphore_mem>>)
      tpu.wait_dma2 semaphore(%run_scoped3A : memref<!tpu.dma_semaphore, #tpu.memory_space<semaphore_mem>>) src(%arg6 : memref<48xi32, #tpu.memory_space<hbm>>) dst(%arg8 : memref<48xi32, #tpu.memory_space<vmem>>)
      tpu.yield
    }) : () -> ()
    %get3A = arith.index_cast %add3A : i32 to index
    %get3A_3 = tpu.vector_load %arg8[%get3A] {strides = array<i32>} : memref<48xi32, #tpu.memory_space<vmem>>, vector<16xi32>,
    %slice3A = vector.extract_strided_slice %get3A_3 {offsets = [0], sizes = [1], strides = [1]} : vector<16xi32> to vector<1xi32>
    %squeeze3A = vector.extract %slice3A[0] : i32 from vector<1xi32>
    %slice3A_4 = vector.extract_strided_slice %get3A_3 {offsets = [1], sizes = [1], strides = [1]} : vector<16xi32> to vector<1xi32>
    %squeeze3A_5 = vector.extract %slice3A_4[0] : i32 from vector<1xi32>
    %rem3A = arith.constant 8 : i32
    %rem3A_6 = arith.remsi %squeeze3A, %rem3A : i32
    %sub3A = arith.subi %squeeze3A, %rem3A_6 : i32
    %sub3A_7 = arith.subi %squeeze3A_5, %sub3A : i32
    %add3A_8 = arith.constant 128 : i32
    %add3A_9 = arith.addi %sub3A_7, %add3A_8 : i32
    %sub3A_10 = arith.constant 1 : i32
    %sub3A_11 = arith.subi %add3A_9, %sub3A_10 : i32
    %jit3A = arith.constant 128 : i32
    %div3A = arith.divsi %sub3A_11, %jit3A : i32
    %sign3A = arith.constant 0 : i32
    %sign3A_12 = arith.cmpi sgt, %sub3A_11, %sign3A : i32
    %sign3A_13 = arith.extui %sign3A_12 : i1 to i32
    %sign3A_14 = arith.constant 0 : i32
    %sign3A_15 = arith.cmpi slt, %sub3A_11, %sign3A_14 : i32
    %sign3A_16 = arith.extui %sign3A_15 : i1 to i32
    %sign3A_17 = arith.subi %sign3A_13, %sign3A_16 : i32
    %sign3A_18 = arith.constant 0 : i32
    %sign3A_19 = arith.cmpi sgt, %jit3A, %sign3A_18 : i32
    %sign3A_20 = arith.extui %sign3A_19 : i1 to i32
    %sign3A_21 = arith.constant 0 : i32
    %sign3A_22 = arith.cmpi slt, %jit3A, %sign3A_21 : i32
    %sign3A_23 = arith.extui %sign3A_22 : i1 to i32
    %sign3A_24 = arith.subi %sign3A_20, %sign3A_23 : i32
    %ne3A = arith.cmpi ne, %sign3A_17, %sign3A_24 : i32
    %rem3A_25 = arith.remsi %sub3A_11, %jit3A : i32
    %ne3A_26 = arith.constant 0 : i32
    %ne3A_27 = arith.cmpi ne, %rem3A_25, %ne3A_26 : i32
    %and3A = arith.andi %ne3A, %ne3A_27 : i1
    %sub3A_28 = arith.constant 1 : i32
    %sub3A_29 = arith.subi %div3A, %sub3A_28 : i32
    %select_n3A = arith.select %and3A, %sub3A_29, %div3A : i32
    %add3A_30 = arith.constant 1 : i32
    %add3A_31 = arith.addi %select_n3A, %add3A_30 : i32
    %jit3A_32 = arith.constant 2 : i32
    %div3A_33 = arith.divsi %add3A_31, %jit3A_32 : i32
    %sign3A_34 = arith.constant 0 : i32
    %sign3A_35 = arith.cmpi sgt, %add3A_31, %sign3A_34 : i32
    %sign3A_36 = arith.extui %sign3A_35 : i1 to i32
    %sign3A_37 = arith.constant 0 : i32
    %sign3A_38 = arith.cmpi slt, %add3A_31, %sign3A_37 : i32
    %sign3A_39 = arith.extui %sign3A_38 : i1 to i32
    %sign3A_40 = arith.subi %sign3A_36, %sign3A_39 : i32
    %sign3A_41 = arith.constant 0 : i32
    %sign3A_42 = arith.cmpi sgt, %jit3A_32, %sign3A_41 : i32
    %sign3A_43 = arith.extui %sign3A_42 : i1 to i32
    %sign3A_44 = arith.constant 0 : i32
    %sign3A_45 = arith.cmpi slt, %jit3A_32, %sign3A_44 : i32
    %sign3A_46 = arith.extui %sign3A_45 : i1 to i32
    %sign3A_47 = arith.subi %sign3A_43, %sign3A_46 : i32
    %ne3A_48 = arith.cmpi ne, %sign3A_40, %sign3A_47 : i32
    %rem3A_49 = arith.remsi %add3A_31, %jit3A_32 : i32
    %ne3A_50 = arith.constant 0 : i32
    %ne3A_51 = arith.cmpi ne, %rem3A_49, %ne3A_50 : i32
    %and3A_52 = arith.andi %ne3A_48, %ne3A_51 : i1
    %sub3A_53 = arith.constant 1 : i32
    %sub3A_54 = arith.subi %div3A_33, %sub3A_53 : i32
    %select_n3A_55 = arith.select %and3A_52, %sub3A_54, %div3A_33 : i32
    %broadcast_in_dim3A = arith.constant 0.000000e+00 : f32
    %broadcast_in_dim3A_56 = vector.broadcast %broadcast_in_dim3A : f32 to vector<16xf32>
    %parallel_loop3A = arith.constant 0 : i32
    %parallel_loop3A_57 = arith.constant 4096 : i32
    %parallel_loop3A_58 = arith.constant 1 : i32
    scf.for %parallel_loop3A_291 = %parallel_loop3A to %parallel_loop3A_57 step %parallel_loop3A_58  : i32 {
      %parallel_loop3A_292 = arith.constant 16 : i32
      %parallel_loop3A_293 = arith.muli %parallel_loop3A_291, %parallel_loop3A_292 : i32
      %parallel_loop3A_294 = arith.index_cast %parallel_loop3A_293 : i32 to index
      %parallel_loop3A_295 = tpu.vector_load %arg13[%parallel_loop3A_294] {strides = array<i32>} : memref<65536xf32, #tpu.memory_space<vmem>>, vector<16xf32>,
      tpu.vector_store %arg13[%parallel_loop3A_294], %broadcast_in_dim3A_56 {strides = array<i32>} : memref<65536xf32, #tpu.memory_space<vmem>>, vector<16xf32>,
    } {sc.loop_unroll_factor = 8 : i64, sc.parallel_access}
    %iota3A = tpu.iota {dimensions = array<i32: 0>} : vector<16xi32>
    %add3A_59 = arith.constant 0 : i32
    %add3A_60 = arith.addi %sub3A, %add3A_59 : i32
    %multiple_of3A = tpu.assume_multiple %add3A_60, 8 : i32
    %dma_start3A = arith.constant 0 : i32
    %dma_start3A_61 = arith.constant 0 : i32
    %dma_start3A_62 = tpu.memref_slice %arg9[%dma_start3A, %dma_start3A_61] : memref<2x128xi32, #tpu.memory_space<vmem>> -> memref<1x128xi32, #tpu.memory_space<vmem>>
    %dma_start3A_63 = tpu.memref_squeeze %dma_start3A_62 : memref<1x128xi32, #tpu.memory_space<vmem>> -> memref<128xi32, #tpu.memory_space<vmem>>
    %dma_start3A_64 = tpu.memref_slice %arg2[%multiple_of3A] : memref<426496xi32, #tpu.memory_space<hbm>> -> memref<128xi32, #tpu.memory_space<hbm>>
    %dma_start3A_65 = arith.constant 0 : i32
    %dma_start3A_66 = tpu.memref_slice %arg9[%dma_start3A, %dma_start3A_65] : memref<2x128xi32, #tpu.memory_space<vmem>> -> memref<1x128xi32, #tpu.memory_space<vmem>>
    %dma_start3A_67 = tpu.memref_squeeze %dma_start3A_66 : memref<1x128xi32, #tpu.memory_space<vmem>> -> memref<128xi32, #tpu.memory_space<vmem>>
    %dma_start3A_68 = tpu.memref_slice %arg2[%multiple_of3A] : memref<426496xi32, #tpu.memory_space<hbm>> -> memref<128xi32, #tpu.memory_space<hbm>>
    tpu.enqueue_dma source(%dma_start3A_68 : memref<128xi32, #tpu.memory_space<hbm>>) target(%dma_start3A_67 : memref<128xi32, #tpu.memory_space<vmem>>) target_semaphore(%arg14 : memref<!tpu.dma_semaphore, #tpu.memory_space<semaphore_mem>>)
    %dma_start3A_69 = arith.constant 0 : i32
    %dma_start3A_70 = arith.constant 0 : i32
    %dma_start3A_71 = tpu.memref_slice %arg10[%dma_start3A_69, %dma_start3A_70] : memref<2x128xi32, #tpu.memory_space<vmem>> -> memref<1x128xi32, #tpu.memory_space<vmem>>
    %dma_start3A_72 = tpu.memref_squeeze %dma_start3A_71 : memref<1x128xi32, #tpu.memory_space<vmem>> -> memref<128xi32, #tpu.memory_space<vmem>>
    %dma_start3A_73 = tpu.memref_slice %arg3[%multiple_of3A] : memref<426496xi32, #tpu.memory_space<hbm>> -> memref<128xi32, #tpu.memory_space<hbm>>
    %dma_start3A_74 = arith.constant 0 : i32
    %dma_start3A_75 = tpu.memref_slice %arg10[%dma_start3A_69, %dma_start3A_74] : memref<2x128xi32, #tpu.memory_space<vmem>> -> memref<1x128xi32, #tpu.memory_space<vmem>>
    %dma_start3A_76 = tpu.memref_squeeze %dma_start3A_75 : memref<1x128xi32, #tpu.memory_space<vmem>> -> memref<128xi32, #tpu.memory_space<vmem>>
    %dma_start3A_77 = tpu.memref_slice %arg3[%multiple_of3A] : memref<426496xi32, #tpu.memory_space<hbm>> -> memref<128xi32, #tpu.memory_space<hbm>>
    tpu.enqueue_dma source(%dma_start3A_77 : memref<128xi32, #tpu.memory_space<hbm>>) target(%dma_start3A_76 : memref<128xi32, #tpu.memory_space<vmem>>) target_semaphore(%arg14 : memref<!tpu.dma_semaphore, #tpu.memory_space<semaphore_mem>>)
    %dma_start3A_78 = arith.constant 0 : i32
    %dma_start3A_79 = arith.constant 0 : i32
    %dma_start3A_80 = tpu.memref_slice %arg11[%dma_start3A_78, %dma_start3A_79] : memref<2x128xf32, #tpu.memory_space<vmem>> -> memref<1x128xf32, #tpu.memory_space<vmem>>
    %dma_start3A_81 = tpu.memref_squeeze %dma_start3A_80 : memref<1x128xf32, #tpu.memory_space<vmem>> -> memref<128xf32, #tpu.memory_space<vmem>>
    %dma_start3A_82 = tpu.memref_slice %arg4[%multiple_of3A] : memref<426496xf32, #tpu.memory_space<hbm>> -> memref<128xf32, #tpu.memory_space<hbm>>
    %dma_start3A_83 = arith.constant 0 : i32
    %dma_start3A_84 = tpu.memref_slice %arg11[%dma_start3A_78, %dma_start3A_83] : memref<2x128xf32, #tpu.memory_space<vmem>> -> memref<1x128xf32, #tpu.memory_space<vmem>>
    %dma_start3A_85 = tpu.memref_squeeze %dma_start3A_84 : memref<1x128xf32, #tpu.memory_space<vmem>> -> memref<128xf32, #tpu.memory_space<vmem>>
    %dma_start3A_86 = tpu.memref_slice %arg4[%multiple_of3A] : memref<426496xf32, #tpu.memory_space<hbm>> -> memref<128xf32, #tpu.memory_space<hbm>>
    tpu.enqueue_dma source(%dma_start3A_86 : memref<128xf32, #tpu.memory_space<hbm>>) target(%dma_start3A_85 : memref<128xf32, #tpu.memory_space<vmem>>) target_semaphore(%arg14 : memref<!tpu.dma_semaphore, #tpu.memory_space<semaphore_mem>>)
    %add3A_87 = arith.constant 128 : i32
    %add3A_88 = arith.addi %sub3A, %add3A_87 : i32
    %multiple_of3A_89 = tpu.assume_multiple %add3A_88, 8 : i32
    %dma_start3A_90 = arith.constant 1 : i32
    %dma_start3A_91 = arith.constant 0 : i32
    %dma_start3A_92 = tpu.memref_slice %arg9[%dma_start3A_90, %dma_start3A_91] : memref<2x128xi32, #tpu.memory_space<vmem>> -> memref<1x128xi32, #tpu.memory_space<vmem>>
    %dma_start3A_93 = tpu.memref_squeeze %dma_start3A_92 : memref<1x128xi32, #tpu.memory_space<vmem>> -> memref<128xi32, #tpu.memory_space<vmem>>
    %dma_start3A_94 = tpu.memref_slice %arg2[%multiple_of3A_89] : memref<426496xi32, #tpu.memory_space<hbm>> -> memref<128xi32, #tpu.memory_space<hbm>>
    %dma_start3A_95 = arith.constant 0 : i32
    %dma_start3A_96 = tpu.memref_slice %arg9[%dma_start3A_90, %dma_start3A_95] : memref<2x128xi32, #tpu.memory_space<vmem>> -> memref<1x128xi32, #tpu.memory_space<vmem>>
    %dma_start3A_97 = tpu.memref_squeeze %dma_start3A_96 : memref<1x128xi32, #tpu.memory_space<vmem>> -> memref<128xi32, #tpu.memory_space<vmem>>
    %dma_start3A_98 = tpu.memref_slice %arg2[%multiple_of3A_89] : memref<426496xi32, #tpu.memory_space<hbm>> -> memref<128xi32, #tpu.memory_space<hbm>>
    tpu.enqueue_dma source(%dma_start3A_98 : memref<128xi32, #tpu.memory_space<hbm>>) target(%dma_start3A_97 : memref<128xi32, #tpu.memory_space<vmem>>) target_semaphore(%arg15 : memref<!tpu.dma_semaphore, #tpu.memory_space<semaphore_mem>>)
    %dma_start3A_99 = arith.constant 1 : i32
    %dma_start3A_100 = arith.constant 0 : i32
    %dma_start3A_101 = tpu.memref_slice %arg10[%dma_start3A_99, %dma_start3A_100] : memref<2x128xi32, #tpu.memory_space<vmem>> -> memref<1x128xi32, #tpu.memory_space<vmem>>
    %dma_start3A_102 = tpu.memref_squeeze %dma_start3A_101 : memref<1x128xi32, #tpu.memory_space<vmem>> -> memref<128xi32, #tpu.memory_space<vmem>>
    %dma_start3A_103 = tpu.memref_slice %arg3[%multiple_of3A_89] : memref<426496xi32, #tpu.memory_space<hbm>> -> memref<128xi32, #tpu.memory_space<hbm>>
    %dma_start3A_104 = arith.constant 0 : i32
    %dma_start3A_105 = tpu.memref_slice %arg10[%dma_start3A_99, %dma_start3A_104] : memref<2x128xi32, #tpu.memory_space<vmem>> -> memref<1x128xi32, #tpu.memory_space<vmem>>
    %dma_start3A_106 = tpu.memref_squeeze %dma_start3A_105 : memref<1x128xi32, #tpu.memory_space<vmem>> -> memref<128xi32, #tpu.memory_space<vmem>>
    %dma_start3A_107 = tpu.memref_slice %arg3[%multiple_of3A_89] : memref<426496xi32, #tpu.memory_space<hbm>> -> memref<128xi32, #tpu.memory_space<hbm>>
    tpu.enqueue_dma source(%dma_start3A_107 : memref<128xi32, #tpu.memory_space<hbm>>) target(%dma_start3A_106 : memref<128xi32, #tpu.memory_space<vmem>>) target_semaphore(%arg15 : memref<!tpu.dma_semaphore, #tpu.memory_space<semaphore_mem>>)
    %dma_start3A_108 = arith.constant 1 : i32
    %dma_start3A_109 = arith.constant 0 : i32
    %dma_start3A_110 = tpu.memref_slice %arg11[%dma_start3A_108, %dma_start3A_109] : memref<2x128xf32, #tpu.memory_space<vmem>> -> memref<1x128xf32, #tpu.memory_space<vmem>>
    %dma_start3A_111 = tpu.memref_squeeze %dma_start3A_110 : memref<1x128xf32, #tpu.memory_space<vmem>> -> memref<128xf32, #tpu.memory_space<vmem>>
    %dma_start3A_112 = tpu.memref_slice %arg4[%multiple_of3A_89] : memref<426496xf32, #tpu.memory_space<hbm>> -> memref<128xf32, #tpu.memory_space<hbm>>
    %dma_start3A_113 = arith.constant 0 : i32
    %dma_start3A_114 = tpu.memref_slice %arg11[%dma_start3A_108, %dma_start3A_113] : memref<2x128xf32, #tpu.memory_space<vmem>> -> memref<1x128xf32, #tpu.memory_space<vmem>>
    %dma_start3A_115 = tpu.memref_squeeze %dma_start3A_114 : memref<1x128xf32, #tpu.memory_space<vmem>> -> memref<128xf32, #tpu.memory_space<vmem>>
    %dma_start3A_116 = tpu.memref_slice %arg4[%multiple_of3A_89] : memref<426496xf32, #tpu.memory_space<hbm>> -> memref<128xf32, #tpu.memory_space<hbm>>
    tpu.enqueue_dma source(%dma_start3A_116 : memref<128xf32, #tpu.memory_space<hbm>>) target(%dma_start3A_115 : memref<128xf32, #tpu.memory_space<vmem>>) target_semaphore(%arg15 : memref<!tpu.dma_semaphore, #tpu.memory_space<semaphore_mem>>)
    %dma_wait3A = arith.constant 0 : i32
    %dma_wait3A_117 = arith.constant 0 : i32
    %dma_wait3A_118 = tpu.memref_slice %arg9[%dma_wait3A, %dma_wait3A_117] : memref<2x128xi32, #tpu.memory_space<vmem>> -> memref<1x128xi32, #tpu.memory_space<vmem>>
    %dma_wait3A_119 = tpu.memref_squeeze %dma_wait3A_118 : memref<1x128xi32, #tpu.memory_space<vmem>> -> memref<128xi32, #tpu.memory_space<vmem>>
    %dma_wait3A_120 = arith.constant 0 : i32
    %dma_wait3A_121 = tpu.memref_slice %arg2[%dma_wait3A_120] : memref<426496xi32, #tpu.memory_space<hbm>> -> memref<128xi32, #tpu.memory_space<hbm>>
    %dma_wait3A_122 = arith.constant 0 : i32
    %dma_wait3A_123 = tpu.memref_slice %arg9[%dma_wait3A, %dma_wait3A_122] : memref<2x128xi32, #tpu.memory_space<vmem>> -> memref<1x128xi32, #tpu.memory_space<vmem>>
    %dma_wait3A_124 = tpu.memref_squeeze %dma_wait3A_123 : memref<1x128xi32, #tpu.memory_space<vmem>> -> memref<128xi32, #tpu.memory_space<vmem>>
    %dma_wait3A_125 = arith.constant 0 : i32
    %dma_wait3A_126 = tpu.memref_slice %arg2[%dma_wait3A_125] : memref<426496xi32, #tpu.memory_space<hbm>> -> memref<128xi32, #tpu.memory_space<hbm>>
    tpu.wait_dma2 semaphore(%arg14 : memref<!tpu.dma_semaphore, #tpu.memory_space<semaphore_mem>>) src(%dma_wait3A_126 : memref<128xi32, #tpu.memory_space<hbm>>) dst(%dma_wait3A_124 : memref<128xi32, #tpu.memory_space<vmem>>)
    %dma_wait3A_127 = arith.constant 0 : i32
    %dma_wait3A_128 = arith.constant 0 : i32
    %dma_wait3A_129 = tpu.memref_slice %arg10[%dma_wait3A_127, %dma_wait3A_128] : memref<2x128xi32, #tpu.memory_space<vmem>> -> memref<1x128xi32, #tpu.memory_space<vmem>>
    %dma_wait3A_130 = tpu.memref_squeeze %dma_wait3A_129 : memref<1x128xi32, #tpu.memory_space<vmem>> -> memref<128xi32, #tpu.memory_space<vmem>>
    %dma_wait3A_131 = arith.constant 0 : i32
    %dma_wait3A_132 = tpu.memref_slice %arg3[%dma_wait3A_131] : memref<426496xi32, #tpu.memory_space<hbm>> -> memref<128xi32, #tpu.memory_space<hbm>>
    %dma_wait3A_133 = arith.constant 0 : i32
    %dma_wait3A_134 = tpu.memref_slice %arg10[%dma_wait3A_127, %dma_wait3A_133] : memref<2x128xi32, #tpu.memory_space<vmem>> -> memref<1x128xi32, #tpu.memory_space<vmem>>
    %dma_wait3A_135 = tpu.memref_squeeze %dma_wait3A_134 : memref<1x128xi32, #tpu.memory_space<vmem>> -> memref<128xi32, #tpu.memory_space<vmem>>
    %dma_wait3A_136 = arith.constant 0 : i32
    %dma_wait3A_137 = tpu.memref_slice %arg3[%dma_wait3A_136] : memref<426496xi32, #tpu.memory_space<hbm>> -> memref<128xi32, #tpu.memory_space<hbm>>
    tpu.wait_dma2 semaphore(%arg14 : memref<!tpu.dma_semaphore, #tpu.memory_space<semaphore_mem>>) src(%dma_wait3A_137 : memref<128xi32, #tpu.memory_space<hbm>>) dst(%dma_wait3A_135 : memref<128xi32, #tpu.memory_space<vmem>>)
    %dma_wait3A_138 = arith.constant 0 : i32
    %dma_wait3A_139 = arith.constant 0 : i32
    %dma_wait3A_140 = tpu.memref_slice %arg11[%dma_wait3A_138, %dma_wait3A_139] : memref<2x128xf32, #tpu.memory_space<vmem>> -> memref<1x128xf32, #tpu.memory_space<vmem>>
    %dma_wait3A_141 = tpu.memref_squeeze %dma_wait3A_140 : memref<1x128xf32, #tpu.memory_space<vmem>> -> memref<128xf32, #tpu.memory_space<vmem>>
    %dma_wait3A_142 = arith.constant 0 : i32
    %dma_wait3A_143 = tpu.memref_slice %arg4[%dma_wait3A_142] : memref<426496xf32, #tpu.memory_space<hbm>> -> memref<128xf32, #tpu.memory_space<hbm>>
    %dma_wait3A_144 = arith.constant 0 : i32
    %dma_wait3A_145 = tpu.memref_slice %arg11[%dma_wait3A_138, %dma_wait3A_144] : memref<2x128xf32, #tpu.memory_space<vmem>> -> memref<1x128xf32, #tpu.memory_space<vmem>>
    %dma_wait3A_146 = tpu.memref_squeeze %dma_wait3A_145 : memref<1x128xf32, #tpu.memory_space<vmem>> -> memref<128xf32, #tpu.memory_space<vmem>>
    %dma_wait3A_147 = arith.constant 0 : i32
    %dma_wait3A_148 = tpu.memref_slice %arg4[%dma_wait3A_147] : memref<426496xf32, #tpu.memory_space<hbm>> -> memref<128xf32, #tpu.memory_space<hbm>>
    tpu.wait_dma2 semaphore(%arg14 : memref<!tpu.dma_semaphore, #tpu.memory_space<semaphore_mem>>) src(%dma_wait3A_148 : memref<128xf32, #tpu.memory_space<hbm>>) dst(%dma_wait3A_146 : memref<128xf32, #tpu.memory_space<vmem>>)
    %dma_start3A_149 = arith.constant 0 : i32
    %dma_start3A_150 = arith.constant 0 : i32
    %dma_start3A_151 = arith.constant 0 : i32
    %dma_start3A_152 = arith.constant 0 : i32
    %dma_start3A_153 = tpu.memref_slice %arg12[%dma_start3A_150, %dma_start3A_151, %dma_start3A_152] : memref<2x128x128xf32, #tpu.memory_space<vmem>> -> memref<1x32x128xf32, #tpu.memory_space<vmem>>
    %dma_start3A_154 = tpu.memref_squeeze %dma_start3A_153 : memref<1x32x128xf32, #tpu.memory_space<vmem>> -> memref<32x128xf32, #tpu.memory_space<vmem>>
    %dma_start3A_155 = arith.constant 0 : i32
    %dma_start3A_156 = tpu.memref_slice %arg9[%dma_start3A_149, %dma_start3A_155] : memref<2x128xi32, #tpu.memory_space<vmem>> -> memref<1x32xi32, #tpu.memory_space<vmem>>
    %dma_start3A_157 = tpu.memref_squeeze %dma_start3A_156 : memref<1x32xi32, #tpu.memory_space<vmem>> -> memref<32xi32, #tpu.memory_space<vmem>>
    %dma_start3A_158 = arith.constant 0 : i32
    %dma_start3A_159 = arith.constant 0 : i32
    %dma_start3A_160 = tpu.memref_slice %arg5[%dma_start3A_158, %dma_start3A_159] : memref<1048576x128xf32, #tpu.memory_space<hbm>> -> memref<1048576x128xf32, #tpu.memory_space<hbm>>
    tpu.enqueue_indirect_dma source(%dma_start3A_160 : memref<1048576x128xf32, #tpu.memory_space<hbm>>) target(%dma_start3A_154 : memref<32x128xf32, #tpu.memory_space<vmem>>) offsets(%dma_start3A_157 : memref<32xi32, #tpu.memory_space<vmem>>) semaphore(%arg16 : memref<!tpu.dma_semaphore, #tpu.memory_space<semaphore_mem>>)
    %dma_start3A_161 = arith.constant 0 : i32
    %dma_start3A_162 = arith.constant 0 : i32
    %dma_start3A_163 = arith.constant 32 : i32
    %dma_start3A_164 = arith.constant 0 : i32
    %dma_start3A_165 = tpu.memref_slice %arg12[%dma_start3A_162, %dma_start3A_163, %dma_start3A_164] : memref<2x128x128xf32, #tpu.memory_space<vmem>> -> memref<1x32x128xf32, #tpu.memory_space<vmem>>
    %dma_start3A_166 = tpu.memref_squeeze %dma_start3A_165 : memref<1x32x128xf32, #tpu.memory_space<vmem>> -> memref<32x128xf32, #tpu.memory_space<vmem>>
    %dma_start3A_167 = arith.constant 32 : i32
    %dma_start3A_168 = tpu.memref_slice %arg9[%dma_start3A_161, %dma_start3A_167] : memref<2x128xi32, #tpu.memory_space<vmem>> -> memref<1x32xi32, #tpu.memory_space<vmem>>
    %dma_start3A_169 = tpu.memref_squeeze %dma_start3A_168 : memref<1x32xi32, #tpu.memory_space<vmem>> -> memref<32xi32, #tpu.memory_space<vmem>>
    %dma_start3A_170 = arith.constant 0 : i32
    %dma_start3A_171 = arith.constant 0 : i32
    %dma_start3A_172 = tpu.memref_slice %arg5[%dma_start3A_170, %dma_start3A_171] : memref<1048576x128xf32, #tpu.memory_space<hbm>> -> memref<1048576x128xf32, #tpu.memory_space<hbm>>
    tpu.enqueue_indirect_dma source(%dma_start3A_172 : memref<1048576x128xf32, #tpu.memory_space<hbm>>) target(%dma_start3A_166 : memref<32x128xf32, #tpu.memory_space<vmem>>) offsets(%dma_start3A_169 : memref<32xi32, #tpu.memory_space<vmem>>) semaphore(%arg16 : memref<!tpu.dma_semaphore, #tpu.memory_space<semaphore_mem>>)
    %dma_start3A_173 = arith.constant 0 : i32
    %dma_start3A_174 = arith.constant 0 : i32
    %dma_start3A_175 = arith.constant 64 : i32
    %dma_start3A_176 = arith.constant 0 : i32
    %dma_start3A_177 = tpu.memref_slice %arg12[%dma_start3A_174, %dma_start3A_175, %dma_start3A_176] : memref<2x128x128xf32, #tpu.memory_space<vmem>> -> memref<1x32x128xf32, #tpu.memory_space<vmem>>
    %dma_start3A_178 = tpu.memref_squeeze %dma_start3A_177 : memref<1x32x128xf32, #tpu.memory_space<vmem>> -> memref<32x128xf32, #tpu.memory_space<vmem>>
    %dma_start3A_179 = arith.constant 64 : i32
    %dma_start3A_180 = tpu.memref_slice %arg9[%dma_start3A_173, %dma_start3A_179] : memref<2x128xi32, #tpu.memory_space<vmem>> -> memref<1x32xi32, #tpu.memory_space<vmem>>
    %dma_start3A_181 = tpu.memref_squeeze %dma_start3A_180 : memref<1x32xi32, #tpu.memory_space<vmem>> -> memref<32xi32, #tpu.memory_space<vmem>>
    %dma_start3A_182 = arith.constant 0 : i32
    %dma_start3A_183 = arith.constant 0 : i32
    %dma_start3A_184 = tpu.memref_slice %arg5[%dma_start3A_182, %dma_start3A_183] : memref<1048576x128xf32, #tpu.memory_space<hbm>> -> memref<1048576x128xf32, #tpu.memory_space<hbm>>
    tpu.enqueue_indirect_dma source(%dma_start3A_184 : memref<1048576x128xf32, #tpu.memory_space<hbm>>) target(%dma_start3A_178 : memref<32x128xf32, #tpu.memory_space<vmem>>) offsets(%dma_start3A_181 : memref<32xi32, #tpu.memory_space<vmem>>) semaphore(%arg16 : memref<!tpu.dma_semaphore, #tpu.memory_space<semaphore_mem>>)
    %dma_start3A_185 = arith.constant 0 : i32
    %dma_start3A_186 = arith.constant 0 : i32
    %dma_start3A_187 = arith.constant 96 : i32
    %dma_start3A_188 = arith.constant 0 : i32
    %dma_start3A_189 = tpu.memref_slice %arg12[%dma_start3A_186, %dma_start3A_187, %dma_start3A_188] : memref<2x128x128xf32, #tpu.memory_space<vmem>> -> memref<1x32x128xf32, #tpu.memory_space<vmem>>
    %dma_start3A_190 = tpu.memref_squeeze %dma_start3A_189 : memref<1x32x128xf32, #tpu.memory_space<vmem>> -> memref<32x128xf32, #tpu.memory_space<vmem>>
    %dma_start3A_191 = arith.constant 96 : i32
    %dma_start3A_192 = tpu.memref_slice %arg9[%dma_start3A_185, %dma_start3A_191] : memref<2x128xi32, #tpu.memory_space<vmem>> -> memref<1x32xi32, #tpu.memory_space<vmem>>
    %dma_start3A_193 = tpu.memref_squeeze %dma_start3A_192 : memref<1x32xi32, #tpu.memory_space<vmem>> -> memref<32xi32, #tpu.memory_space<vmem>>
    %dma_start3A_194 = arith.constant 0 : i32
    %dma_start3A_195 = arith.constant 0 : i32
    %dma_start3A_196 = tpu.memref_slice %arg5[%dma_start3A_194, %dma_start3A_195] : memref<1048576x128xf32, #tpu.memory_space<hbm>> -> memref<1048576x128xf32, #tpu.memory_space<hbm>>
    tpu.enqueue_indirect_dma source(%dma_start3A_196 : memref<1048576x128xf32, #tpu.memory_space<hbm>>) target(%dma_start3A_190 : memref<32x128xf32, #tpu.memory_space<vmem>>) offsets(%dma_start3A_193 : memref<32xi32, #tpu.memory_space<vmem>>) semaphore(%arg16 : memref<!tpu.dma_semaphore, #tpu.memory_space<semaphore_mem>>)
    %while3A = arith.constant 0 : i32
    %while3A_197 = arith.constant 0 : i32
    %while3A_198 = arith.subi %select_n3A_55, %while3A : i32
    %while3A_199 = arith.addi %while3A, %while3A_198 : i32
    %while3A_200 = arith.constant 1 : i32
    %while3A_201 = arith.divsi %while3A_198, %while3A_200 : i32
    %while3A_202 = arith.muli %while3A_201, %while3A_200 : i32
    %while3A_203 = arith.addi %while3A, %while3A_202 : i32
    %while3A_204 = arith.constant 1 : i32
    %while3A_205 = scf.for %while3A_291 = %while3A to %while3A_203 step %while3A_204 iter_args(%while3A_292 = %while3A_197) -> (i32)  : i32 {
      %mul3A_293 = arith.constant 2 : i32
      %mul3A_294 = arith.muli %mul3A_293, %while3A_291 : i32
      %dma_wait3A_295 = arith.constant 1 : i32
      %dma_wait3A_296 = arith.constant 0 : i32
      %dma_wait3A_297 = tpu.memref_slice %arg9[%dma_wait3A_295, %dma_wait3A_296] : memref<2x128xi32, #tpu.memory_space<vmem>> -> memref<1x128xi32, #tpu.memory_space<vmem>>
      %dma_wait3A_298 = tpu.memref_squeeze %dma_wait3A_297 : memref<1x128xi32, #tpu.memory_space<vmem>> -> memref<128xi32, #tpu.memory_space<vmem>>
      %dma_wait3A_299 = arith.constant 0 : i32
      %dma_wait3A_300 = tpu.memref_slice %arg2[%dma_wait3A_299] : memref<426496xi32, #tpu.memory_space<hbm>> -> memref<128xi32, #tpu.memory_space<hbm>>
      %dma_wait3A_301 = arith.constant 0 : i32
      %dma_wait3A_302 = tpu.memref_slice %arg9[%dma_wait3A_295, %dma_wait3A_301] : memref<2x128xi32, #tpu.memory_space<vmem>> -> memref<1x128xi32, #tpu.memory_space<vmem>>
      %dma_wait3A_303 = tpu.memref_squeeze %dma_wait3A_302 : memref<1x128xi32, #tpu.memory_space<vmem>> -> memref<128xi32, #tpu.memory_space<vmem>>
      %dma_wait3A_304 = arith.constant 0 : i32
      %dma_wait3A_305 = tpu.memref_slice %arg2[%dma_wait3A_304] : memref<426496xi32, #tpu.memory_space<hbm>> -> memref<128xi32, #tpu.memory_space<hbm>>
      tpu.wait_dma2 semaphore(%arg15 : memref<!tpu.dma_semaphore, #tpu.memory_space<semaphore_mem>>) src(%dma_wait3A_305 : memref<128xi32, #tpu.memory_space<hbm>>) dst(%dma_wait3A_303 : memref<128xi32, #tpu.memory_space<vmem>>)
      %dma_wait3A_306 = arith.constant 1 : i32
      %dma_wait3A_307 = arith.constant 0 : i32
      %dma_wait3A_308 = tpu.memref_slice %arg10[%dma_wait3A_306, %dma_wait3A_307] : memref<2x128xi32, #tpu.memory_space<vmem>> -> memref<1x128xi32, #tpu.memory_space<vmem>>
      %dma_wait3A_309 = tpu.memref_squeeze %dma_wait3A_308 : memref<1x128xi32, #tpu.memory_space<vmem>> -> memref<128xi32, #tpu.memory_space<vmem>>
      %dma_wait3A_310 = arith.constant 0 : i32
      %dma_wait3A_311 = tpu.memref_slice %arg3[%dma_wait3A_310] : memref<426496xi32, #tpu.memory_space<hbm>> -> memref<128xi32, #tpu.memory_space<hbm>>
      %dma_wait3A_312 = arith.constant 0 : i32
      %dma_wait3A_313 = tpu.memref_slice %arg10[%dma_wait3A_306, %dma_wait3A_312] : memref<2x128xi32, #tpu.memory_space<vmem>> -> memref<1x128xi32, #tpu.memory_space<vmem>>
      %dma_wait3A_314 = tpu.memref_squeeze %dma_wait3A_313 : memref<1x128xi32, #tpu.memory_space<vmem>> -> memref<128xi32, #tpu.memory_space<vmem>>
      %dma_wait3A_315 = arith.constant 0 : i32
      %dma_wait3A_316 = tpu.memref_slice %arg3[%dma_wait3A_315] : memref<426496xi32, #tpu.memory_space<hbm>> -> memref<128xi32, #tpu.memory_space<hbm>>
      tpu.wait_dma2 semaphore(%arg15 : memref<!tpu.dma_semaphore, #tpu.memory_space<semaphore_mem>>) src(%dma_wait3A_316 : memref<128xi32, #tpu.memory_space<hbm>>) dst(%dma_wait3A_314 : memref<128xi32, #tpu.memory_space<vmem>>)
      %dma_wait3A_317 = arith.constant 1 : i32
      %dma_wait3A_318 = arith.constant 0 : i32
      %dma_wait3A_319 = tpu.memref_slice %arg11[%dma_wait3A_317, %dma_wait3A_318] : memref<2x128xf32, #tpu.memory_space<vmem>> -> memref<1x128xf32, #tpu.memory_space<vmem>>
      %dma_wait3A_320 = tpu.memref_squeeze %dma_wait3A_319 : memref<1x128xf32, #tpu.memory_space<vmem>> -> memref<128xf32, #tpu.memory_space<vmem>>
      %dma_wait3A_321 = arith.constant 0 : i32
      %dma_wait3A_322 = tpu.memref_slice %arg4[%dma_wait3A_321] : memref<426496xf32, #tpu.memory_space<hbm>> -> memref<128xf32, #tpu.memory_space<hbm>>
      %dma_wait3A_323 = arith.constant 0 : i32
      %dma_wait3A_324 = tpu.memref_slice %arg11[%dma_wait3A_317, %dma_wait3A_323] : memref<2x128xf32, #tpu.memory_space<vmem>> -> memref<1x128xf32, #tpu.memory_space<vmem>>
      %dma_wait3A_325 = tpu.memref_squeeze %dma_wait3A_324 : memref<1x128xf32, #tpu.memory_space<vmem>> -> memref<128xf32, #tpu.memory_space<vmem>>
      %dma_wait3A_326 = arith.constant 0 : i32
      %dma_wait3A_327 = tpu.memref_slice %arg4[%dma_wait3A_326] : memref<426496xf32, #tpu.memory_space<hbm>> -> memref<128xf32, #tpu.memory_space<hbm>>
      tpu.wait_dma2 semaphore(%arg15 : memref<!tpu.dma_semaphore, #tpu.memory_space<semaphore_mem>>) src(%dma_wait3A_327 : memref<128xf32, #tpu.memory_space<hbm>>) dst(%dma_wait3A_325 : memref<128xf32, #tpu.memory_space<vmem>>)
      %dma_start3A_328 = arith.constant 1 : i32
      %dma_start3A_329 = arith.constant 1 : i32
      %dma_start3A_330 = arith.constant 0 : i32
      %dma_start3A_331 = arith.constant 0 : i32
      %dma_start3A_332 = tpu.memref_slice %arg12[%dma_start3A_329, %dma_start3A_330, %dma_start3A_331] : memref<2x128x128xf32, #tpu.memory_space<vmem>> -> memref<1x32x128xf32, #tpu.memory_space<vmem>>
      %dma_start3A_333 = tpu.memref_squeeze %dma_start3A_332 : memref<1x32x128xf32, #tpu.memory_space<vmem>> -> memref<32x128xf32, #tpu.memory_space<vmem>>
      %dma_start3A_334 = arith.constant 0 : i32
      %dma_start3A_335 = tpu.memref_slice %arg9[%dma_start3A_328, %dma_start3A_334] : memref<2x128xi32, #tpu.memory_space<vmem>> -> memref<1x32xi32, #tpu.memory_space<vmem>>
      %dma_start3A_336 = tpu.memref_squeeze %dma_start3A_335 : memref<1x32xi32, #tpu.memory_space<vmem>> -> memref<32xi32, #tpu.memory_space<vmem>>
      %dma_start3A_337 = arith.constant 0 : i32
      %dma_start3A_338 = arith.constant 0 : i32
      %dma_start3A_339 = tpu.memref_slice %arg5[%dma_start3A_337, %dma_start3A_338] : memref<1048576x128xf32, #tpu.memory_space<hbm>> -> memref<1048576x128xf32, #tpu.memory_space<hbm>>
      tpu.enqueue_indirect_dma source(%dma_start3A_339 : memref<1048576x128xf32, #tpu.memory_space<hbm>>) target(%dma_start3A_333 : memref<32x128xf32, #tpu.memory_space<vmem>>) offsets(%dma_start3A_336 : memref<32xi32, #tpu.memory_space<vmem>>) semaphore(%arg17 : memref<!tpu.dma_semaphore, #tpu.memory_space<semaphore_mem>>)
      %dma_start3A_340 = arith.constant 1 : i32
      %dma_start3A_341 = arith.constant 1 : i32
      %dma_start3A_342 = arith.constant 32 : i32
      %dma_start3A_343 = arith.constant 0 : i32
      %dma_start3A_344 = tpu.memref_slice %arg12[%dma_start3A_341, %dma_start3A_342, %dma_start3A_343] : memref<2x128x128xf32, #tpu.memory_space<vmem>> -> memref<1x32x128xf32, #tpu.memory_space<vmem>>
      %dma_start3A_345 = tpu.memref_squeeze %dma_start3A_344 : memref<1x32x128xf32, #tpu.memory_space<vmem>> -> memref<32x128xf32, #tpu.memory_space<vmem>>
      %dma_start3A_346 = arith.constant 32 : i32
      %dma_start3A_347 = tpu.memref_slice %arg9[%dma_start3A_340, %dma_start3A_346] : memref<2x128xi32, #tpu.memory_space<vmem>> -> memref<1x32xi32, #tpu.memory_space<vmem>>
      %dma_start3A_348 = tpu.memref_squeeze %dma_start3A_347 : memref<1x32xi32, #tpu.memory_space<vmem>> -> memref<32xi32, #tpu.memory_space<vmem>>
      %dma_start3A_349 = arith.constant 0 : i32
      %dma_start3A_350 = arith.constant 0 : i32
      %dma_start3A_351 = tpu.memref_slice %arg5[%dma_start3A_349, %dma_start3A_350] : memref<1048576x128xf32, #tpu.memory_space<hbm>> -> memref<1048576x128xf32, #tpu.memory_space<hbm>>
      tpu.enqueue_indirect_dma source(%dma_start3A_351 : memref<1048576x128xf32, #tpu.memory_space<hbm>>) target(%dma_start3A_345 : memref<32x128xf32, #tpu.memory_space<vmem>>) offsets(%dma_start3A_348 : memref<32xi32, #tpu.memory_space<vmem>>) semaphore(%arg17 : memref<!tpu.dma_semaphore, #tpu.memory_space<semaphore_mem>>)
      %dma_start3A_352 = arith.constant 1 : i32
      %dma_start3A_353 = arith.constant 1 : i32
      %dma_start3A_354 = arith.constant 64 : i32
      %dma_start3A_355 = arith.constant 0 : i32
      %dma_start3A_356 = tpu.memref_slice %arg12[%dma_start3A_353, %dma_start3A_354, %dma_start3A_355] : memref<2x128x128xf32, #tpu.memory_space<vmem>> -> memref<1x32x128xf32, #tpu.memory_space<vmem>>
      %dma_start3A_357 = tpu.memref_squeeze %dma_start3A_356 : memref<1x32x128xf32, #tpu.memory_space<vmem>> -> memref<32x128xf32, #tpu.memory_space<vmem>>
      %dma_start3A_358 = arith.constant 64 : i32
      %dma_start3A_359 = tpu.memref_slice %arg9[%dma_start3A_352, %dma_start3A_358] : memref<2x128xi32, #tpu.memory_space<vmem>> -> memref<1x32xi32, #tpu.memory_space<vmem>>
      %dma_start3A_360 = tpu.memref_squeeze %dma_start3A_359 : memref<1x32xi32, #tpu.memory_space<vmem>> -> memref<32xi32, #tpu.memory_space<vmem>>
      %dma_start3A_361 = arith.constant 0 : i32
      %dma_start3A_362 = arith.constant 0 : i32
      %dma_start3A_363 = tpu.memref_slice %arg5[%dma_start3A_361, %dma_start3A_362] : memref<1048576x128xf32, #tpu.memory_space<hbm>> -> memref<1048576x128xf32, #tpu.memory_space<hbm>>
      tpu.enqueue_indirect_dma source(%dma_start3A_363 : memref<1048576x128xf32, #tpu.memory_space<hbm>>) target(%dma_start3A_357 : memref<32x128xf32, #tpu.memory_space<vmem>>) offsets(%dma_start3A_360 : memref<32xi32, #tpu.memory_space<vmem>>) semaphore(%arg17 : memref<!tpu.dma_semaphore, #tpu.memory_space<semaphore_mem>>)
      %dma_start3A_364 = arith.constant 1 : i32
      %dma_start3A_365 = arith.constant 1 : i32
      %dma_start3A_366 = arith.constant 96 : i32
      %dma_start3A_367 = arith.constant 0 : i32
      %dma_start3A_368 = tpu.memref_slice %arg12[%dma_start3A_365, %dma_start3A_366, %dma_start3A_367] : memref<2x128x128xf32, #tpu.memory_space<vmem>> -> memref<1x32x128xf32, #tpu.memory_space<vmem>>
      %dma_start3A_369 = tpu.memref_squeeze %dma_start3A_368 : memref<1x32x128xf32, #tpu.memory_space<vmem>> -> memref<32x128xf32, #tpu.memory_space<vmem>>
      %dma_start3A_370 = arith.constant 96 : i32
      %dma_start3A_371 = tpu.memref_slice %arg9[%dma_start3A_364, %dma_start3A_370] : memref<2x128xi32, #tpu.memory_space<vmem>> -> memref<1x32xi32, #tpu.memory_space<vmem>>
      %dma_start3A_372 = tpu.memref_squeeze %dma_start3A_371 : memref<1x32xi32, #tpu.memory_space<vmem>> -> memref<32xi32, #tpu.memory_space<vmem>>
      %dma_start3A_373 = arith.constant 0 : i32
      %dma_start3A_374 = arith.constant 0 : i32
      %dma_start3A_375 = tpu.memref_slice %arg5[%dma_start3A_373, %dma_start3A_374] : memref<1048576x128xf32, #tpu.memory_space<hbm>> -> memref<1048576x128xf32, #tpu.memory_space<hbm>>
      tpu.enqueue_indirect_dma source(%dma_start3A_375 : memref<1048576x128xf32, #tpu.memory_space<hbm>>) target(%dma_start3A_369 : memref<32x128xf32, #tpu.memory_space<vmem>>) offsets(%dma_start3A_372 : memref<32xi32, #tpu.memory_space<vmem>>) semaphore(%arg17 : memref<!tpu.dma_semaphore, #tpu.memory_space<semaphore_mem>>)
      %dma_wait3A_376 = arith.constant 0 : i32
      %dma_wait3A_377 = arith.constant 0 : i32
      %dma_wait3A_378 = arith.constant 0 : i32
      %dma_wait3A_379 = arith.constant 0 : i32
      %dma_wait3A_380 = tpu.memref_slice %arg12[%dma_wait3A_377, %dma_wait3A_378, %dma_wait3A_379] : memref<2x128x128xf32, #tpu.memory_space<vmem>> -> memref<1x32x128xf32, #tpu.memory_space<vmem>>
      %dma_wait3A_381 = tpu.memref_squeeze %dma_wait3A_380 : memref<1x32x128xf32, #tpu.memory_space<vmem>> -> memref<32x128xf32, #tpu.memory_space<vmem>>
      %dma_wait3A_382 = arith.constant 0 : i32
      %dma_wait3A_383 = tpu.memref_slice %arg9[%dma_wait3A_376, %dma_wait3A_382] : memref<2x128xi32, #tpu.memory_space<vmem>> -> memref<1x32xi32, #tpu.memory_space<vmem>>
      %dma_wait3A_384 = tpu.memref_squeeze %dma_wait3A_383 : memref<1x32xi32, #tpu.memory_space<vmem>> -> memref<32xi32, #tpu.memory_space<vmem>>
      %dma_wait3A_385 = arith.constant 0 : i32
      %dma_wait3A_386 = arith.constant 0 : i32
      %dma_wait3A_387 = tpu.memref_slice %arg5[%dma_wait3A_385, %dma_wait3A_386] : memref<1048576x128xf32, #tpu.memory_space<hbm>> -> memref<1048576x128xf32, #tpu.memory_space<hbm>>
      tpu.wait_indirect_dma semaphore(%arg16 : memref<!tpu.dma_semaphore, #tpu.memory_space<semaphore_mem>>) src(%dma_wait3A_387 : memref<1048576x128xf32, #tpu.memory_space<hbm>>) dst(%dma_wait3A_381 : memref<32x128xf32, #tpu.memory_space<vmem>>)
      %dma_wait3A_388 = arith.constant 0 : i32
      %dma_wait3A_389 = arith.constant 0 : i32
      %dma_wait3A_390 = arith.constant 32 : i32
      %dma_wait3A_391 = arith.constant 0 : i32
      %dma_wait3A_392 = tpu.memref_slice %arg12[%dma_wait3A_389, %dma_wait3A_390, %dma_wait3A_391] : memref<2x128x128xf32, #tpu.memory_space<vmem>> -> memref<1x32x128xf32, #tpu.memory_space<vmem>>
      %dma_wait3A_393 = tpu.memref_squeeze %dma_wait3A_392 : memref<1x32x128xf32, #tpu.memory_space<vmem>> -> memref<32x128xf32, #tpu.memory_space<vmem>>
      %dma_wait3A_394 = arith.constant 32 : i32
      %dma_wait3A_395 = tpu.memref_slice %arg9[%dma_wait3A_388, %dma_wait3A_394] : memref<2x128xi32, #tpu.memory_space<vmem>> -> memref<1x32xi32, #tpu.memory_space<vmem>>
      %dma_wait3A_396 = tpu.memref_squeeze %dma_wait3A_395 : memref<1x32xi32, #tpu.memory_space<vmem>> -> memref<32xi32, #tpu.memory_space<vmem>>
      %dma_wait3A_397 = arith.constant 0 : i32
      %dma_wait3A_398 = arith.constant 0 : i32
      %dma_wait3A_399 = tpu.memref_slice %arg5[%dma_wait3A_397, %dma_wait3A_398] : memref<1048576x128xf32, #tpu.memory_space<hbm>> -> memref<1048576x128xf32, #tpu.memory_space<hbm>>
      tpu.wait_indirect_dma semaphore(%arg16 : memref<!tpu.dma_semaphore, #tpu.memory_space<semaphore_mem>>) src(%dma_wait3A_399 : memref<1048576x128xf32, #tpu.memory_space<hbm>>) dst(%dma_wait3A_393 : memref<32x128xf32, #tpu.memory_space<vmem>>)
      %dma_wait3A_400 = arith.constant 0 : i32
      %dma_wait3A_401 = arith.constant 0 : i32
      %dma_wait3A_402 = arith.constant 64 : i32
      %dma_wait3A_403 = arith.constant 0 : i32
      %dma_wait3A_404 = tpu.memref_slice %arg12[%dma_wait3A_401, %dma_wait3A_402, %dma_wait3A_403] : memref<2x128x128xf32, #tpu.memory_space<vmem>> -> memref<1x32x128xf32, #tpu.memory_space<vmem>>
      %dma_wait3A_405 = tpu.memref_squeeze %dma_wait3A_404 : memref<1x32x128xf32, #tpu.memory_space<vmem>> -> memref<32x128xf32, #tpu.memory_space<vmem>>
      %dma_wait3A_406 = arith.constant 64 : i32
      %dma_wait3A_407 = tpu.memref_slice %arg9[%dma_wait3A_400, %dma_wait3A_406] : memref<2x128xi32, #tpu.memory_space<vmem>> -> memref<1x32xi32, #tpu.memory_space<vmem>>
      %dma_wait3A_408 = tpu.memref_squeeze %dma_wait3A_407 : memref<1x32xi32, #tpu.memory_space<vmem>> -> memref<32xi32, #tpu.memory_space<vmem>>
      %dma_wait3A_409 = arith.constant 0 : i32
      %dma_wait3A_410 = arith.constant 0 : i32
      %dma_wait3A_411 = tpu.memref_slice %arg5[%dma_wait3A_409, %dma_wait3A_410] : memref<1048576x128xf32, #tpu.memory_space<hbm>> -> memref<1048576x128xf32, #tpu.memory_space<hbm>>
      tpu.wait_indirect_dma semaphore(%arg16 : memref<!tpu.dma_semaphore, #tpu.memory_space<semaphore_mem>>) src(%dma_wait3A_411 : memref<1048576x128xf32, #tpu.memory_space<hbm>>) dst(%dma_wait3A_405 : memref<32x128xf32, #tpu.memory_space<vmem>>)
      %dma_wait3A_412 = arith.constant 0 : i32
      %dma_wait3A_413 = arith.constant 0 : i32
      %dma_wait3A_414 = arith.constant 96 : i32
      %dma_wait3A_415 = arith.constant 0 : i32
      %dma_wait3A_416 = tpu.memref_slice %arg12[%dma_wait3A_413, %dma_wait3A_414, %dma_wait3A_415] : memref<2x128x128xf32, #tpu.memory_space<vmem>> -> memref<1x32x128xf32, #tpu.memory_space<vmem>>
      %dma_wait3A_417 = tpu.memref_squeeze %dma_wait3A_416 : memref<1x32x128xf32, #tpu.memory_space<vmem>> -> memref<32x128xf32, #tpu.memory_space<vmem>>
      %dma_wait3A_418 = arith.constant 96 : i32
      %dma_wait3A_419 = tpu.memref_slice %arg9[%dma_wait3A_412, %dma_wait3A_418] : memref<2x128xi32, #tpu.memory_space<vmem>> -> memref<1x32xi32, #tpu.memory_space<vmem>>
      %dma_wait3A_420 = tpu.memref_squeeze %dma_wait3A_419 : memref<1x32xi32, #tpu.memory_space<vmem>> -> memref<32xi32, #tpu.memory_space<vmem>>
      %dma_wait3A_421 = arith.constant 0 : i32
      %dma_wait3A_422 = arith.constant 0 : i32
      %dma_wait3A_423 = tpu.memref_slice %arg5[%dma_wait3A_421, %dma_wait3A_422] : memref<1048576x128xf32, #tpu.memory_space<hbm>> -> memref<1048576x128xf32, #tpu.memory_space<hbm>>
      tpu.wait_indirect_dma semaphore(%arg16 : memref<!tpu.dma_semaphore, #tpu.memory_space<semaphore_mem>>) src(%dma_wait3A_423 : memref<1048576x128xf32, #tpu.memory_space<hbm>>) dst(%dma_wait3A_417 : memref<32x128xf32, #tpu.memory_space<vmem>>)
      %mul3A_424 = arith.constant 128 : i32
      %mul3A_425 = arith.muli %mul3A_294, %mul3A_424 : i32
      %add3A_426 = arith.addi %sub3A, %mul3A_425 : i32
      %multiple_of3A_427 = tpu.assume_multiple %add3A_426, 8 : i32
      %parallel_loop3A_428 = arith.constant 0 : i32
      %parallel_loop3A_429 = arith.constant 8 : i32
      %parallel_loop3A_430 = arith.constant 1 : i32
      scf.for %parallel_loop3A_681 = %parallel_loop3A_428 to %parallel_loop3A_429 step %parallel_loop3A_430  : i32 {
        %parallel_loop3A_682 = arith.constant 16 : i32
        %parallel_loop3A_683 = arith.muli %parallel_loop3A_681, %parallel_loop3A_682 : i32
        %parallel_loop3A_684 = arith.constant 16 : i32
        %parallel_loop3A_685 = arith.muli %parallel_loop3A_681, %parallel_loop3A_684 : i32
        %parallel_loop3A_686 = arith.addi %multiple_of3A_427, %parallel_loop3A_685 : i32
        %parallel_loop3A_687 = vector.broadcast %parallel_loop3A_686 : i32 to vector<16xi32>
        %parallel_loop3A_688 = arith.addi %parallel_loop3A_687, %iota3A : vector<16xi32>
        %parallel_loop3A_689 = arith.constant 0 : i32
        %parallel_loop3A_690 = arith.index_cast %parallel_loop3A_689 : i32 to index
        %parallel_loop3A_691 = arith.index_cast %parallel_loop3A_683 : i32 to index
        %parallel_loop3A_692 = tpu.vector_load %arg10[%parallel_loop3A_690, %parallel_loop3A_691] {strides = array<i32>} : memref<2x128xi32, #tpu.memory_space<vmem>>, vector<16xi32>,
        %parallel_loop3A_693 = vector.broadcast %mul3A_2 : i32 to vector<16xi32>
        %parallel_loop3A_694 = arith.subi %parallel_loop3A_692, %parallel_loop3A_693 : vector<16xi32>
        %parallel_loop3A_695 = arith.constant 0 : i32
        %parallel_loop3A_696 = arith.constant 511 : i32
        %parallel_loop3A_697 = vector.broadcast %parallel_loop3A_695 : i32 to vector<16xi32>
        %parallel_loop3A_698 = arith.maxsi %parallel_loop3A_697, %parallel_loop3A_694 : vector<16xi32>
        %parallel_loop3A_699 = vector.broadcast %parallel_loop3A_696 : i32 to vector<16xi32>
        %parallel_loop3A_700 = arith.minsi %parallel_loop3A_699, %parallel_loop3A_698 : vector<16xi32>
        %parallel_loop3A_701 = arith.constant 128 : i32
        %parallel_loop3A_702 = vector.broadcast %parallel_loop3A_701 : i32 to vector<16xi32>
        %parallel_loop3A_703 = arith.muli %parallel_loop3A_700, %parallel_loop3A_702 : vector<16xi32>
        %parallel_loop3A_704 = arith.constant 0 : i32
        %parallel_loop3A_705 = arith.index_cast %parallel_loop3A_704 : i32 to index
        %parallel_loop3A_706 = arith.index_cast %parallel_loop3A_683 : i32 to index
        %parallel_loop3A_707 = tpu.vector_load %arg10[%parallel_loop3A_705, %parallel_loop3A_706] {strides = array<i32>} : memref<2x128xi32, #tpu.memory_space<vmem>>, vector<16xi32>,
        tpu.vector_store %arg10[%parallel_loop3A_705, %parallel_loop3A_706], %parallel_loop3A_703 {strides = array<i32>} : memref<2x128xi32, #tpu.memory_space<vmem>>, vector<16xi32>,
        %parallel_loop3A_708 = arith.constant 0 : i32
        %parallel_loop3A_709 = arith.index_cast %parallel_loop3A_708 : i32 to index
        %parallel_loop3A_710 = arith.index_cast %parallel_loop3A_683 : i32 to index
        %parallel_loop3A_711 = tpu.vector_load %arg11[%parallel_loop3A_709, %parallel_loop3A_710] {strides = array<i32>} : memref<2x128xf32, #tpu.memory_space<vmem>>, vector<16xf32>,
        %parallel_loop3A_712 = vector.broadcast %squeeze3A : i32 to vector<16xi32>
        %parallel_loop3A_713 = arith.cmpi sge, %parallel_loop3A_688, %parallel_loop3A_712 : vector<16xi32>
        %parallel_loop3A_714 = vector.broadcast %squeeze3A_5 : i32 to vector<16xi32>
        %parallel_loop3A_715 = arith.cmpi slt, %parallel_loop3A_688, %parallel_loop3A_714 : vector<16xi32>
        %parallel_loop3A_716 = arith.andi %parallel_loop3A_713, %parallel_loop3A_715 : vector<16xi1>
        %parallel_loop3A_717 = arith.constant 0.000000e+00 : f32
        %parallel_loop3A_718 = vector.broadcast %parallel_loop3A_717 : f32 to vector<16xf32>
        %parallel_loop3A_719 = arith.select %parallel_loop3A_716, %parallel_loop3A_711, %parallel_loop3A_718 : vector<16xi1>, vector<16xf32>
        %parallel_loop3A_720 = arith.constant 0 : i32
        %parallel_loop3A_721 = arith.index_cast %parallel_loop3A_720 : i32 to index
        %parallel_loop3A_722 = arith.index_cast %parallel_loop3A_683 : i32 to index
        %parallel_loop3A_723 = tpu.vector_load %arg11[%parallel_loop3A_721, %parallel_loop3A_722] {strides = array<i32>} : memref<2x128xf32, #tpu.memory_space<vmem>>, vector<16xf32>,
        tpu.vector_store %arg11[%parallel_loop3A_721, %parallel_loop3A_722], %parallel_loop3A_719 {strides = array<i32>} : memref<2x128xf32, #tpu.memory_space<vmem>>, vector<16xf32>,
      } {sc.loop_unroll_factor = 2 : i64, sc.parallel_access}
      %broadcast_in_dim3A_431 = arith.constant 0.000000e+00 : f32
      %broadcast_in_dim3A_432 = vector.broadcast %broadcast_in_dim3A_431 : f32 to vector<16xf32>
      %parallel_loop3A_433 = arith.constant 0 : i32
      %parallel_loop3A_434 = arith.constant 128 : i32
      %parallel_loop3A_435 = arith.constant 1 : i32
      %parallel_loop3A_436 = arith.constant -1 : i32
      %parallel_loop3A_437:10 = scf.for %parallel_loop3A_681 = %parallel_loop3A_433 to %parallel_loop3A_434 step %parallel_loop3A_435 iter_args(%parallel_loop3A_682 = %iota3A, %parallel_loop3A_683 = %parallel_loop3A_436, %parallel_loop3A_684 = %broadcast_in_dim3A_432, %parallel_loop3A_685 = %broadcast_in_dim3A_432, %parallel_loop3A_686 = %broadcast_in_dim3A_432, %parallel_loop3A_687 = %broadcast_in_dim3A_432, %parallel_loop3A_688 = %broadcast_in_dim3A_432, %parallel_loop3A_689 = %broadcast_in_dim3A_432, %parallel_loop3A_690 = %broadcast_in_dim3A_432, %parallel_loop3A_691 = %broadcast_in_dim3A_432) -> (vector<16xi32>, i32, vector<16xf32>, vector<16xf32>, vector<16xf32>, vector<16xf32>, vector<16xf32>, vector<16xf32>, vector<16xf32>, vector<16xf32>)  : i32 {
        %parallel_loop3A_692 = arith.constant 16 : i32
        %parallel_loop3A_693 = arith.divsi %parallel_loop3A_681, %parallel_loop3A_692 : i32
        %parallel_loop3A_694 = arith.constant 0 : i32
        %parallel_loop3A_695 = arith.cmpi sgt, %parallel_loop3A_681, %parallel_loop3A_694 : i32
        %parallel_loop3A_696 = arith.extui %parallel_loop3A_695 : i1 to i32
        %parallel_loop3A_697 = arith.constant 0 : i32
        %parallel_loop3A_698 = arith.cmpi slt, %parallel_loop3A_681, %parallel_loop3A_697 : i32
        %parallel_loop3A_699 = arith.extui %parallel_loop3A_698 : i1 to i32
        %parallel_loop3A_700 = arith.subi %parallel_loop3A_696, %parallel_loop3A_699 : i32
        %parallel_loop3A_701 = arith.constant 0 : i32
        %parallel_loop3A_702 = arith.cmpi sgt, %parallel_loop3A_692, %parallel_loop3A_701 : i32
        %parallel_loop3A_703 = arith.extui %parallel_loop3A_702 : i1 to i32
        %parallel_loop3A_704 = arith.constant 0 : i32
        %parallel_loop3A_705 = arith.cmpi slt, %parallel_loop3A_692, %parallel_loop3A_704 : i32
        %parallel_loop3A_706 = arith.extui %parallel_loop3A_705 : i1 to i32
        %parallel_loop3A_707 = arith.subi %parallel_loop3A_703, %parallel_loop3A_706 : i32
        %parallel_loop3A_708 = arith.cmpi ne, %parallel_loop3A_700, %parallel_loop3A_707 : i32
        %parallel_loop3A_709 = arith.remsi %parallel_loop3A_681, %parallel_loop3A_692 : i32
        %parallel_loop3A_710 = arith.constant 0 : i32
        %parallel_loop3A_711 = arith.cmpi ne, %parallel_loop3A_709, %parallel_loop3A_710 : i32
        %parallel_loop3A_712 = arith.andi %parallel_loop3A_708, %parallel_loop3A_711 : i1
        %parallel_loop3A_713 = arith.constant 1 : i32
        %parallel_loop3A_714 = arith.subi %parallel_loop3A_693, %parallel_loop3A_713 : i32
        %parallel_loop3A_715 = arith.select %parallel_loop3A_712, %parallel_loop3A_714, %parallel_loop3A_693 : i32
        %parallel_loop3A_716 = arith.constant 16 : i32
        %parallel_loop3A_717 = arith.muli %parallel_loop3A_715, %parallel_loop3A_716 : i32
        %parallel_loop3A_718 = arith.constant 0 : i32
        %parallel_loop3A_719 = vector.broadcast %parallel_loop3A_718 : i32 to vector<16xi32>
        %parallel_loop3A_720 = arith.subi %parallel_loop3A_681, %parallel_loop3A_717 : i32
        %parallel_loop3A_721 = vector.broadcast %parallel_loop3A_720 : i32 to vector<16xi32>
        %parallel_loop3A_722 = arith.addi %parallel_loop3A_719, %parallel_loop3A_721 : vector<16xi32>
        %parallel_loop3A_723 = arith.constant 0 : i32
        %parallel_loop3A_724 = arith.index_cast %parallel_loop3A_723 : i32 to index
        %parallel_loop3A_725 = arith.index_cast %parallel_loop3A_717 : i32 to index
        %parallel_loop3A_726 = tpu.vector_load %arg10[%parallel_loop3A_724, %parallel_loop3A_725] {strides = array<i32>} : memref<2x128xi32, #tpu.memory_space<vmem>>, vector<16xi32>,
        %parallel_loop3A_727 = arith.constant 0 : i32
        %parallel_loop3A_728 = arith.index_cast %parallel_loop3A_727 : i32 to index
        %parallel_loop3A_729 = arith.index_cast %parallel_loop3A_717 : i32 to index
        %parallel_loop3A_730 = tpu.vector_load %arg11[%parallel_loop3A_728, %parallel_loop3A_729] {strides = array<i32>} : memref<2x128xf32, #tpu.memory_space<vmem>>, vector<16xf32>,
        %parallel_loop3A_731 = arith.constant 0 : i32
        %parallel_loop3A_732 = vector.broadcast %parallel_loop3A_731 : i32 to vector<16xi32>
        %parallel_loop3A_733 = arith.cmpi slt, %parallel_loop3A_722, %parallel_loop3A_732 : vector<16xi32>
        %parallel_loop3A_734 = arith.constant 16 : i32
        %parallel_loop3A_735 = vector.broadcast %parallel_loop3A_734 : i32 to vector<16xi32>
        %parallel_loop3A_736 = arith.addi %parallel_loop3A_722, %parallel_loop3A_735 : vector<16xi32>
        %parallel_loop3A_737 = arith.select %parallel_loop3A_733, %parallel_loop3A_736, %parallel_loop3A_722 : vector<16xi1>, vector<16xi32>
        %parallel_loop3A_738 = vector.shape_cast %parallel_loop3A_737 : vector<16xi32> to vector<16x1xi32>
        %parallel_loop3A_739 = vector.shape_cast %parallel_loop3A_738 : vector<16x1xi32> to vector<16xi32>
        %parallel_loop3A_740 = tpu.dynamic_gather %parallel_loop3A_726[%parallel_loop3A_739] in [0] : vector<16xi32>, vector<16xi32> -> vector<16xi32>
        %parallel_loop3A_741 = arith.addi %parallel_loop3A_740, %iota3A : vector<16xi32>
        %parallel_loop3A_742 = arith.constant 0 : i32
        %parallel_loop3A_743 = vector.broadcast %parallel_loop3A_742 : i32 to vector<16xi32>
        %parallel_loop3A_744 = arith.cmpi slt, %parallel_loop3A_722, %parallel_loop3A_743 : vector<16xi32>
        %parallel_loop3A_745 = arith.constant 16 : i32
        %parallel_loop3A_746 = vector.broadcast %parallel_loop3A_745 : i32 to vector<16xi32>
        %parallel_loop3A_747 = arith.addi %parallel_loop3A_722, %parallel_loop3A_746 : vector<16xi32>
        %parallel_loop3A_748 = arith.select %parallel_loop3A_744, %parallel_loop3A_747, %parallel_loop3A_722 : vector<16xi1>, vector<16xi32>
        %parallel_loop3A_749 = vector.shape_cast %parallel_loop3A_748 : vector<16xi32> to vector<16x1xi32>
        %parallel_loop3A_750 = vector.shape_cast %parallel_loop3A_749 : vector<16x1xi32> to vector<16xi32>
        %parallel_loop3A_751 = tpu.dynamic_gather %parallel_loop3A_730[%parallel_loop3A_750] in [0] : vector<16xf32>, vector<16xi32> -> vector<16xf32>
        %parallel_loop3A_752 = arith.constant 0 : i32
        %parallel_loop3A_753 = arith.index_cast %parallel_loop3A_752 : i32 to index
        %parallel_loop3A_754 = arith.index_cast %parallel_loop3A_681 : i32 to index
        %parallel_loop3A_755 = arith.constant 0 : index
        %parallel_loop3A_756 = tpu.vector_load %arg12[%parallel_loop3A_753, %parallel_loop3A_754, %parallel_loop3A_755] {strides = array<i32>} : memref<2x128x128xf32, #tpu.memory_space<vmem>>, vector<16xf32>,
        %parallel_loop3A_757 = arith.mulf %parallel_loop3A_756, %parallel_loop3A_751 : vector<16xf32>
        %parallel_loop3A_758 = arith.constant 0 : i32
        %parallel_loop3A_759 = arith.index_cast %parallel_loop3A_758 : i32 to index
        %parallel_loop3A_760 = arith.index_cast %parallel_loop3A_681 : i32 to index
        %parallel_loop3A_761 = arith.constant 16 : index
        %parallel_loop3A_762 = tpu.vector_load %arg12[%parallel_loop3A_759, %parallel_loop3A_760, %parallel_loop3A_761] {strides = array<i32>} : memref<2x128x128xf32, #tpu.memory_space<vmem>>, vector<16xf32>,
        %parallel_loop3A_763 = arith.mulf %parallel_loop3A_762, %parallel_loop3A_751 : vector<16xf32>
        %parallel_loop3A_764 = arith.constant 0 : i32
        %parallel_loop3A_765 = arith.index_cast %parallel_loop3A_764 : i32 to index
        %parallel_loop3A_766 = arith.index_cast %parallel_loop3A_681 : i32 to index
        %parallel_loop3A_767 = arith.constant 32 : index
        %parallel_loop3A_768 = tpu.vector_load %arg12[%parallel_loop3A_765, %parallel_loop3A_766, %parallel_loop3A_767] {strides = array<i32>} : memref<2x128x128xf32, #tpu.memory_space<vmem>>, vector<16xf32>,
        %parallel_loop3A_769 = arith.mulf %parallel_loop3A_768, %parallel_loop3A_751 : vector<16xf32>
        %parallel_loop3A_770 = arith.constant 0 : i32
        %parallel_loop3A_771 = arith.index_cast %parallel_loop3A_770 : i32 to index
        %parallel_loop3A_772 = arith.index_cast %parallel_loop3A_681 : i32 to index
        %parallel_loop3A_773 = arith.constant 48 : index
        %parallel_loop3A_774 = tpu.vector_load %arg12[%parallel_loop3A_771, %parallel_loop3A_772, %parallel_loop3A_773] {strides = array<i32>} : memref<2x128x128xf32, #tpu.memory_space<vmem>>, vector<16xf32>,
        %parallel_loop3A_775 = arith.mulf %parallel_loop3A_774, %parallel_loop3A_751 : vector<16xf32>
        %parallel_loop3A_776 = arith.constant 0 : i32
        %parallel_loop3A_777 = arith.index_cast %parallel_loop3A_776 : i32 to index
        %parallel_loop3A_778 = arith.index_cast %parallel_loop3A_681 : i32 to index
        %parallel_loop3A_779 = arith.constant 64 : index
        %parallel_loop3A_780 = tpu.vector_load %arg12[%parallel_loop3A_777, %parallel_loop3A_778, %parallel_loop3A_779] {strides = array<i32>} : memref<2x128x128xf32, #tpu.memory_space<vmem>>, vector<16xf32>,
        %parallel_loop3A_781 = arith.mulf %parallel_loop3A_780, %parallel_loop3A_751 : vector<16xf32>
        %parallel_loop3A_782 = arith.constant 0 : i32
        %parallel_loop3A_783 = arith.index_cast %parallel_loop3A_782 : i32 to index
        %parallel_loop3A_784 = arith.index_cast %parallel_loop3A_681 : i32 to index
        %parallel_loop3A_785 = arith.constant 80 : index
        %parallel_loop3A_786 = tpu.vector_load %arg12[%parallel_loop3A_783, %parallel_loop3A_784, %parallel_loop3A_785] {strides = array<i32>} : memref<2x128x128xf32, #tpu.memory_space<vmem>>, vector<16xf32>,
        %parallel_loop3A_787 = arith.mulf %parallel_loop3A_786, %parallel_loop3A_751 : vector<16xf32>
        %parallel_loop3A_788 = arith.constant 0 : i32
        %parallel_loop3A_789 = arith.index_cast %parallel_loop3A_788 : i32 to index
        %parallel_loop3A_790 = arith.index_cast %parallel_loop3A_681 : i32 to index
        %parallel_loop3A_791 = arith.constant 96 : index
        %parallel_loop3A_792 = tpu.vector_load %arg12[%parallel_loop3A_789, %parallel_loop3A_790, %parallel_loop3A_791] {strides = array<i32>} : memref<2x128x128xf32, #tpu.memory_space<vmem>>, vector<16xf32>,
        %parallel_loop3A_793 = arith.mulf %parallel_loop3A_792, %parallel_loop3A_751 : vector<16xf32>
        %parallel_loop3A_794 = arith.constant 0 : i32
        %parallel_loop3A_795 = arith.index_cast %parallel_loop3A_794 : i32 to index
        %parallel_loop3A_796 = arith.index_cast %parallel_loop3A_681 : i32 to index
        %parallel_loop3A_797 = arith.constant 112 : index
        %parallel_loop3A_798 = tpu.vector_load %arg12[%parallel_loop3A_795, %parallel_loop3A_796, %parallel_loop3A_797] {strides = array<i32>} : memref<2x128x128xf32, #tpu.memory_space<vmem>>, vector<16xf32>,
        %parallel_loop3A_799 = arith.mulf %parallel_loop3A_798, %parallel_loop3A_751 : vector<16xf32>
        %parallel_loop3A_800 = vector.extract_strided_slice %parallel_loop3A_741 {offsets = [0], sizes = [1], strides = [1]} : vector<16xi32> to vector<1xi32>
        %parallel_loop3A_801 = vector.extract %parallel_loop3A_800[0] : i32 from vector<1xi32>
        %parallel_loop3A_802 = arith.cmpi eq, %parallel_loop3A_801, %parallel_loop3A_683 : i32
        %parallel_loop3A_803 = arith.extui %parallel_loop3A_802 : i1 to i32
        %parallel_loop3A_804 = arith.constant 0 : i32
        %parallel_loop3A_805 = arith.constant 0 : i32
        %parallel_loop3A_806 = arith.cmpi ne, %parallel_loop3A_803, %parallel_loop3A_805 : i32
        %parallel_loop3A_807:8 = scf.if %parallel_loop3A_806 -> (vector<16xf32>, vector<16xf32>, vector<16xf32>, vector<16xf32>, vector<16xf32>, vector<16xf32>, vector<16xf32>, vector<16xf32>) {
          %parallel_loop3A_808 = arith.addf %parallel_loop3A_684, %parallel_loop3A_757 : vector<16xf32>
          %parallel_loop3A_809 = arith.addf %parallel_loop3A_685, %parallel_loop3A_763 : vector<16xf32>
          %parallel_loop3A_810 = arith.addf %parallel_loop3A_686, %parallel_loop3A_769 : vector<16xf32>
          %parallel_loop3A_811 = arith.addf %parallel_loop3A_687, %parallel_loop3A_775 : vector<16xf32>
          %parallel_loop3A_812 = arith.addf %parallel_loop3A_688, %parallel_loop3A_781 : vector<16xf32>
          %parallel_loop3A_813 = arith.addf %parallel_loop3A_689, %parallel_loop3A_787 : vector<16xf32>
          %parallel_loop3A_814 = arith.addf %parallel_loop3A_690, %parallel_loop3A_793 : vector<16xf32>
          %parallel_loop3A_815 = arith.addf %parallel_loop3A_691, %parallel_loop3A_799 : vector<16xf32>
          scf.yield %parallel_loop3A_808, %parallel_loop3A_809, %parallel_loop3A_810, %parallel_loop3A_811, %parallel_loop3A_812, %parallel_loop3A_813, %parallel_loop3A_814, %parallel_loop3A_815 : vector<16xf32>, vector<16xf32>, vector<16xf32>, vector<16xf32>, vector<16xf32>, vector<16xf32>, vector<16xf32>, vector<16xf32>
        } else {
          %parallel_loop3A_808 = arith.constant 0 : i32
          %parallel_loop3A_809 = tpu.memref_slice %arg13[%parallel_loop3A_808] : memref<65536xf32, #tpu.memory_space<vmem>> -> memref<65536xf32, #tpu.memory_space<vmem>>
          tpu.vector_store_idx %parallel_loop3A_809[%parallel_loop3A_682], %parallel_loop3A_684 {add = true} : memref<65536xf32, #tpu.memory_space<vmem>>[vector<16xi32>], vector<16xf32>,
          %parallel_loop3A_810 = arith.constant 16 : i32
          %parallel_loop3A_811 = tpu.memref_slice %arg13[%parallel_loop3A_810] : memref<65536xf32, #tpu.memory_space<vmem>> -> memref<65520xf32, #tpu.memory_space<vmem>>
          tpu.vector_store_idx %parallel_loop3A_811[%parallel_loop3A_682], %parallel_loop3A_685 {add = true} : memref<65520xf32, #tpu.memory_space<vmem>>[vector<16xi32>], vector<16xf32>,
          %parallel_loop3A_812 = arith.constant 32 : i32
          %parallel_loop3A_813 = tpu.memref_slice %arg13[%parallel_loop3A_812] : memref<65536xf32, #tpu.memory_space<vmem>> -> memref<65504xf32, #tpu.memory_space<vmem>>
          tpu.vector_store_idx %parallel_loop3A_813[%parallel_loop3A_682], %parallel_loop3A_686 {add = true} : memref<65504xf32, #tpu.memory_space<vmem>>[vector<16xi32>], vector<16xf32>,
          %parallel_loop3A_814 = arith.constant 48 : i32
          %parallel_loop3A_815 = tpu.memref_slice %arg13[%parallel_loop3A_814] : memref<65536xf32, #tpu.memory_space<vmem>> -> memref<65488xf32, #tpu.memory_space<vmem>>
          tpu.vector_store_idx %parallel_loop3A_815[%parallel_loop3A_682], %parallel_loop3A_687 {add = true} : memref<65488xf32, #tpu.memory_space<vmem>>[vector<16xi32>], vector<16xf32>,
          %parallel_loop3A_816 = arith.constant 64 : i32
          %parallel_loop3A_817 = tpu.memref_slice %arg13[%parallel_loop3A_816] : memref<65536xf32, #tpu.memory_space<vmem>> -> memref<65472xf32, #tpu.memory_space<vmem>>
          tpu.vector_store_idx %parallel_loop3A_817[%parallel_loop3A_682], %parallel_loop3A_688 {add = true} : memref<65472xf32, #tpu.memory_space<vmem>>[vector<16xi32>], vector<16xf32>,
          %parallel_loop3A_818 = arith.constant 80 : i32
          %parallel_loop3A_819 = tpu.memref_slice %arg13[%parallel_loop3A_818] : memref<65536xf32, #tpu.memory_space<vmem>> -> memref<65456xf32, #tpu.memory_space<vmem>>
          tpu.vector_store_idx %parallel_loop3A_819[%parallel_loop3A_682], %parallel_loop3A_689 {add = true} : memref<65456xf32, #tpu.memory_space<vmem>>[vector<16xi32>], vector<16xf32>,
          %parallel_loop3A_820 = arith.constant 96 : i32
          %parallel_loop3A_821 = tpu.memref_slice %arg13[%parallel_loop3A_820] : memref<65536xf32, #tpu.memory_space<vmem>> -> memref<65440xf32, #tpu.memory_space<vmem>>
          tpu.vector_store_idx %parallel_loop3A_821[%parallel_loop3A_682], %parallel_loop3A_690 {add = true} : memref<65440xf32, #tpu.memory_space<vmem>>[vector<16xi32>], vector<16xf32>,
          %parallel_loop3A_822 = arith.constant 112 : i32
          %parallel_loop3A_823 = tpu.memref_slice %arg13[%parallel_loop3A_822] : memref<65536xf32, #tpu.memory_space<vmem>> -> memref<65424xf32, #tpu.memory_space<vmem>>
          tpu.vector_store_idx %parallel_loop3A_823[%parallel_loop3A_682], %parallel_loop3A_691 {add = true} : memref<65424xf32, #tpu.memory_space<vmem>>[vector<16xi32>], vector<16xf32>,
          scf.yield %parallel_loop3A_757, %parallel_loop3A_763, %parallel_loop3A_769, %parallel_loop3A_775, %parallel_loop3A_781, %parallel_loop3A_787, %parallel_loop3A_793, %parallel_loop3A_799 : vector<16xf32>, vector<16xf32>, vector<16xf32>, vector<16xf32>, vector<16xf32>, vector<16xf32>, vector<16xf32>, vector<16xf32>
        }
        scf.yield %parallel_loop3A_741, %parallel_loop3A_801, %parallel_loop3A_807#0, %parallel_loop3A_807#1, %parallel_loop3A_807#2, %parallel_loop3A_807#3, %parallel_loop3A_807#4, %parallel_loop3A_807#5, %parallel_loop3A_807#6, %parallel_loop3A_807#7 : vector<16xi32>, i32, vector<16xf32>, vector<16xf32>, vector<16xf32>, vector<16xf32>, vector<16xf32>, vector<16xf32>, vector<16xf32>, vector<16xf32>
      } {sc.loop_unroll_factor = 2 : i64, sc.parallel_access}
      %scatter3A = arith.constant 0 : i32
      %scatter3A_438 = tpu.memref_slice %arg13[%scatter3A] : memref<65536xf32, #tpu.memory_space<vmem>> -> memref<65536xf32, #tpu.memory_space<vmem>>
      tpu.vector_store_idx %scatter3A_438[%parallel_loop3A_437#0], %parallel_loop3A_437#2 {add = true} : memref<65536xf32, #tpu.memory_space<vmem>>[vector<16xi32>], vector<16xf32>,
      %scatter3A_439 = arith.constant 16 : i32
      %scatter3A_440 = tpu.memref_slice %arg13[%scatter3A_439] : memref<65536xf32, #tpu.memory_space<vmem>> -> memref<65520xf32, #tpu.memory_space<vmem>>
      tpu.vector_store_idx %scatter3A_440[%parallel_loop3A_437#0], %parallel_loop3A_437#3 {add = true} : memref<65520xf32, #tpu.memory_space<vmem>>[vector<16xi32>], vector<16xf32>,
      %scatter3A_441 = arith.constant 32 : i32
      %scatter3A_442 = tpu.memref_slice %arg13[%scatter3A_441] : memref<65536xf32, #tpu.memory_space<vmem>> -> memref<65504xf32, #tpu.memory_space<vmem>>
      tpu.vector_store_idx %scatter3A_442[%parallel_loop3A_437#0], %parallel_loop3A_437#4 {add = true} : memref<65504xf32, #tpu.memory_space<vmem>>[vector<16xi32>], vector<16xf32>,
      %scatter3A_443 = arith.constant 48 : i32
      %scatter3A_444 = tpu.memref_slice %arg13[%scatter3A_443] : memref<65536xf32, #tpu.memory_space<vmem>> -> memref<65488xf32, #tpu.memory_space<vmem>>
      tpu.vector_store_idx %scatter3A_444[%parallel_loop3A_437#0], %parallel_loop3A_437#5 {add = true} : memref<65488xf32, #tpu.memory_space<vmem>>[vector<16xi32>], vector<16xf32>,
      %scatter3A_445 = arith.constant 64 : i32
      %scatter3A_446 = tpu.memref_slice %arg13[%scatter3A_445] : memref<65536xf32, #tpu.memory_space<vmem>> -> memref<65472xf32, #tpu.memory_space<vmem>>
      tpu.vector_store_idx %scatter3A_446[%parallel_loop3A_437#0], %parallel_loop3A_437#6 {add = true} : memref<65472xf32, #tpu.memory_space<vmem>>[vector<16xi32>], vector<16xf32>,
      %scatter3A_447 = arith.constant 80 : i32
      %scatter3A_448 = tpu.memref_slice %arg13[%scatter3A_447] : memref<65536xf32, #tpu.memory_space<vmem>> -> memref<65456xf32, #tpu.memory_space<vmem>>
      tpu.vector_store_idx %scatter3A_448[%parallel_loop3A_437#0], %parallel_loop3A_437#7 {add = true} : memref<65456xf32, #tpu.memory_space<vmem>>[vector<16xi32>], vector<16xf32>,
      %scatter3A_449 = arith.constant 96 : i32
      %scatter3A_450 = tpu.memref_slice %arg13[%scatter3A_449] : memref<65536xf32, #tpu.memory_space<vmem>> -> memref<65440xf32, #tpu.memory_space<vmem>>
      tpu.vector_store_idx %scatter3A_450[%parallel_loop3A_437#0], %parallel_loop3A_437#8 {add = true} : memref<65440xf32, #tpu.memory_space<vmem>>[vector<16xi32>], vector<16xf32>,
      %scatter3A_451 = arith.constant 112 : i32
      %scatter3A_452 = tpu.memref_slice %arg13[%scatter3A_451] : memref<65536xf32, #tpu.memory_space<vmem>> -> memref<65424xf32, #tpu.memory_space<vmem>>
      tpu.vector_store_idx %scatter3A_452[%parallel_loop3A_437#0], %parallel_loop3A_437#9 {add = true} : memref<65424xf32, #tpu.memory_space<vmem>>[vector<16xi32>], vector<16xf32>,
      %add3A_453 = arith.constant 2 : i32
      %add3A_454 = arith.addi %mul3A_294, %add3A_453 : i32
      %mul3A_455 = arith.constant 128 : i32
      %mul3A_456 = arith.muli %add3A_454, %mul3A_455 : i32
      %add3A_457 = arith.addi %sub3A, %mul3A_456 : i32
      %multiple_of3A_458 = tpu.assume_multiple %add3A_457, 8 : i32
      %dma_start3A_459 = arith.constant 0 : i32
      %dma_start3A_460 = arith.constant 0 : i32
      %dma_start3A_461 = tpu.memref_slice %arg9[%dma_start3A_459, %dma_start3A_460] : memref<2x128xi32, #tpu.memory_space<vmem>> -> memref<1x128xi32, #tpu.memory_space<vmem>>
      %dma_start3A_462 = tpu.memref_squeeze %dma_start3A_461 : memref<1x128xi32, #tpu.memory_space<vmem>> -> memref<128xi32, #tpu.memory_space<vmem>>
      %dma_start3A_463 = tpu.memref_slice %arg2[%multiple_of3A_458] : memref<426496xi32, #tpu.memory_space<hbm>> -> memref<128xi32, #tpu.memory_space<hbm>>
      %dma_start3A_464 = arith.constant 0 : i32
      %dma_start3A_465 = tpu.memref_slice %arg9[%dma_start3A_459, %dma_start3A_464] : memref<2x128xi32, #tpu.memory_space<vmem>> -> memref<1x128xi32, #tpu.memory_space<vmem>>
      %dma_start3A_466 = tpu.memref_squeeze %dma_start3A_465 : memref<1x128xi32, #tpu.memory_space<vmem>> -> memref<128xi32, #tpu.memory_space<vmem>>
      %dma_start3A_467 = tpu.memref_slice %arg2[%multiple_of3A_458] : memref<426496xi32, #tpu.memory_space<hbm>> -> memref<128xi32, #tpu.memory_space<hbm>>
      tpu.enqueue_dma source(%dma_start3A_467 : memref<128xi32, #tpu.memory_space<hbm>>) target(%dma_start3A_466 : memref<128xi32, #tpu.memory_space<vmem>>) target_semaphore(%arg14 : memref<!tpu.dma_semaphore, #tpu.memory_space<semaphore_mem>>)
      %dma_start3A_468 = arith.constant 0 : i32
      %dma_start3A_469 = arith.constant 0 : i32
      %dma_start3A_470 = tpu.memref_slice %arg10[%dma_start3A_468, %dma_start3A_469] : memref<2x128xi32, #tpu.memory_space<vmem>> -> memref<1x128xi32, #tpu.memory_space<vmem>>
      %dma_start3A_471 = tpu.memref_squeeze %dma_start3A_470 : memref<1x128xi32, #tpu.memory_space<vmem>> -> memref<128xi32, #tpu.memory_space<vmem>>
      %dma_start3A_472 = tpu.memref_slice %arg3[%multiple_of3A_458] : memref<426496xi32, #tpu.memory_space<hbm>> -> memref<128xi32, #tpu.memory_space<hbm>>
      %dma_start3A_473 = arith.constant 0 : i32
      %dma_start3A_474 = tpu.memref_slice %arg10[%dma_start3A_468, %dma_start3A_473] : memref<2x128xi32, #tpu.memory_space<vmem>> -> memref<1x128xi32, #tpu.memory_space<vmem>>
      %dma_start3A_475 = tpu.memref_squeeze %dma_start3A_474 : memref<1x128xi32, #tpu.memory_space<vmem>> -> memref<128xi32, #tpu.memory_space<vmem>>
      %dma_start3A_476 = tpu.memref_slice %arg3[%multiple_of3A_458] : memref<426496xi32, #tpu.memory_space<hbm>> -> memref<128xi32, #tpu.memory_space<hbm>>
      tpu.enqueue_dma source(%dma_start3A_476 : memref<128xi32, #tpu.memory_space<hbm>>) target(%dma_start3A_475 : memref<128xi32, #tpu.memory_space<vmem>>) target_semaphore(%arg14 : memref<!tpu.dma_semaphore, #tpu.memory_space<semaphore_mem>>)
      %dma_start3A_477 = arith.constant 0 : i32
      %dma_start3A_478 = arith.constant 0 : i32
      %dma_start3A_479 = tpu.memref_slice %arg11[%dma_start3A_477, %dma_start3A_478] : memref<2x128xf32, #tpu.memory_space<vmem>> -> memref<1x128xf32, #tpu.memory_space<vmem>>
      %dma_start3A_480 = tpu.memref_squeeze %dma_start3A_479 : memref<1x128xf32, #tpu.memory_space<vmem>> -> memref<128xf32, #tpu.memory_space<vmem>>
      %dma_start3A_481 = tpu.memref_slice %arg4[%multiple_of3A_458] : memref<426496xf32, #tpu.memory_space<hbm>> -> memref<128xf32, #tpu.memory_space<hbm>>
      %dma_start3A_482 = arith.constant 0 : i32
      %dma_start3A_483 = tpu.memref_slice %arg11[%dma_start3A_477, %dma_start3A_482] : memref<2x128xf32, #tpu.memory_space<vmem>> -> memref<1x128xf32, #tpu.memory_space<vmem>>
      %dma_start3A_484 = tpu.memref_squeeze %dma_start3A_483 : memref<1x128xf32, #tpu.memory_space<vmem>> -> memref<128xf32, #tpu.memory_space<vmem>>
      %dma_start3A_485 = tpu.memref_slice %arg4[%multiple_of3A_458] : memref<426496xf32, #tpu.memory_space<hbm>> -> memref<128xf32, #tpu.memory_space<hbm>>
      tpu.enqueue_dma source(%dma_start3A_485 : memref<128xf32, #tpu.memory_space<hbm>>) target(%dma_start3A_484 : memref<128xf32, #tpu.memory_space<vmem>>) target_semaphore(%arg14 : memref<!tpu.dma_semaphore, #tpu.memory_space<semaphore_mem>>)
      %add3A_486 = arith.constant 1 : i32
      %add3A_487 = arith.addi %mul3A_294, %add3A_486 : i32
      %dma_wait3A_488 = arith.constant 0 : i32
      %dma_wait3A_489 = arith.constant 0 : i32
      %dma_wait3A_490 = tpu.memref_slice %arg9[%dma_wait3A_488, %dma_wait3A_489] : memref<2x128xi32, #tpu.memory_space<vmem>> -> memref<1x128xi32, #tpu.memory_space<vmem>>
      %dma_wait3A_491 = tpu.memref_squeeze %dma_wait3A_490 : memref<1x128xi32, #tpu.memory_space<vmem>> -> memref<128xi32, #tpu.memory_space<vmem>>
      %dma_wait3A_492 = arith.constant 0 : i32
      %dma_wait3A_493 = tpu.memref_slice %arg2[%dma_wait3A_492] : memref<426496xi32, #tpu.memory_space<hbm>> -> memref<128xi32, #tpu.memory_space<hbm>>
      %dma_wait3A_494 = arith.constant 0 : i32
      %dma_wait3A_495 = tpu.memref_slice %arg9[%dma_wait3A_488, %dma_wait3A_494] : memref<2x128xi32, #tpu.memory_space<vmem>> -> memref<1x128xi32, #tpu.memory_space<vmem>>
      %dma_wait3A_496 = tpu.memref_squeeze %dma_wait3A_495 : memref<1x128xi32, #tpu.memory_space<vmem>> -> memref<128xi32, #tpu.memory_space<vmem>>
      %dma_wait3A_497 = arith.constant 0 : i32
      %dma_wait3A_498 = tpu.memref_slice %arg2[%dma_wait3A_497] : memref<426496xi32, #tpu.memory_space<hbm>> -> memref<128xi32, #tpu.memory_space<hbm>>
      tpu.wait_dma2 semaphore(%arg14 : memref<!tpu.dma_semaphore, #tpu.memory_space<semaphore_mem>>) src(%dma_wait3A_498 : memref<128xi32, #tpu.memory_space<hbm>>) dst(%dma_wait3A_496 : memref<128xi32, #tpu.memory_space<vmem>>)
      %dma_wait3A_499 = arith.constant 0 : i32
      %dma_wait3A_500 = arith.constant 0 : i32
      %dma_wait3A_501 = tpu.memref_slice %arg10[%dma_wait3A_499, %dma_wait3A_500] : memref<2x128xi32, #tpu.memory_space<vmem>> -> memref<1x128xi32, #tpu.memory_space<vmem>>
      %dma_wait3A_502 = tpu.memref_squeeze %dma_wait3A_501 : memref<1x128xi32, #tpu.memory_space<vmem>> -> memref<128xi32, #tpu.memory_space<vmem>>
      %dma_wait3A_503 = arith.constant 0 : i32
      %dma_wait3A_504 = tpu.memref_slice %arg3[%dma_wait3A_503] : memref<426496xi32, #tpu.memory_space<hbm>> -> memref<128xi32, #tpu.memory_space<hbm>>
      %dma_wait3A_505 = arith.constant 0 : i32
      %dma_wait3A_506 = tpu.memref_slice %arg10[%dma_wait3A_499, %dma_wait3A_505] : memref<2x128xi32, #tpu.memory_space<vmem>> -> memref<1x128xi32, #tpu.memory_space<vmem>>
      %dma_wait3A_507 = tpu.memref_squeeze %dma_wait3A_506 : memref<1x128xi32, #tpu.memory_space<vmem>> -> memref<128xi32, #tpu.memory_space<vmem>>
      %dma_wait3A_508 = arith.constant 0 : i32
      %dma_wait3A_509 = tpu.memref_slice %arg3[%dma_wait3A_508] : memref<426496xi32, #tpu.memory_space<hbm>> -> memref<128xi32, #tpu.memory_space<hbm>>
      tpu.wait_dma2 semaphore(%arg14 : memref<!tpu.dma_semaphore, #tpu.memory_space<semaphore_mem>>) src(%dma_wait3A_509 : memref<128xi32, #tpu.memory_space<hbm>>) dst(%dma_wait3A_507 : memref<128xi32, #tpu.memory_space<vmem>>)
      %dma_wait3A_510 = arith.constant 0 : i32
      %dma_wait3A_511 = arith.constant 0 : i32
      %dma_wait3A_512 = tpu.memref_slice %arg11[%dma_wait3A_510, %dma_wait3A_511] : memref<2x128xf32, #tpu.memory_space<vmem>> -> memref<1x128xf32, #tpu.memory_space<vmem>>
      %dma_wait3A_513 = tpu.memref_squeeze %dma_wait3A_512 : memref<1x128xf32, #tpu.memory_space<vmem>> -> memref<128xf32, #tpu.memory_space<vmem>>
      %dma_wait3A_514 = arith.constant 0 : i32
      %dma_wait3A_515 = tpu.memref_slice %arg4[%dma_wait3A_514] : memref<426496xf32, #tpu.memory_space<hbm>> -> memref<128xf32, #tpu.memory_space<hbm>>
      %dma_wait3A_516 = arith.constant 0 : i32
      %dma_wait3A_517 = tpu.memref_slice %arg11[%dma_wait3A_510, %dma_wait3A_516] : memref<2x128xf32, #tpu.memory_space<vmem>> -> memref<1x128xf32, #tpu.memory_space<vmem>>
      %dma_wait3A_518 = tpu.memref_squeeze %dma_wait3A_517 : memref<1x128xf32, #tpu.memory_space<vmem>> -> memref<128xf32, #tpu.memory_space<vmem>>
      %dma_wait3A_519 = arith.constant 0 : i32
      %dma_wait3A_520 = tpu.memref_slice %arg4[%dma_wait3A_519] : memref<426496xf32, #tpu.memory_space<hbm>> -> memref<128xf32, #tpu.memory_space<hbm>>
      tpu.wait_dma2 semaphore(%arg14 : memref<!tpu.dma_semaphore, #tpu.memory_space<semaphore_mem>>) src(%dma_wait3A_520 : memref<128xf32, #tpu.memory_space<hbm>>) dst(%dma_wait3A_518 : memref<128xf32, #tpu.memory_space<vmem>>)
      %dma_start3A_521 = arith.constant 0 : i32
      %dma_start3A_522 = arith.constant 0 : i32
      %dma_start3A_523 = arith.constant 0 : i32
      %dma_start3A_524 = arith.constant 0 : i32
      %dma_start3A_525 = tpu.memref_slice %arg12[%dma_start3A_522, %dma_start3A_523, %dma_start3A_524] : memref<2x128x128xf32, #tpu.memory_space<vmem>> -> memref<1x32x128xf32, #tpu.memory_space<vmem>>
      %dma_start3A_526 = tpu.memref_squeeze %dma_start3A_525 : memref<1x32x128xf32, #tpu.memory_space<vmem>> -> memref<32x128xf32, #tpu.memory_space<vmem>>
      %dma_start3A_527 = arith.constant 0 : i32
      %dma_start3A_528 = tpu.memref_slice %arg9[%dma_start3A_521, %dma_start3A_527] : memref<2x128xi32, #tpu.memory_space<vmem>> -> memref<1x32xi32, #tpu.memory_space<vmem>>
      %dma_start3A_529 = tpu.memref_squeeze %dma_start3A_528 : memref<1x32xi32, #tpu.memory_space<vmem>> -> memref<32xi32, #tpu.memory_space<vmem>>
      %dma_start3A_530 = arith.constant 0 : i32
      %dma_start3A_531 = arith.constant 0 : i32
      %dma_start3A_532 = tpu.memref_slice %arg5[%dma_start3A_530, %dma_start3A_531] : memref<1048576x128xf32, #tpu.memory_space<hbm>> -> memref<1048576x128xf32, #tpu.memory_space<hbm>>
      tpu.enqueue_indirect_dma source(%dma_start3A_532 : memref<1048576x128xf32, #tpu.memory_space<hbm>>) target(%dma_start3A_526 : memref<32x128xf32, #tpu.memory_space<vmem>>) offsets(%dma_start3A_529 : memref<32xi32, #tpu.memory_space<vmem>>) semaphore(%arg16 : memref<!tpu.dma_semaphore, #tpu.memory_space<semaphore_mem>>)
      %dma_start3A_533 = arith.constant 0 : i32
      %dma_start3A_534 = arith.constant 0 : i32
      %dma_start3A_535 = arith.constant 32 : i32
      %dma_start3A_536 = arith.constant 0 : i32
      %dma_start3A_537 = tpu.memref_slice %arg12[%dma_start3A_534, %dma_start3A_535, %dma_start3A_536] : memref<2x128x128xf32, #tpu.memory_space<vmem>> -> memref<1x32x128xf32, #tpu.memory_space<vmem>>
      %dma_start3A_538 = tpu.memref_squeeze %dma_start3A_537 : memref<1x32x128xf32, #tpu.memory_space<vmem>> -> memref<32x128xf32, #tpu.memory_space<vmem>>
      %dma_start3A_539 = arith.constant 32 : i32
      %dma_start3A_540 = tpu.memref_slice %arg9[%dma_start3A_533, %dma_start3A_539] : memref<2x128xi32, #tpu.memory_space<vmem>> -> memref<1x32xi32, #tpu.memory_space<vmem>>
      %dma_start3A_541 = tpu.memref_squeeze %dma_start3A_540 : memref<1x32xi32, #tpu.memory_space<vmem>> -> memref<32xi32, #tpu.memory_space<vmem>>
      %dma_start3A_542 = arith.constant 0 : i32
      %dma_start3A_543 = arith.constant 0 : i32
      %dma_start3A_544 = tpu.memref_slice %arg5[%dma_start3A_542, %dma_start3A_543] : memref<1048576x128xf32, #tpu.memory_space<hbm>> -> memref<1048576x128xf32, #tpu.memory_space<hbm>>
      tpu.enqueue_indirect_dma source(%dma_start3A_544 : memref<1048576x128xf32, #tpu.memory_space<hbm>>) target(%dma_start3A_538 : memref<32x128xf32, #tpu.memory_space<vmem>>) offsets(%dma_start3A_541 : memref<32xi32, #tpu.memory_space<vmem>>) semaphore(%arg16 : memref<!tpu.dma_semaphore, #tpu.memory_space<semaphore_mem>>)
      %dma_start3A_545 = arith.constant 0 : i32
      %dma_start3A_546 = arith.constant 0 : i32
      %dma_start3A_547 = arith.constant 64 : i32
      %dma_start3A_548 = arith.constant 0 : i32
      %dma_start3A_549 = tpu.memref_slice %arg12[%dma_start3A_546, %dma_start3A_547, %dma_start3A_548] : memref<2x128x128xf32, #tpu.memory_space<vmem>> -> memref<1x32x128xf32, #tpu.memory_space<vmem>>
      %dma_start3A_550 = tpu.memref_squeeze %dma_start3A_549 : memref<1x32x128xf32, #tpu.memory_space<vmem>> -> memref<32x128xf32, #tpu.memory_space<vmem>>
      %dma_start3A_551 = arith.constant 64 : i32
      %dma_start3A_552 = tpu.memref_slice %arg9[%dma_start3A_545, %dma_start3A_551] : memref<2x128xi32, #tpu.memory_space<vmem>> -> memref<1x32xi32, #tpu.memory_space<vmem>>
      %dma_start3A_553 = tpu.memref_squeeze %dma_start3A_552 : memref<1x32xi32, #tpu.memory_space<vmem>> -> memref<32xi32, #tpu.memory_space<vmem>>
      %dma_start3A_554 = arith.constant 0 : i32
      %dma_start3A_555 = arith.constant 0 : i32
      %dma_start3A_556 = tpu.memref_slice %arg5[%dma_start3A_554, %dma_start3A_555] : memref<1048576x128xf32, #tpu.memory_space<hbm>> -> memref<1048576x128xf32, #tpu.memory_space<hbm>>
      tpu.enqueue_indirect_dma source(%dma_start3A_556 : memref<1048576x128xf32, #tpu.memory_space<hbm>>) target(%dma_start3A_550 : memref<32x128xf32, #tpu.memory_space<vmem>>) offsets(%dma_start3A_553 : memref<32xi32, #tpu.memory_space<vmem>>) semaphore(%arg16 : memref<!tpu.dma_semaphore, #tpu.memory_space<semaphore_mem>>)
      %dma_start3A_557 = arith.constant 0 : i32
      %dma_start3A_558 = arith.constant 0 : i32
      %dma_start3A_559 = arith.constant 96 : i32
      %dma_start3A_560 = arith.constant 0 : i32
      %dma_start3A_561 = tpu.memref_slice %arg12[%dma_start3A_558, %dma_start3A_559, %dma_start3A_560] : memref<2x128x128xf32, #tpu.memory_space<vmem>> -> memref<1x32x128xf32, #tpu.memory_space<vmem>>
      %dma_start3A_562 = tpu.memref_squeeze %dma_start3A_561 : memref<1x32x128xf32, #tpu.memory_space<vmem>> -> memref<32x128xf32, #tpu.memory_space<vmem>>
      %dma_start3A_563 = arith.constant 96 : i32
      %dma_start3A_564 = tpu.memref_slice %arg9[%dma_start3A_557, %dma_start3A_563] : memref<2x128xi32, #tpu.memory_space<vmem>> -> memref<1x32xi32, #tpu.memory_space<vmem>>
      %dma_start3A_565 = tpu.memref_squeeze %dma_start3A_564 : memref<1x32xi32, #tpu.memory_space<vmem>> -> memref<32xi32, #tpu.memory_space<vmem>>
      %dma_start3A_566 = arith.constant 0 : i32
      %dma_start3A_567 = arith.constant 0 : i32
      %dma_start3A_568 = tpu.memref_slice %arg5[%dma_start3A_566, %dma_start3A_567] : memref<1048576x128xf32, #tpu.memory_space<hbm>> -> memref<1048576x128xf32, #tpu.memory_space<hbm>>
      tpu.enqueue_indirect_dma source(%dma_start3A_568 : memref<1048576x128xf32, #tpu.memory_space<hbm>>) target(%dma_start3A_562 : memref<32x128xf32, #tpu.memory_space<vmem>>) offsets(%dma_start3A_565 : memref<32xi32, #tpu.memory_space<vmem>>) semaphore(%arg16 : memref<!tpu.dma_semaphore, #tpu.memory_space<semaphore_mem>>)
      %dma_wait3A_569 = arith.constant 1 : i32
      %dma_wait3A_570 = arith.constant 1 : i32
      %dma_wait3A_571 = arith.constant 0 : i32
      %dma_wait3A_572 = arith.constant 0 : i32
      %dma_wait3A_573 = tpu.memref_slice %arg12[%dma_wait3A_570, %dma_wait3A_571, %dma_wait3A_572] : memref<2x128x128xf32, #tpu.memory_space<vmem>> -> memref<1x32x128xf32, #tpu.memory_space<vmem>>
      %dma_wait3A_574 = tpu.memref_squeeze %dma_wait3A_573 : memref<1x32x128xf32, #tpu.memory_space<vmem>> -> memref<32x128xf32, #tpu.memory_space<vmem>>
      %dma_wait3A_575 = arith.constant 0 : i32
      %dma_wait3A_576 = tpu.memref_slice %arg9[%dma_wait3A_569, %dma_wait3A_575] : memref<2x128xi32, #tpu.memory_space<vmem>> -> memref<1x32xi32, #tpu.memory_space<vmem>>
      %dma_wait3A_577 = tpu.memref_squeeze %dma_wait3A_576 : memref<1x32xi32, #tpu.memory_space<vmem>> -> memref<32xi32, #tpu.memory_space<vmem>>
      %dma_wait3A_578 = arith.constant 0 : i32
      %dma_wait3A_579 = arith.constant 0 : i32
      %dma_wait3A_580 = tpu.memref_slice %arg5[%dma_wait3A_578, %dma_wait3A_579] : memref<1048576x128xf32, #tpu.memory_space<hbm>> -> memref<1048576x128xf32, #tpu.memory_space<hbm>>
      tpu.wait_indirect_dma semaphore(%arg17 : memref<!tpu.dma_semaphore, #tpu.memory_space<semaphore_mem>>) src(%dma_wait3A_580 : memref<1048576x128xf32, #tpu.memory_space<hbm>>) dst(%dma_wait3A_574 : memref<32x128xf32, #tpu.memory_space<vmem>>)
      %dma_wait3A_581 = arith.constant 1 : i32
      %dma_wait3A_582 = arith.constant 1 : i32
      %dma_wait3A_583 = arith.constant 32 : i32
      %dma_wait3A_584 = arith.constant 0 : i32
      %dma_wait3A_585 = tpu.memref_slice %arg12[%dma_wait3A_582, %dma_wait3A_583, %dma_wait3A_584] : memref<2x128x128xf32, #tpu.memory_space<vmem>> -> memref<1x32x128xf32, #tpu.memory_space<vmem>>
      %dma_wait3A_586 = tpu.memref_squeeze %dma_wait3A_585 : memref<1x32x128xf32, #tpu.memory_space<vmem>> -> memref<32x128xf32, #tpu.memory_space<vmem>>
      %dma_wait3A_587 = arith.constant 32 : i32
      %dma_wait3A_588 = tpu.memref_slice %arg9[%dma_wait3A_581, %dma_wait3A_587] : memref<2x128xi32, #tpu.memory_space<vmem>> -> memref<1x32xi32, #tpu.memory_space<vmem>>
      %dma_wait3A_589 = tpu.memref_squeeze %dma_wait3A_588 : memref<1x32xi32, #tpu.memory_space<vmem>> -> memref<32xi32, #tpu.memory_space<vmem>>
      %dma_wait3A_590 = arith.constant 0 : i32
      %dma_wait3A_591 = arith.constant 0 : i32
      %dma_wait3A_592 = tpu.memref_slice %arg5[%dma_wait3A_590, %dma_wait3A_591] : memref<1048576x128xf32, #tpu.memory_space<hbm>> -> memref<1048576x128xf32, #tpu.memory_space<hbm>>
      tpu.wait_indirect_dma semaphore(%arg17 : memref<!tpu.dma_semaphore, #tpu.memory_space<semaphore_mem>>) src(%dma_wait3A_592 : memref<1048576x128xf32, #tpu.memory_space<hbm>>) dst(%dma_wait3A_586 : memref<32x128xf32, #tpu.memory_space<vmem>>)
      %dma_wait3A_593 = arith.constant 1 : i32
      %dma_wait3A_594 = arith.constant 1 : i32
      %dma_wait3A_595 = arith.constant 64 : i32
      %dma_wait3A_596 = arith.constant 0 : i32
      %dma_wait3A_597 = tpu.memref_slice %arg12[%dma_wait3A_594, %dma_wait3A_595, %dma_wait3A_596] : memref<2x128x128xf32, #tpu.memory_space<vmem>> -> memref<1x32x128xf32, #tpu.memory_space<vmem>>
      %dma_wait3A_598 = tpu.memref_squeeze %dma_wait3A_597 : memref<1x32x128xf32, #tpu.memory_space<vmem>> -> memref<32x128xf32, #tpu.memory_space<vmem>>
      %dma_wait3A_599 = arith.constant 64 : i32
      %dma_wait3A_600 = tpu.memref_slice %arg9[%dma_wait3A_593, %dma_wait3A_599] : memref<2x128xi32, #tpu.memory_space<vmem>> -> memref<1x32xi32, #tpu.memory_space<vmem>>
      %dma_wait3A_601 = tpu.memref_squeeze %dma_wait3A_600 : memref<1x32xi32, #tpu.memory_space<vmem>> -> memref<32xi32, #tpu.memory_space<vmem>>
      %dma_wait3A_602 = arith.constant 0 : i32
      %dma_wait3A_603 = arith.constant 0 : i32
      %dma_wait3A_604 = tpu.memref_slice %arg5[%dma_wait3A_602, %dma_wait3A_603] : memref<1048576x128xf32, #tpu.memory_space<hbm>> -> memref<1048576x128xf32, #tpu.memory_space<hbm>>
      tpu.wait_indirect_dma semaphore(%arg17 : memref<!tpu.dma_semaphore, #tpu.memory_space<semaphore_mem>>) src(%dma_wait3A_604 : memref<1048576x128xf32, #tpu.memory_space<hbm>>) dst(%dma_wait3A_598 : memref<32x128xf32, #tpu.memory_space<vmem>>)
      %dma_wait3A_605 = arith.constant 1 : i32
      %dma_wait3A_606 = arith.constant 1 : i32
      %dma_wait3A_607 = arith.constant 96 : i32
      %dma_wait3A_608 = arith.constant 0 : i32
      %dma_wait3A_609 = tpu.memref_slice %arg12[%dma_wait3A_606, %dma_wait3A_607, %dma_wait3A_608] : memref<2x128x128xf32, #tpu.memory_space<vmem>> -> memref<1x32x128xf32, #tpu.memory_space<vmem>>
      %dma_wait3A_610 = tpu.memref_squeeze %dma_wait3A_609 : memref<1x32x128xf32, #tpu.memory_space<vmem>> -> memref<32x128xf32, #tpu.memory_space<vmem>>
      %dma_wait3A_611 = arith.constant 96 : i32
      %dma_wait3A_612 = tpu.memref_slice %arg9[%dma_wait3A_605, %dma_wait3A_611] : memref<2x128xi32, #tpu.memory_space<vmem>> -> memref<1x32xi32, #tpu.memory_space<vmem>>
      %dma_wait3A_613 = tpu.memref_squeeze %dma_wait3A_612 : memref<1x32xi32, #tpu.memory_space<vmem>> -> memref<32xi32, #tpu.memory_space<vmem>>
      %dma_wait3A_614 = arith.constant 0 : i32
      %dma_wait3A_615 = arith.constant 0 : i32
      %dma_wait3A_616 = tpu.memref_slice %arg5[%dma_wait3A_614, %dma_wait3A_615] : memref<1048576x128xf32, #tpu.memory_space<hbm>> -> memref<1048576x128xf32, #tpu.memory_space<hbm>>
      tpu.wait_indirect_dma semaphore(%arg17 : memref<!tpu.dma_semaphore, #tpu.memory_space<semaphore_mem>>) src(%dma_wait3A_616 : memref<1048576x128xf32, #tpu.memory_space<hbm>>) dst(%dma_wait3A_610 : memref<32x128xf32, #tpu.memory_space<vmem>>)
      %mul3A_617 = arith.constant 128 : i32
      %mul3A_618 = arith.muli %add3A_487, %mul3A_617 : i32
      %add3A_619 = arith.addi %sub3A, %mul3A_618 : i32
      %multiple_of3A_620 = tpu.assume_multiple %add3A_619, 8 : i32
      %parallel_loop3A_621 = arith.constant 0 : i32
      %parallel_loop3A_622 = arith.constant 8 : i32
      %parallel_loop3A_623 = arith.constant 1 : i32
      scf.for %parallel_loop3A_681 = %parallel_loop3A_621 to %parallel_loop3A_622 step %parallel_loop3A_623  : i32 {
        %parallel_loop3A_682 = arith.constant 16 : i32
        %parallel_loop3A_683 = arith.muli %parallel_loop3A_681, %parallel_loop3A_682 : i32
        %parallel_loop3A_684 = arith.constant 16 : i32
        %parallel_loop3A_685 = arith.muli %parallel_loop3A_681, %parallel_loop3A_684 : i32
        %parallel_loop3A_686 = arith.addi %multiple_of3A_620, %parallel_loop3A_685 : i32
        %parallel_loop3A_687 = vector.broadcast %parallel_loop3A_686 : i32 to vector<16xi32>
        %parallel_loop3A_688 = arith.addi %parallel_loop3A_687, %iota3A : vector<16xi32>
        %parallel_loop3A_689 = arith.constant 1 : i32
        %parallel_loop3A_690 = arith.index_cast %parallel_loop3A_689 : i32 to index
        %parallel_loop3A_691 = arith.index_cast %parallel_loop3A_683 : i32 to index
        %parallel_loop3A_692 = tpu.vector_load %arg10[%parallel_loop3A_690, %parallel_loop3A_691] {strides = array<i32>} : memref<2x128xi32, #tpu.memory_space<vmem>>, vector<16xi32>,
        %parallel_loop3A_693 = vector.broadcast %mul3A_2 : i32 to vector<16xi32>
        %parallel_loop3A_694 = arith.subi %parallel_loop3A_692, %parallel_loop3A_693 : vector<16xi32>
        %parallel_loop3A_695 = arith.constant 0 : i32
        %parallel_loop3A_696 = arith.constant 511 : i32
        %parallel_loop3A_697 = vector.broadcast %parallel_loop3A_695 : i32 to vector<16xi32>
        %parallel_loop3A_698 = arith.maxsi %parallel_loop3A_697, %parallel_loop3A_694 : vector<16xi32>
        %parallel_loop3A_699 = vector.broadcast %parallel_loop3A_696 : i32 to vector<16xi32>
        %parallel_loop3A_700 = arith.minsi %parallel_loop3A_699, %parallel_loop3A_698 : vector<16xi32>
        %parallel_loop3A_701 = arith.constant 128 : i32
        %parallel_loop3A_702 = vector.broadcast %parallel_loop3A_701 : i32 to vector<16xi32>
        %parallel_loop3A_703 = arith.muli %parallel_loop3A_700, %parallel_loop3A_702 : vector<16xi32>
        %parallel_loop3A_704 = arith.constant 1 : i32
        %parallel_loop3A_705 = arith.index_cast %parallel_loop3A_704 : i32 to index
        %parallel_loop3A_706 = arith.index_cast %parallel_loop3A_683 : i32 to index
        %parallel_loop3A_707 = tpu.vector_load %arg10[%parallel_loop3A_705, %parallel_loop3A_706] {strides = array<i32>} : memref<2x128xi32, #tpu.memory_space<vmem>>, vector<16xi32>,
        tpu.vector_store %arg10[%parallel_loop3A_705, %parallel_loop3A_706], %parallel_loop3A_703 {strides = array<i32>} : memref<2x128xi32, #tpu.memory_space<vmem>>, vector<16xi32>,
        %parallel_loop3A_708 = arith.constant 1 : i32
        %parallel_loop3A_709 = arith.index_cast %parallel_loop3A_708 : i32 to index
        %parallel_loop3A_710 = arith.index_cast %parallel_loop3A_683 : i32 to index
        %parallel_loop3A_711 = tpu.vector_load %arg11[%parallel_loop3A_709, %parallel_loop3A_710] {strides = array<i32>} : memref<2x128xf32, #tpu.memory_space<vmem>>, vector<16xf32>,
        %parallel_loop3A_712 = vector.broadcast %squeeze3A : i32 to vector<16xi32>
        %parallel_loop3A_713 = arith.cmpi sge, %parallel_loop3A_688, %parallel_loop3A_712 : vector<16xi32>
        %parallel_loop3A_714 = vector.broadcast %squeeze3A_5 : i32 to vector<16xi32>
        %parallel_loop3A_715 = arith.cmpi slt, %parallel_loop3A_688, %parallel_loop3A_714 : vector<16xi32>
        %parallel_loop3A_716 = arith.andi %parallel_loop3A_713, %parallel_loop3A_715 : vector<16xi1>
        %parallel_loop3A_717 = arith.constant 0.000000e+00 : f32
        %parallel_loop3A_718 = vector.broadcast %parallel_loop3A_717 : f32 to vector<16xf32>
        %parallel_loop3A_719 = arith.select %parallel_loop3A_716, %parallel_loop3A_711, %parallel_loop3A_718 : vector<16xi1>, vector<16xf32>
        %parallel_loop3A_720 = arith.constant 1 : i32
        %parallel_loop3A_721 = arith.index_cast %parallel_loop3A_720 : i32 to index
        %parallel_loop3A_722 = arith.index_cast %parallel_loop3A_683 : i32 to index
        %parallel_loop3A_723 = tpu.vector_load %arg11[%parallel_loop3A_721, %parallel_loop3A_722] {strides = array<i32>} : memref<2x128xf32, #tpu.memory_space<vmem>>, vector<16xf32>,
        tpu.vector_store %arg11[%parallel_loop3A_721, %parallel_loop3A_722], %parallel_loop3A_719 {strides = array<i32>} : memref<2x128xf32, #tpu.memory_space<vmem>>, vector<16xf32>,
      } {sc.loop_unroll_factor = 2 : i64, sc.parallel_access}
      %broadcast_in_dim3A_624 = arith.constant 0.000000e+00 : f32
      %broadcast_in_dim3A_625 = vector.broadcast %broadcast_in_dim3A_624 : f32 to vector<16xf32>
      %parallel_loop3A_626 = arith.constant 0 : i32
      %parallel_loop3A_627 = arith.constant 128 : i32
      %parallel_loop3A_628 = arith.constant 1 : i32
      %parallel_loop3A_629 = arith.constant -1 : i32
      %parallel_loop3A_630:10 = scf.for %parallel_loop3A_681 = %parallel_loop3A_626 to %parallel_loop3A_627 step %parallel_loop3A_628 iter_args(%parallel_loop3A_682 = %iota3A, %parallel_loop3A_683 = %parallel_loop3A_629, %parallel_loop3A_684 = %broadcast_in_dim3A_625, %parallel_loop3A_685 = %broadcast_in_dim3A_625, %parallel_loop3A_686 = %broadcast_in_dim3A_625, %parallel_loop3A_687 = %broadcast_in_dim3A_625, %parallel_loop3A_688 = %broadcast_in_dim3A_625, %parallel_loop3A_689 = %broadcast_in_dim3A_625, %parallel_loop3A_690 = %broadcast_in_dim3A_625, %parallel_loop3A_691 = %broadcast_in_dim3A_625) -> (vector<16xi32>, i32, vector<16xf32>, vector<16xf32>, vector<16xf32>, vector<16xf32>, vector<16xf32>, vector<16xf32>, vector<16xf32>, vector<16xf32>)  : i32 {
        %parallel_loop3A_692 = arith.constant 16 : i32
        %parallel_loop3A_693 = arith.divsi %parallel_loop3A_681, %parallel_loop3A_692 : i32
        %parallel_loop3A_694 = arith.constant 0 : i32
        %parallel_loop3A_695 = arith.cmpi sgt, %parallel_loop3A_681, %parallel_loop3A_694 : i32
        %parallel_loop3A_696 = arith.extui %parallel_loop3A_695 : i1 to i32
        %parallel_loop3A_697 = arith.constant 0 : i32
        %parallel_loop3A_698 = arith.cmpi slt, %parallel_loop3A_681, %parallel_loop3A_697 : i32
        %parallel_loop3A_699 = arith.extui %parallel_loop3A_698 : i1 to i32
        %parallel_loop3A_700 = arith.subi %parallel_loop3A_696, %parallel_loop3A_699 : i32
        %parallel_loop3A_701 = arith.constant 0 : i32
        %parallel_loop3A_702 = arith.cmpi sgt, %parallel_loop3A_692, %parallel_loop3A_701 : i32
        %parallel_loop3A_703 = arith.extui %parallel_loop3A_702 : i1 to i32
        %parallel_loop3A_704 = arith.constant 0 : i32
        %parallel_loop3A_705 = arith.cmpi slt, %parallel_loop3A_692, %parallel_loop3A_704 : i32
        %parallel_loop3A_706 = arith.extui %parallel_loop3A_705 : i1 to i32
        %parallel_loop3A_707 = arith.subi %parallel_loop3A_703, %parallel_loop3A_706 : i32
        %parallel_loop3A_708 = arith.cmpi ne, %parallel_loop3A_700, %parallel_loop3A_707 : i32
        %parallel_loop3A_709 = arith.remsi %parallel_loop3A_681, %parallel_loop3A_692 : i32
        %parallel_loop3A_710 = arith.constant 0 : i32
        %parallel_loop3A_711 = arith.cmpi ne, %parallel_loop3A_709, %parallel_loop3A_710 : i32
        %parallel_loop3A_712 = arith.andi %parallel_loop3A_708, %parallel_loop3A_711 : i1
        %parallel_loop3A_713 = arith.constant 1 : i32
        %parallel_loop3A_714 = arith.subi %parallel_loop3A_693, %parallel_loop3A_713 : i32
        %parallel_loop3A_715 = arith.select %parallel_loop3A_712, %parallel_loop3A_714, %parallel_loop3A_693 : i32
        %parallel_loop3A_716 = arith.constant 16 : i32
        %parallel_loop3A_717 = arith.muli %parallel_loop3A_715, %parallel_loop3A_716 : i32
        %parallel_loop3A_718 = arith.constant 0 : i32
        %parallel_loop3A_719 = vector.broadcast %parallel_loop3A_718 : i32 to vector<16xi32>
        %parallel_loop3A_720 = arith.subi %parallel_loop3A_681, %parallel_loop3A_717 : i32
        %parallel_loop3A_721 = vector.broadcast %parallel_loop3A_720 : i32 to vector<16xi32>
        %parallel_loop3A_722 = arith.addi %parallel_loop3A_719, %parallel_loop3A_721 : vector<16xi32>
        %parallel_loop3A_723 = arith.constant 1 : i32
        %parallel_loop3A_724 = arith.index_cast %parallel_loop3A_723 : i32 to index
        %parallel_loop3A_725 = arith.index_cast %parallel_loop3A_717 : i32 to index
        %parallel_loop3A_726 = tpu.vector_load %arg10[%parallel_loop3A_724, %parallel_loop3A_725] {strides = array<i32>} : memref<2x128xi32, #tpu.memory_space<vmem>>, vector<16xi32>,
        %parallel_loop3A_727 = arith.constant 1 : i32
        %parallel_loop3A_728 = arith.index_cast %parallel_loop3A_727 : i32 to index
        %parallel_loop3A_729 = arith.index_cast %parallel_loop3A_717 : i32 to index
        %parallel_loop3A_730 = tpu.vector_load %arg11[%parallel_loop3A_728, %parallel_loop3A_729] {strides = array<i32>} : memref<2x128xf32, #tpu.memory_space<vmem>>, vector<16xf32>,
        %parallel_loop3A_731 = arith.constant 0 : i32
        %parallel_loop3A_732 = vector.broadcast %parallel_loop3A_731 : i32 to vector<16xi32>
        %parallel_loop3A_733 = arith.cmpi slt, %parallel_loop3A_722, %parallel_loop3A_732 : vector<16xi32>
        %parallel_loop3A_734 = arith.constant 16 : i32
        %parallel_loop3A_735 = vector.broadcast %parallel_loop3A_734 : i32 to vector<16xi32>
        %parallel_loop3A_736 = arith.addi %parallel_loop3A_722, %parallel_loop3A_735 : vector<16xi32>
        %parallel_loop3A_737 = arith.select %parallel_loop3A_733, %parallel_loop3A_736, %parallel_loop3A_722 : vector<16xi1>, vector<16xi32>
        %parallel_loop3A_738 = vector.shape_cast %parallel_loop3A_737 : vector<16xi32> to vector<16x1xi32>
        %parallel_loop3A_739 = vector.shape_cast %parallel_loop3A_738 : vector<16x1xi32> to vector<16xi32>
        %parallel_loop3A_740 = tpu.dynamic_gather %parallel_loop3A_726[%parallel_loop3A_739] in [0] : vector<16xi32>, vector<16xi32> -> vector<16xi32>
        %parallel_loop3A_741 = arith.addi %parallel_loop3A_740, %iota3A : vector<16xi32>
        %parallel_loop3A_742 = arith.constant 0 : i32
        %parallel_loop3A_743 = vector.broadcast %parallel_loop3A_742 : i32 to vector<16xi32>
        %parallel_loop3A_744 = arith.cmpi slt, %parallel_loop3A_722, %parallel_loop3A_743 : vector<16xi32>
        %parallel_loop3A_745 = arith.constant 16 : i32
        %parallel_loop3A_746 = vector.broadcast %parallel_loop3A_745 : i32 to vector<16xi32>
        %parallel_loop3A_747 = arith.addi %parallel_loop3A_722, %parallel_loop3A_746 : vector<16xi32>
        %parallel_loop3A_748 = arith.select %parallel_loop3A_744, %parallel_loop3A_747, %parallel_loop3A_722 : vector<16xi1>, vector<16xi32>
        %parallel_loop3A_749 = vector.shape_cast %parallel_loop3A_748 : vector<16xi32> to vector<16x1xi32>
        %parallel_loop3A_750 = vector.shape_cast %parallel_loop3A_749 : vector<16x1xi32> to vector<16xi32>
        %parallel_loop3A_751 = tpu.dynamic_gather %parallel_loop3A_730[%parallel_loop3A_750] in [0] : vector<16xf32>, vector<16xi32> -> vector<16xf32>
        %parallel_loop3A_752 = arith.constant 1 : i32
        %parallel_loop3A_753 = arith.index_cast %parallel_loop3A_752 : i32 to index
        %parallel_loop3A_754 = arith.index_cast %parallel_loop3A_681 : i32 to index
        %parallel_loop3A_755 = arith.constant 0 : index
        %parallel_loop3A_756 = tpu.vector_load %arg12[%parallel_loop3A_753, %parallel_loop3A_754, %parallel_loop3A_755] {strides = array<i32>} : memref<2x128x128xf32, #tpu.memory_space<vmem>>, vector<16xf32>,
        %parallel_loop3A_757 = arith.mulf %parallel_loop3A_756, %parallel_loop3A_751 : vector<16xf32>
        %parallel_loop3A_758 = arith.constant 1 : i32
        %parallel_loop3A_759 = arith.index_cast %parallel_loop3A_758 : i32 to index
        %parallel_loop3A_760 = arith.index_cast %parallel_loop3A_681 : i32 to index
        %parallel_loop3A_761 = arith.constant 16 : index
        %parallel_loop3A_762 = tpu.vector_load %arg12[%parallel_loop3A_759, %parallel_loop3A_760, %parallel_loop3A_761] {strides = array<i32>} : memref<2x128x128xf32, #tpu.memory_space<vmem>>, vector<16xf32>,
        %parallel_loop3A_763 = arith.mulf %parallel_loop3A_762, %parallel_loop3A_751 : vector<16xf32>
        %parallel_loop3A_764 = arith.constant 1 : i32
        %parallel_loop3A_765 = arith.index_cast %parallel_loop3A_764 : i32 to index
        %parallel_loop3A_766 = arith.index_cast %parallel_loop3A_681 : i32 to index
        %parallel_loop3A_767 = arith.constant 32 : index
        %parallel_loop3A_768 = tpu.vector_load %arg12[%parallel_loop3A_765, %parallel_loop3A_766, %parallel_loop3A_767] {strides = array<i32>} : memref<2x128x128xf32, #tpu.memory_space<vmem>>, vector<16xf32>,
        %parallel_loop3A_769 = arith.mulf %parallel_loop3A_768, %parallel_loop3A_751 : vector<16xf32>
        %parallel_loop3A_770 = arith.constant 1 : i32
        %parallel_loop3A_771 = arith.index_cast %parallel_loop3A_770 : i32 to index
        %parallel_loop3A_772 = arith.index_cast %parallel_loop3A_681 : i32 to index
        %parallel_loop3A_773 = arith.constant 48 : index
        %parallel_loop3A_774 = tpu.vector_load %arg12[%parallel_loop3A_771, %parallel_loop3A_772, %parallel_loop3A_773] {strides = array<i32>} : memref<2x128x128xf32, #tpu.memory_space<vmem>>, vector<16xf32>,
        %parallel_loop3A_775 = arith.mulf %parallel_loop3A_774, %parallel_loop3A_751 : vector<16xf32>
        %parallel_loop3A_776 = arith.constant 1 : i32
        %parallel_loop3A_777 = arith.index_cast %parallel_loop3A_776 : i32 to index
        %parallel_loop3A_778 = arith.index_cast %parallel_loop3A_681 : i32 to index
        %parallel_loop3A_779 = arith.constant 64 : index
        %parallel_loop3A_780 = tpu.vector_load %arg12[%parallel_loop3A_777, %parallel_loop3A_778, %parallel_loop3A_779] {strides = array<i32>} : memref<2x128x128xf32, #tpu.memory_space<vmem>>, vector<16xf32>,
        %parallel_loop3A_781 = arith.mulf %parallel_loop3A_780, %parallel_loop3A_751 : vector<16xf32>
        %parallel_loop3A_782 = arith.constant 1 : i32
        %parallel_loop3A_783 = arith.index_cast %parallel_loop3A_782 : i32 to index
        %parallel_loop3A_784 = arith.index_cast %parallel_loop3A_681 : i32 to index
        %parallel_loop3A_785 = arith.constant 80 : index
        %parallel_loop3A_786 = tpu.vector_load %arg12[%parallel_loop3A_783, %parallel_loop3A_784, %parallel_loop3A_785] {strides = array<i32>} : memref<2x128x128xf32, #tpu.memory_space<vmem>>, vector<16xf32>,
        %parallel_loop3A_787 = arith.mulf %parallel_loop3A_786, %parallel_loop3A_751 : vector<16xf32>
        %parallel_loop3A_788 = arith.constant 1 : i32
        %parallel_loop3A_789 = arith.index_cast %parallel_loop3A_788 : i32 to index
        %parallel_loop3A_790 = arith.index_cast %parallel_loop3A_681 : i32 to index
        %parallel_loop3A_791 = arith.constant 96 : index
        %parallel_loop3A_792 = tpu.vector_load %arg12[%parallel_loop3A_789, %parallel_loop3A_790, %parallel_loop3A_791] {strides = array<i32>} : memref<2x128x128xf32, #tpu.memory_space<vmem>>, vector<16xf32>,
        %parallel_loop3A_793 = arith.mulf %parallel_loop3A_792, %parallel_loop3A_751 : vector<16xf32>
        %parallel_loop3A_794 = arith.constant 1 : i32
        %parallel_loop3A_795 = arith.index_cast %parallel_loop3A_794 : i32 to index
        %parallel_loop3A_796 = arith.index_cast %parallel_loop3A_681 : i32 to index
        %parallel_loop3A_797 = arith.constant 112 : index
        %parallel_loop3A_798 = tpu.vector_load %arg12[%parallel_loop3A_795, %parallel_loop3A_796, %parallel_loop3A_797] {strides = array<i32>} : memref<2x128x128xf32, #tpu.memory_space<vmem>>, vector<16xf32>,
        %parallel_loop3A_799 = arith.mulf %parallel_loop3A_798, %parallel_loop3A_751 : vector<16xf32>
        %parallel_loop3A_800 = vector.extract_strided_slice %parallel_loop3A_741 {offsets = [0], sizes = [1], strides = [1]} : vector<16xi32> to vector<1xi32>
        %parallel_loop3A_801 = vector.extract %parallel_loop3A_800[0] : i32 from vector<1xi32>
        %parallel_loop3A_802 = arith.cmpi eq, %parallel_loop3A_801, %parallel_loop3A_683 : i32
        %parallel_loop3A_803 = arith.extui %parallel_loop3A_802 : i1 to i32
        %parallel_loop3A_804 = arith.constant 0 : i32
        %parallel_loop3A_805 = arith.constant 0 : i32
        %parallel_loop3A_806 = arith.cmpi ne, %parallel_loop3A_803, %parallel_loop3A_805 : i32
        %parallel_loop3A_807:8 = scf.if %parallel_loop3A_806 -> (vector<16xf32>, vector<16xf32>, vector<16xf32>, vector<16xf32>, vector<16xf32>, vector<16xf32>, vector<16xf32>, vector<16xf32>) {
          %parallel_loop3A_808 = arith.addf %parallel_loop3A_684, %parallel_loop3A_757 : vector<16xf32>
          %parallel_loop3A_809 = arith.addf %parallel_loop3A_685, %parallel_loop3A_763 : vector<16xf32>
          %parallel_loop3A_810 = arith.addf %parallel_loop3A_686, %parallel_loop3A_769 : vector<16xf32>
          %parallel_loop3A_811 = arith.addf %parallel_loop3A_687, %parallel_loop3A_775 : vector<16xf32>
          %parallel_loop3A_812 = arith.addf %parallel_loop3A_688, %parallel_loop3A_781 : vector<16xf32>
          %parallel_loop3A_813 = arith.addf %parallel_loop3A_689, %parallel_loop3A_787 : vector<16xf32>
          %parallel_loop3A_814 = arith.addf %parallel_loop3A_690, %parallel_loop3A_793 : vector<16xf32>
          %parallel_loop3A_815 = arith.addf %parallel_loop3A_691, %parallel_loop3A_799 : vector<16xf32>
          scf.yield %parallel_loop3A_808, %parallel_loop3A_809, %parallel_loop3A_810, %parallel_loop3A_811, %parallel_loop3A_812, %parallel_loop3A_813, %parallel_loop3A_814, %parallel_loop3A_815 : vector<16xf32>, vector<16xf32>, vector<16xf32>, vector<16xf32>, vector<16xf32>, vector<16xf32>, vector<16xf32>, vector<16xf32>
        } else {
          %parallel_loop3A_808 = arith.constant 0 : i32
          %parallel_loop3A_809 = tpu.memref_slice %arg13[%parallel_loop3A_808] : memref<65536xf32, #tpu.memory_space<vmem>> -> memref<65536xf32, #tpu.memory_space<vmem>>
          tpu.vector_store_idx %parallel_loop3A_809[%parallel_loop3A_682], %parallel_loop3A_684 {add = true} : memref<65536xf32, #tpu.memory_space<vmem>>[vector<16xi32>], vector<16xf32>,
          %parallel_loop3A_810 = arith.constant 16 : i32
          %parallel_loop3A_811 = tpu.memref_slice %arg13[%parallel_loop3A_810] : memref<65536xf32, #tpu.memory_space<vmem>> -> memref<65520xf32, #tpu.memory_space<vmem>>
          tpu.vector_store_idx %parallel_loop3A_811[%parallel_loop3A_682], %parallel_loop3A_685 {add = true} : memref<65520xf32, #tpu.memory_space<vmem>>[vector<16xi32>], vector<16xf32>,
          %parallel_loop3A_812 = arith.constant 32 : i32
          %parallel_loop3A_813 = tpu.memref_slice %arg13[%parallel_loop3A_812] : memref<65536xf32, #tpu.memory_space<vmem>> -> memref<65504xf32, #tpu.memory_space<vmem>>
          tpu.vector_store_idx %parallel_loop3A_813[%parallel_loop3A_682], %parallel_loop3A_686 {add = true} : memref<65504xf32, #tpu.memory_space<vmem>>[vector<16xi32>], vector<16xf32>,
          %parallel_loop3A_814 = arith.constant 48 : i32
          %parallel_loop3A_815 = tpu.memref_slice %arg13[%parallel_loop3A_814] : memref<65536xf32, #tpu.memory_space<vmem>> -> memref<65488xf32, #tpu.memory_space<vmem>>
          tpu.vector_store_idx %parallel_loop3A_815[%parallel_loop3A_682], %parallel_loop3A_687 {add = true} : memref<65488xf32, #tpu.memory_space<vmem>>[vector<16xi32>], vector<16xf32>,
          %parallel_loop3A_816 = arith.constant 64 : i32
          %parallel_loop3A_817 = tpu.memref_slice %arg13[%parallel_loop3A_816] : memref<65536xf32, #tpu.memory_space<vmem>> -> memref<65472xf32, #tpu.memory_space<vmem>>
          tpu.vector_store_idx %parallel_loop3A_817[%parallel_loop3A_682], %parallel_loop3A_688 {add = true} : memref<65472xf32, #tpu.memory_space<vmem>>[vector<16xi32>], vector<16xf32>,
          %parallel_loop3A_818 = arith.constant 80 : i32
          %parallel_loop3A_819 = tpu.memref_slice %arg13[%parallel_loop3A_818] : memref<65536xf32, #tpu.memory_space<vmem>> -> memref<65456xf32, #tpu.memory_space<vmem>>
          tpu.vector_store_idx %parallel_loop3A_819[%parallel_loop3A_682], %parallel_loop3A_689 {add = true} : memref<65456xf32, #tpu.memory_space<vmem>>[vector<16xi32>], vector<16xf32>,
          %parallel_loop3A_820 = arith.constant 96 : i32
          %parallel_loop3A_821 = tpu.memref_slice %arg13[%parallel_loop3A_820] : memref<65536xf32, #tpu.memory_space<vmem>> -> memref<65440xf32, #tpu.memory_space<vmem>>
          tpu.vector_store_idx %parallel_loop3A_821[%parallel_loop3A_682], %parallel_loop3A_690 {add = true} : memref<65440xf32, #tpu.memory_space<vmem>>[vector<16xi32>], vector<16xf32>,
          %parallel_loop3A_822 = arith.constant 112 : i32
          %parallel_loop3A_823 = tpu.memref_slice %arg13[%parallel_loop3A_822] : memref<65536xf32, #tpu.memory_space<vmem>> -> memref<65424xf32, #tpu.memory_space<vmem>>
          tpu.vector_store_idx %parallel_loop3A_823[%parallel_loop3A_682], %parallel_loop3A_691 {add = true} : memref<65424xf32, #tpu.memory_space<vmem>>[vector<16xi32>], vector<16xf32>,
          scf.yield %parallel_loop3A_757, %parallel_loop3A_763, %parallel_loop3A_769, %parallel_loop3A_775, %parallel_loop3A_781, %parallel_loop3A_787, %parallel_loop3A_793, %parallel_loop3A_799 : vector<16xf32>, vector<16xf32>, vector<16xf32>, vector<16xf32>, vector<16xf32>, vector<16xf32>, vector<16xf32>, vector<16xf32>
        }
        scf.yield %parallel_loop3A_741, %parallel_loop3A_801, %parallel_loop3A_807#0, %parallel_loop3A_807#1, %parallel_loop3A_807#2, %parallel_loop3A_807#3, %parallel_loop3A_807#4, %parallel_loop3A_807#5, %parallel_loop3A_807#6, %parallel_loop3A_807#7 : vector<16xi32>, i32, vector<16xf32>, vector<16xf32>, vector<16xf32>, vector<16xf32>, vector<16xf32>, vector<16xf32>, vector<16xf32>, vector<16xf32>
      } {sc.loop_unroll_factor = 2 : i64, sc.parallel_access}
      %scatter3A_631 = arith.constant 0 : i32
      %scatter3A_632 = tpu.memref_slice %arg13[%scatter3A_631] : memref<65536xf32, #tpu.memory_space<vmem>> -> memref<65536xf32, #tpu.memory_space<vmem>>
      tpu.vector_store_idx %scatter3A_632[%parallel_loop3A_630#0], %parallel_loop3A_630#2 {add = true} : memref<65536xf32, #tpu.memory_space<vmem>>[vector<16xi32>], vector<16xf32>,
      %scatter3A_633 = arith.constant 16 : i32
      %scatter3A_634 = tpu.memref_slice %arg13[%scatter3A_633] : memref<65536xf32, #tpu.memory_space<vmem>> -> memref<65520xf32, #tpu.memory_space<vmem>>
      tpu.vector_store_idx %scatter3A_634[%parallel_loop3A_630#0], %parallel_loop3A_630#3 {add = true} : memref<65520xf32, #tpu.memory_space<vmem>>[vector<16xi32>], vector<16xf32>,
      %scatter3A_635 = arith.constant 32 : i32
      %scatter3A_636 = tpu.memref_slice %arg13[%scatter3A_635] : memref<65536xf32, #tpu.memory_space<vmem>> -> memref<65504xf32, #tpu.memory_space<vmem>>
      tpu.vector_store_idx %scatter3A_636[%parallel_loop3A_630#0], %parallel_loop3A_630#4 {add = true} : memref<65504xf32, #tpu.memory_space<vmem>>[vector<16xi32>], vector<16xf32>,
      %scatter3A_637 = arith.constant 48 : i32
      %scatter3A_638 = tpu.memref_slice %arg13[%scatter3A_637] : memref<65536xf32, #tpu.memory_space<vmem>> -> memref<65488xf32, #tpu.memory_space<vmem>>
      tpu.vector_store_idx %scatter3A_638[%parallel_loop3A_630#0], %parallel_loop3A_630#5 {add = true} : memref<65488xf32, #tpu.memory_space<vmem>>[vector<16xi32>], vector<16xf32>,
      %scatter3A_639 = arith.constant 64 : i32
      %scatter3A_640 = tpu.memref_slice %arg13[%scatter3A_639] : memref<65536xf32, #tpu.memory_space<vmem>> -> memref<65472xf32, #tpu.memory_space<vmem>>
      tpu.vector_store_idx %scatter3A_640[%parallel_loop3A_630#0], %parallel_loop3A_630#6 {add = true} : memref<65472xf32, #tpu.memory_space<vmem>>[vector<16xi32>], vector<16xf32>,
      %scatter3A_641 = arith.constant 80 : i32
      %scatter3A_642 = tpu.memref_slice %arg13[%scatter3A_641] : memref<65536xf32, #tpu.memory_space<vmem>> -> memref<65456xf32, #tpu.memory_space<vmem>>
      tpu.vector_store_idx %scatter3A_642[%parallel_loop3A_630#0], %parallel_loop3A_630#7 {add = true} : memref<65456xf32, #tpu.memory_space<vmem>>[vector<16xi32>], vector<16xf32>,
      %scatter3A_643 = arith.constant 96 : i32
      %scatter3A_644 = tpu.memref_slice %arg13[%scatter3A_643] : memref<65536xf32, #tpu.memory_space<vmem>> -> memref<65440xf32, #tpu.memory_space<vmem>>
      tpu.vector_store_idx %scatter3A_644[%parallel_loop3A_630#0], %parallel_loop3A_630#8 {add = true} : memref<65440xf32, #tpu.memory_space<vmem>>[vector<16xi32>], vector<16xf32>,
      %scatter3A_645 = arith.constant 112 : i32
      %scatter3A_646 = tpu.memref_slice %arg13[%scatter3A_645] : memref<65536xf32, #tpu.memory_space<vmem>> -> memref<65424xf32, #tpu.memory_space<vmem>>
      tpu.vector_store_idx %scatter3A_646[%parallel_loop3A_630#0], %parallel_loop3A_630#9 {add = true} : memref<65424xf32, #tpu.memory_space<vmem>>[vector<16xi32>], vector<16xf32>,
      %add3A_647 = arith.constant 2 : i32
      %add3A_648 = arith.addi %add3A_487, %add3A_647 : i32
      %mul3A_649 = arith.constant 128 : i32
      %mul3A_650 = arith.muli %add3A_648, %mul3A_649 : i32
      %add3A_651 = arith.addi %sub3A, %mul3A_650 : i32
      %multiple_of3A_652 = tpu.assume_multiple %add3A_651, 8 : i32
      %dma_start3A_653 = arith.constant 1 : i32
      %dma_start3A_654 = arith.constant 0 : i32
      %dma_start3A_655 = tpu.memref_slice %arg9[%dma_start3A_653, %dma_start3A_654] : memref<2x128xi32, #tpu.memory_space<vmem>> -> memref<1x128xi32, #tpu.memory_space<vmem>>
      %dma_start3A_656 = tpu.memref_squeeze %dma_start3A_655 : memref<1x128xi32, #tpu.memory_space<vmem>> -> memref<128xi32, #tpu.memory_space<vmem>>
      %dma_start3A_657 = tpu.memref_slice %arg2[%multiple_of3A_652] : memref<426496xi32, #tpu.memory_space<hbm>> -> memref<128xi32, #tpu.memory_space<hbm>>
      %dma_start3A_658 = arith.constant 0 : i32
      %dma_start3A_659 = tpu.memref_slice %arg9[%dma_start3A_653, %dma_start3A_658] : memref<2x128xi32, #tpu.memory_space<vmem>> -> memref<1x128xi32, #tpu.memory_space<vmem>>
      %dma_start3A_660 = tpu.memref_squeeze %dma_start3A_659 : memref<1x128xi32, #tpu.memory_space<vmem>> -> memref<128xi32, #tpu.memory_space<vmem>>
      %dma_start3A_661 = tpu.memref_slice %arg2[%multiple_of3A_652] : memref<426496xi32, #tpu.memory_space<hbm>> -> memref<128xi32, #tpu.memory_space<hbm>>
      tpu.enqueue_dma source(%dma_start3A_661 : memref<128xi32, #tpu.memory_space<hbm>>) target(%dma_start3A_660 : memref<128xi32, #tpu.memory_space<vmem>>) target_semaphore(%arg15 : memref<!tpu.dma_semaphore, #tpu.memory_space<semaphore_mem>>)
      %dma_start3A_662 = arith.constant 1 : i32
      %dma_start3A_663 = arith.constant 0 : i32
      %dma_start3A_664 = tpu.memref_slice %arg10[%dma_start3A_662, %dma_start3A_663] : memref<2x128xi32, #tpu.memory_space<vmem>> -> memref<1x128xi32, #tpu.memory_space<vmem>>
      %dma_start3A_665 = tpu.memref_squeeze %dma_start3A_664 : memref<1x128xi32, #tpu.memory_space<vmem>> -> memref<128xi32, #tpu.memory_space<vmem>>
      %dma_start3A_666 = tpu.memref_slice %arg3[%multiple_of3A_652] : memref<426496xi32, #tpu.memory_space<hbm>> -> memref<128xi32, #tpu.memory_space<hbm>>
      %dma_start3A_667 = arith.constant 0 : i32
      %dma_start3A_668 = tpu.memref_slice %arg10[%dma_start3A_662, %dma_start3A_667] : memref<2x128xi32, #tpu.memory_space<vmem>> -> memref<1x128xi32, #tpu.memory_space<vmem>>
      %dma_start3A_669 = tpu.memref_squeeze %dma_start3A_668 : memref<1x128xi32, #tpu.memory_space<vmem>> -> memref<128xi32, #tpu.memory_space<vmem>>
      %dma_start3A_670 = tpu.memref_slice %arg3[%multiple_of3A_652] : memref<426496xi32, #tpu.memory_space<hbm>> -> memref<128xi32, #tpu.memory_space<hbm>>
      tpu.enqueue_dma source(%dma_start3A_670 : memref<128xi32, #tpu.memory_space<hbm>>) target(%dma_start3A_669 : memref<128xi32, #tpu.memory_space<vmem>>) target_semaphore(%arg15 : memref<!tpu.dma_semaphore, #tpu.memory_space<semaphore_mem>>)
      %dma_start3A_671 = arith.constant 1 : i32
      %dma_start3A_672 = arith.constant 0 : i32
      %dma_start3A_673 = tpu.memref_slice %arg11[%dma_start3A_671, %dma_start3A_672] : memref<2x128xf32, #tpu.memory_space<vmem>> -> memref<1x128xf32, #tpu.memory_space<vmem>>
      %dma_start3A_674 = tpu.memref_squeeze %dma_start3A_673 : memref<1x128xf32, #tpu.memory_space<vmem>> -> memref<128xf32, #tpu.memory_space<vmem>>
      %dma_start3A_675 = tpu.memref_slice %arg4[%multiple_of3A_652] : memref<426496xf32, #tpu.memory_space<hbm>> -> memref<128xf32, #tpu.memory_space<hbm>>
      %dma_start3A_676 = arith.constant 0 : i32
      %dma_start3A_677 = tpu.memref_slice %arg11[%dma_start3A_671, %dma_start3A_676] : memref<2x128xf32, #tpu.memory_space<vmem>> -> memref<1x128xf32, #tpu.memory_space<vmem>>
      %dma_start3A_678 = tpu.memref_squeeze %dma_start3A_677 : memref<1x128xf32, #tpu.memory_space<vmem>> -> memref<128xf32, #tpu.memory_space<vmem>>
      %dma_start3A_679 = tpu.memref_slice %arg4[%multiple_of3A_652] : memref<426496xf32, #tpu.memory_space<hbm>> -> memref<128xf32, #tpu.memory_space<hbm>>
      tpu.enqueue_dma source(%dma_start3A_679 : memref<128xf32, #tpu.memory_space<hbm>>) target(%dma_start3A_678 : memref<128xf32, #tpu.memory_space<vmem>>) target_semaphore(%arg15 : memref<!tpu.dma_semaphore, #tpu.memory_space<semaphore_mem>>)
      %while3A_680 = arith.constant 0 : i32
      scf.yield %while3A_680 : i32
    }
    %while3A_206 = arith.constant 1 : i32
    %while3A_207 = scf.for %while3A_291 = %while3A_203 to %while3A_199 step %while3A_206 iter_args(%while3A_292 = %while3A_205) -> (i32)  : i32 {
      %mul3A_293 = arith.constant 2 : i32
      %mul3A_294 = arith.muli %mul3A_293, %while3A_291 : i32
      %dma_wait3A_295 = arith.constant 1 : i32
      %dma_wait3A_296 = arith.constant 0 : i32
      %dma_wait3A_297 = tpu.memref_slice %arg9[%dma_wait3A_295, %dma_wait3A_296] : memref<2x128xi32, #tpu.memory_space<vmem>> -> memref<1x128xi32, #tpu.memory_space<vmem>>
      %dma_wait3A_298 = tpu.memref_squeeze %dma_wait3A_297 : memref<1x128xi32, #tpu.memory_space<vmem>> -> memref<128xi32, #tpu.memory_space<vmem>>
      %dma_wait3A_299 = arith.constant 0 : i32
      %dma_wait3A_300 = tpu.memref_slice %arg2[%dma_wait3A_299] : memref<426496xi32, #tpu.memory_space<hbm>> -> memref<128xi32, #tpu.memory_space<hbm>>
      %dma_wait3A_301 = arith.constant 0 : i32
      %dma_wait3A_302 = tpu.memref_slice %arg9[%dma_wait3A_295, %dma_wait3A_301] : memref<2x128xi32, #tpu.memory_space<vmem>> -> memref<1x128xi32, #tpu.memory_space<vmem>>
      %dma_wait3A_303 = tpu.memref_squeeze %dma_wait3A_302 : memref<1x128xi32, #tpu.memory_space<vmem>> -> memref<128xi32, #tpu.memory_space<vmem>>
      %dma_wait3A_304 = arith.constant 0 : i32
      %dma_wait3A_305 = tpu.memref_slice %arg2[%dma_wait3A_304] : memref<426496xi32, #tpu.memory_space<hbm>> -> memref<128xi32, #tpu.memory_space<hbm>>
      tpu.wait_dma2 semaphore(%arg15 : memref<!tpu.dma_semaphore, #tpu.memory_space<semaphore_mem>>) src(%dma_wait3A_305 : memref<128xi32, #tpu.memory_space<hbm>>) dst(%dma_wait3A_303 : memref<128xi32, #tpu.memory_space<vmem>>)
      %dma_wait3A_306 = arith.constant 1 : i32
      %dma_wait3A_307 = arith.constant 0 : i32
      %dma_wait3A_308 = tpu.memref_slice %arg10[%dma_wait3A_306, %dma_wait3A_307] : memref<2x128xi32, #tpu.memory_space<vmem>> -> memref<1x128xi32, #tpu.memory_space<vmem>>
      %dma_wait3A_309 = tpu.memref_squeeze %dma_wait3A_308 : memref<1x128xi32, #tpu.memory_space<vmem>> -> memref<128xi32, #tpu.memory_space<vmem>>
      %dma_wait3A_310 = arith.constant 0 : i32
      %dma_wait3A_311 = tpu.memref_slice %arg3[%dma_wait3A_310] : memref<426496xi32, #tpu.memory_space<hbm>> -> memref<128xi32, #tpu.memory_space<hbm>>
      %dma_wait3A_312 = arith.constant 0 : i32
      %dma_wait3A_313 = tpu.memref_slice %arg10[%dma_wait3A_306, %dma_wait3A_312] : memref<2x128xi32, #tpu.memory_space<vmem>> -> memref<1x128xi32, #tpu.memory_space<vmem>>
      %dma_wait3A_314 = tpu.memref_squeeze %dma_wait3A_313 : memref<1x128xi32, #tpu.memory_space<vmem>> -> memref<128xi32, #tpu.memory_space<vmem>>
      %dma_wait3A_315 = arith.constant 0 : i32
      %dma_wait3A_316 = tpu.memref_slice %arg3[%dma_wait3A_315] : memref<426496xi32, #tpu.memory_space<hbm>> -> memref<128xi32, #tpu.memory_space<hbm>>
      tpu.wait_dma2 semaphore(%arg15 : memref<!tpu.dma_semaphore, #tpu.memory_space<semaphore_mem>>) src(%dma_wait3A_316 : memref<128xi32, #tpu.memory_space<hbm>>) dst(%dma_wait3A_314 : memref<128xi32, #tpu.memory_space<vmem>>)
      %dma_wait3A_317 = arith.constant 1 : i32
      %dma_wait3A_318 = arith.constant 0 : i32
      %dma_wait3A_319 = tpu.memref_slice %arg11[%dma_wait3A_317, %dma_wait3A_318] : memref<2x128xf32, #tpu.memory_space<vmem>> -> memref<1x128xf32, #tpu.memory_space<vmem>>
      %dma_wait3A_320 = tpu.memref_squeeze %dma_wait3A_319 : memref<1x128xf32, #tpu.memory_space<vmem>> -> memref<128xf32, #tpu.memory_space<vmem>>
      %dma_wait3A_321 = arith.constant 0 : i32
      %dma_wait3A_322 = tpu.memref_slice %arg4[%dma_wait3A_321] : memref<426496xf32, #tpu.memory_space<hbm>> -> memref<128xf32, #tpu.memory_space<hbm>>
      %dma_wait3A_323 = arith.constant 0 : i32
      %dma_wait3A_324 = tpu.memref_slice %arg11[%dma_wait3A_317, %dma_wait3A_323] : memref<2x128xf32, #tpu.memory_space<vmem>> -> memref<1x128xf32, #tpu.memory_space<vmem>>
      %dma_wait3A_325 = tpu.memref_squeeze %dma_wait3A_324 : memref<1x128xf32, #tpu.memory_space<vmem>> -> memref<128xf32, #tpu.memory_space<vmem>>
      %dma_wait3A_326 = arith.constant 0 : i32
      %dma_wait3A_327 = tpu.memref_slice %arg4[%dma_wait3A_326] : memref<426496xf32, #tpu.memory_space<hbm>> -> memref<128xf32, #tpu.memory_space<hbm>>
      tpu.wait_dma2 semaphore(%arg15 : memref<!tpu.dma_semaphore, #tpu.memory_space<semaphore_mem>>) src(%dma_wait3A_327 : memref<128xf32, #tpu.memory_space<hbm>>) dst(%dma_wait3A_325 : memref<128xf32, #tpu.memory_space<vmem>>)
      %dma_start3A_328 = arith.constant 1 : i32
      %dma_start3A_329 = arith.constant 1 : i32
      %dma_start3A_330 = arith.constant 0 : i32
      %dma_start3A_331 = arith.constant 0 : i32
      %dma_start3A_332 = tpu.memref_slice %arg12[%dma_start3A_329, %dma_start3A_330, %dma_start3A_331] : memref<2x128x128xf32, #tpu.memory_space<vmem>> -> memref<1x32x128xf32, #tpu.memory_space<vmem>>
      %dma_start3A_333 = tpu.memref_squeeze %dma_start3A_332 : memref<1x32x128xf32, #tpu.memory_space<vmem>> -> memref<32x128xf32, #tpu.memory_space<vmem>>
      %dma_start3A_334 = arith.constant 0 : i32
      %dma_start3A_335 = tpu.memref_slice %arg9[%dma_start3A_328, %dma_start3A_334] : memref<2x128xi32, #tpu.memory_space<vmem>> -> memref<1x32xi32, #tpu.memory_space<vmem>>
      %dma_start3A_336 = tpu.memref_squeeze %dma_start3A_335 : memref<1x32xi32, #tpu.memory_space<vmem>> -> memref<32xi32, #tpu.memory_space<vmem>>
      %dma_start3A_337 = arith.constant 0 : i32
      %dma_start3A_338 = arith.constant 0 : i32
      %dma_start3A_339 = tpu.memref_slice %arg5[%dma_start3A_337, %dma_start3A_338] : memref<1048576x128xf32, #tpu.memory_space<hbm>> -> memref<1048576x128xf32, #tpu.memory_space<hbm>>
      tpu.enqueue_indirect_dma source(%dma_start3A_339 : memref<1048576x128xf32, #tpu.memory_space<hbm>>) target(%dma_start3A_333 : memref<32x128xf32, #tpu.memory_space<vmem>>) offsets(%dma_start3A_336 : memref<32xi32, #tpu.memory_space<vmem>>) semaphore(%arg17 : memref<!tpu.dma_semaphore, #tpu.memory_space<semaphore_mem>>)
      %dma_start3A_340 = arith.constant 1 : i32
      %dma_start3A_341 = arith.constant 1 : i32
      %dma_start3A_342 = arith.constant 32 : i32
      %dma_start3A_343 = arith.constant 0 : i32
      %dma_start3A_344 = tpu.memref_slice %arg12[%dma_start3A_341, %dma_start3A_342, %dma_start3A_343] : memref<2x128x128xf32, #tpu.memory_space<vmem>> -> memref<1x32x128xf32, #tpu.memory_space<vmem>>
      %dma_start3A_345 = tpu.memref_squeeze %dma_start3A_344 : memref<1x32x128xf32, #tpu.memory_space<vmem>> -> memref<32x128xf32, #tpu.memory_space<vmem>>
      %dma_start3A_346 = arith.constant 32 : i32
      %dma_start3A_347 = tpu.memref_slice %arg9[%dma_start3A_340, %dma_start3A_346] : memref<2x128xi32, #tpu.memory_space<vmem>> -> memref<1x32xi32, #tpu.memory_space<vmem>>
      %dma_start3A_348 = tpu.memref_squeeze %dma_start3A_347 : memref<1x32xi32, #tpu.memory_space<vmem>> -> memref<32xi32, #tpu.memory_space<vmem>>
      %dma_start3A_349 = arith.constant 0 : i32
      %dma_start3A_350 = arith.constant 0 : i32
      %dma_start3A_351 = tpu.memref_slice %arg5[%dma_start3A_349, %dma_start3A_350] : memref<1048576x128xf32, #tpu.memory_space<hbm>> -> memref<1048576x128xf32, #tpu.memory_space<hbm>>
      tpu.enqueue_indirect_dma source(%dma_start3A_351 : memref<1048576x128xf32, #tpu.memory_space<hbm>>) target(%dma_start3A_345 : memref<32x128xf32, #tpu.memory_space<vmem>>) offsets(%dma_start3A_348 : memref<32xi32, #tpu.memory_space<vmem>>) semaphore(%arg17 : memref<!tpu.dma_semaphore, #tpu.memory_space<semaphore_mem>>)
      %dma_start3A_352 = arith.constant 1 : i32
      %dma_start3A_353 = arith.constant 1 : i32
      %dma_start3A_354 = arith.constant 64 : i32
      %dma_start3A_355 = arith.constant 0 : i32
      %dma_start3A_356 = tpu.memref_slice %arg12[%dma_start3A_353, %dma_start3A_354, %dma_start3A_355] : memref<2x128x128xf32, #tpu.memory_space<vmem>> -> memref<1x32x128xf32, #tpu.memory_space<vmem>>
      %dma_start3A_357 = tpu.memref_squeeze %dma_start3A_356 : memref<1x32x128xf32, #tpu.memory_space<vmem>> -> memref<32x128xf32, #tpu.memory_space<vmem>>
      %dma_start3A_358 = arith.constant 64 : i32
      %dma_start3A_359 = tpu.memref_slice %arg9[%dma_start3A_352, %dma_start3A_358] : memref<2x128xi32, #tpu.memory_space<vmem>> -> memref<1x32xi32, #tpu.memory_space<vmem>>
      %dma_start3A_360 = tpu.memref_squeeze %dma_start3A_359 : memref<1x32xi32, #tpu.memory_space<vmem>> -> memref<32xi32, #tpu.memory_space<vmem>>
      %dma_start3A_361 = arith.constant 0 : i32
      %dma_start3A_362 = arith.constant 0 : i32
      %dma_start3A_363 = tpu.memref_slice %arg5[%dma_start3A_361, %dma_start3A_362] : memref<1048576x128xf32, #tpu.memory_space<hbm>> -> memref<1048576x128xf32, #tpu.memory_space<hbm>>
      tpu.enqueue_indirect_dma source(%dma_start3A_363 : memref<1048576x128xf32, #tpu.memory_space<hbm>>) target(%dma_start3A_357 : memref<32x128xf32, #tpu.memory_space<vmem>>) offsets(%dma_start3A_360 : memref<32xi32, #tpu.memory_space<vmem>>) semaphore(%arg17 : memref<!tpu.dma_semaphore, #tpu.memory_space<semaphore_mem>>)
      %dma_start3A_364 = arith.constant 1 : i32
      %dma_start3A_365 = arith.constant 1 : i32
      %dma_start3A_366 = arith.constant 96 : i32
      %dma_start3A_367 = arith.constant 0 : i32
      %dma_start3A_368 = tpu.memref_slice %arg12[%dma_start3A_365, %dma_start3A_366, %dma_start3A_367] : memref<2x128x128xf32, #tpu.memory_space<vmem>> -> memref<1x32x128xf32, #tpu.memory_space<vmem>>
      %dma_start3A_369 = tpu.memref_squeeze %dma_start3A_368 : memref<1x32x128xf32, #tpu.memory_space<vmem>> -> memref<32x128xf32, #tpu.memory_space<vmem>>
      %dma_start3A_370 = arith.constant 96 : i32
      %dma_start3A_371 = tpu.memref_slice %arg9[%dma_start3A_364, %dma_start3A_370] : memref<2x128xi32, #tpu.memory_space<vmem>> -> memref<1x32xi32, #tpu.memory_space<vmem>>
      %dma_start3A_372 = tpu.memref_squeeze %dma_start3A_371 : memref<1x32xi32, #tpu.memory_space<vmem>> -> memref<32xi32, #tpu.memory_space<vmem>>
      %dma_start3A_373 = arith.constant 0 : i32
      %dma_start3A_374 = arith.constant 0 : i32
      %dma_start3A_375 = tpu.memref_slice %arg5[%dma_start3A_373, %dma_start3A_374] : memref<1048576x128xf32, #tpu.memory_space<hbm>> -> memref<1048576x128xf32, #tpu.memory_space<hbm>>
      tpu.enqueue_indirect_dma source(%dma_start3A_375 : memref<1048576x128xf32, #tpu.memory_space<hbm>>) target(%dma_start3A_369 : memref<32x128xf32, #tpu.memory_space<vmem>>) offsets(%dma_start3A_372 : memref<32xi32, #tpu.memory_space<vmem>>) semaphore(%arg17 : memref<!tpu.dma_semaphore, #tpu.memory_space<semaphore_mem>>)
      %dma_wait3A_376 = arith.constant 0 : i32
      %dma_wait3A_377 = arith.constant 0 : i32
      %dma_wait3A_378 = arith.constant 0 : i32
      %dma_wait3A_379 = arith.constant 0 : i32
      %dma_wait3A_380 = tpu.memref_slice %arg12[%dma_wait3A_377, %dma_wait3A_378, %dma_wait3A_379] : memref<2x128x128xf32, #tpu.memory_space<vmem>> -> memref<1x32x128xf32, #tpu.memory_space<vmem>>
      %dma_wait3A_381 = tpu.memref_squeeze %dma_wait3A_380 : memref<1x32x128xf32, #tpu.memory_space<vmem>> -> memref<32x128xf32, #tpu.memory_space<vmem>>
      %dma_wait3A_382 = arith.constant 0 : i32
      %dma_wait3A_383 = tpu.memref_slice %arg9[%dma_wait3A_376, %dma_wait3A_382] : memref<2x128xi32, #tpu.memory_space<vmem>> -> memref<1x32xi32, #tpu.memory_space<vmem>>
      %dma_wait3A_384 = tpu.memref_squeeze %dma_wait3A_383 : memref<1x32xi32, #tpu.memory_space<vmem>> -> memref<32xi32, #tpu.memory_space<vmem>>
      %dma_wait3A_385 = arith.constant 0 : i32
      %dma_wait3A_386 = arith.constant 0 : i32
      %dma_wait3A_387 = tpu.memref_slice %arg5[%dma_wait3A_385, %dma_wait3A_386] : memref<1048576x128xf32, #tpu.memory_space<hbm>> -> memref<1048576x128xf32, #tpu.memory_space<hbm>>
      tpu.wait_indirect_dma semaphore(%arg16 : memref<!tpu.dma_semaphore, #tpu.memory_space<semaphore_mem>>) src(%dma_wait3A_387 : memref<1048576x128xf32, #tpu.memory_space<hbm>>) dst(%dma_wait3A_381 : memref<32x128xf32, #tpu.memory_space<vmem>>)
      %dma_wait3A_388 = arith.constant 0 : i32
      %dma_wait3A_389 = arith.constant 0 : i32
      %dma_wait3A_390 = arith.constant 32 : i32
      %dma_wait3A_391 = arith.constant 0 : i32
      %dma_wait3A_392 = tpu.memref_slice %arg12[%dma_wait3A_389, %dma_wait3A_390, %dma_wait3A_391] : memref<2x128x128xf32, #tpu.memory_space<vmem>> -> memref<1x32x128xf32, #tpu.memory_space<vmem>>
      %dma_wait3A_393 = tpu.memref_squeeze %dma_wait3A_392 : memref<1x32x128xf32, #tpu.memory_space<vmem>> -> memref<32x128xf32, #tpu.memory_space<vmem>>
      %dma_wait3A_394 = arith.constant 32 : i32
      %dma_wait3A_395 = tpu.memref_slice %arg9[%dma_wait3A_388, %dma_wait3A_394] : memref<2x128xi32, #tpu.memory_space<vmem>> -> memref<1x32xi32, #tpu.memory_space<vmem>>
      %dma_wait3A_396 = tpu.memref_squeeze %dma_wait3A_395 : memref<1x32xi32, #tpu.memory_space<vmem>> -> memref<32xi32, #tpu.memory_space<vmem>>
      %dma_wait3A_397 = arith.constant 0 : i32
      %dma_wait3A_398 = arith.constant 0 : i32
      %dma_wait3A_399 = tpu.memref_slice %arg5[%dma_wait3A_397, %dma_wait3A_398] : memref<1048576x128xf32, #tpu.memory_space<hbm>> -> memref<1048576x128xf32, #tpu.memory_space<hbm>>
      tpu.wait_indirect_dma semaphore(%arg16 : memref<!tpu.dma_semaphore, #tpu.memory_space<semaphore_mem>>) src(%dma_wait3A_399 : memref<1048576x128xf32, #tpu.memory_space<hbm>>) dst(%dma_wait3A_393 : memref<32x128xf32, #tpu.memory_space<vmem>>)
      %dma_wait3A_400 = arith.constant 0 : i32
      %dma_wait3A_401 = arith.constant 0 : i32
      %dma_wait3A_402 = arith.constant 64 : i32
      %dma_wait3A_403 = arith.constant 0 : i32
      %dma_wait3A_404 = tpu.memref_slice %arg12[%dma_wait3A_401, %dma_wait3A_402, %dma_wait3A_403] : memref<2x128x128xf32, #tpu.memory_space<vmem>> -> memref<1x32x128xf32, #tpu.memory_space<vmem>>
      %dma_wait3A_405 = tpu.memref_squeeze %dma_wait3A_404 : memref<1x32x128xf32, #tpu.memory_space<vmem>> -> memref<32x128xf32, #tpu.memory_space<vmem>>
      %dma_wait3A_406 = arith.constant 64 : i32
      %dma_wait3A_407 = tpu.memref_slice %arg9[%dma_wait3A_400, %dma_wait3A_406] : memref<2x128xi32, #tpu.memory_space<vmem>> -> memref<1x32xi32, #tpu.memory_space<vmem>>
      %dma_wait3A_408 = tpu.memref_squeeze %dma_wait3A_407 : memref<1x32xi32, #tpu.memory_space<vmem>> -> memref<32xi32, #tpu.memory_space<vmem>>
      %dma_wait3A_409 = arith.constant 0 : i32
      %dma_wait3A_410 = arith.constant 0 : i32
      %dma_wait3A_411 = tpu.memref_slice %arg5[%dma_wait3A_409, %dma_wait3A_410] : memref<1048576x128xf32, #tpu.memory_space<hbm>> -> memref<1048576x128xf32, #tpu.memory_space<hbm>>
      tpu.wait_indirect_dma semaphore(%arg16 : memref<!tpu.dma_semaphore, #tpu.memory_space<semaphore_mem>>) src(%dma_wait3A_411 : memref<1048576x128xf32, #tpu.memory_space<hbm>>) dst(%dma_wait3A_405 : memref<32x128xf32, #tpu.memory_space<vmem>>)
      %dma_wait3A_412 = arith.constant 0 : i32
      %dma_wait3A_413 = arith.constant 0 : i32
      %dma_wait3A_414 = arith.constant 96 : i32
      %dma_wait3A_415 = arith.constant 0 : i32
      %dma_wait3A_416 = tpu.memref_slice %arg12[%dma_wait3A_413, %dma_wait3A_414, %dma_wait3A_415] : memref<2x128x128xf32, #tpu.memory_space<vmem>> -> memref<1x32x128xf32, #tpu.memory_space<vmem>>
      %dma_wait3A_417 = tpu.memref_squeeze %dma_wait3A_416 : memref<1x32x128xf32, #tpu.memory_space<vmem>> -> memref<32x128xf32, #tpu.memory_space<vmem>>
      %dma_wait3A_418 = arith.constant 96 : i32
      %dma_wait3A_419 = tpu.memref_slice %arg9[%dma_wait3A_412, %dma_wait3A_418] : memref<2x128xi32, #tpu.memory_space<vmem>> -> memref<1x32xi32, #tpu.memory_space<vmem>>
      %dma_wait3A_420 = tpu.memref_squeeze %dma_wait3A_419 : memref<1x32xi32, #tpu.memory_space<vmem>> -> memref<32xi32, #tpu.memory_space<vmem>>
      %dma_wait3A_421 = arith.constant 0 : i32
      %dma_wait3A_422 = arith.constant 0 : i32
      %dma_wait3A_423 = tpu.memref_slice %arg5[%dma_wait3A_421, %dma_wait3A_422] : memref<1048576x128xf32, #tpu.memory_space<hbm>> -> memref<1048576x128xf32, #tpu.memory_space<hbm>>
      tpu.wait_indirect_dma semaphore(%arg16 : memref<!tpu.dma_semaphore, #tpu.memory_space<semaphore_mem>>) src(%dma_wait3A_423 : memref<1048576x128xf32, #tpu.memory_space<hbm>>) dst(%dma_wait3A_417 : memref<32x128xf32, #tpu.memory_space<vmem>>)
      %mul3A_424 = arith.constant 128 : i32
      %mul3A_425 = arith.muli %mul3A_294, %mul3A_424 : i32
      %add3A_426 = arith.addi %sub3A, %mul3A_425 : i32
      %multiple_of3A_427 = tpu.assume_multiple %add3A_426, 8 : i32
      %parallel_loop3A_428 = arith.constant 0 : i32
      %parallel_loop3A_429 = arith.constant 8 : i32
      %parallel_loop3A_430 = arith.constant 1 : i32
      scf.for %parallel_loop3A_681 = %parallel_loop3A_428 to %parallel_loop3A_429 step %parallel_loop3A_430  : i32 {
        %parallel_loop3A_682 = arith.constant 16 : i32
        %parallel_loop3A_683 = arith.muli %parallel_loop3A_681, %parallel_loop3A_682 : i32
        %parallel_loop3A_684 = arith.constant 16 : i32
        %parallel_loop3A_685 = arith.muli %parallel_loop3A_681, %parallel_loop3A_684 : i32
        %parallel_loop3A_686 = arith.addi %multiple_of3A_427, %parallel_loop3A_685 : i32
        %parallel_loop3A_687 = vector.broadcast %parallel_loop3A_686 : i32 to vector<16xi32>
        %parallel_loop3A_688 = arith.addi %parallel_loop3A_687, %iota3A : vector<16xi32>
        %parallel_loop3A_689 = arith.constant 0 : i32
        %parallel_loop3A_690 = arith.index_cast %parallel_loop3A_689 : i32 to index
        %parallel_loop3A_691 = arith.index_cast %parallel_loop3A_683 : i32 to index
        %parallel_loop3A_692 = tpu.vector_load %arg10[%parallel_loop3A_690, %parallel_loop3A_691] {strides = array<i32>} : memref<2x128xi32, #tpu.memory_space<vmem>>, vector<16xi32>,
        %parallel_loop3A_693 = vector.broadcast %mul3A_2 : i32 to vector<16xi32>
        %parallel_loop3A_694 = arith.subi %parallel_loop3A_692, %parallel_loop3A_693 : vector<16xi32>
        %parallel_loop3A_695 = arith.constant 0 : i32
        %parallel_loop3A_696 = arith.constant 511 : i32
        %parallel_loop3A_697 = vector.broadcast %parallel_loop3A_695 : i32 to vector<16xi32>
        %parallel_loop3A_698 = arith.maxsi %parallel_loop3A_697, %parallel_loop3A_694 : vector<16xi32>
        %parallel_loop3A_699 = vector.broadcast %parallel_loop3A_696 : i32 to vector<16xi32>
        %parallel_loop3A_700 = arith.minsi %parallel_loop3A_699, %parallel_loop3A_698 : vector<16xi32>
        %parallel_loop3A_701 = arith.constant 128 : i32
        %parallel_loop3A_702 = vector.broadcast %parallel_loop3A_701 : i32 to vector<16xi32>
        %parallel_loop3A_703 = arith.muli %parallel_loop3A_700, %parallel_loop3A_702 : vector<16xi32>
        %parallel_loop3A_704 = arith.constant 0 : i32
        %parallel_loop3A_705 = arith.index_cast %parallel_loop3A_704 : i32 to index
        %parallel_loop3A_706 = arith.index_cast %parallel_loop3A_683 : i32 to index
        %parallel_loop3A_707 = tpu.vector_load %arg10[%parallel_loop3A_705, %parallel_loop3A_706] {strides = array<i32>} : memref<2x128xi32, #tpu.memory_space<vmem>>, vector<16xi32>,
        tpu.vector_store %arg10[%parallel_loop3A_705, %parallel_loop3A_706], %parallel_loop3A_703 {strides = array<i32>} : memref<2x128xi32, #tpu.memory_space<vmem>>, vector<16xi32>,
        %parallel_loop3A_708 = arith.constant 0 : i32
        %parallel_loop3A_709 = arith.index_cast %parallel_loop3A_708 : i32 to index
        %parallel_loop3A_710 = arith.index_cast %parallel_loop3A_683 : i32 to index
        %parallel_loop3A_711 = tpu.vector_load %arg11[%parallel_loop3A_709, %parallel_loop3A_710] {strides = array<i32>} : memref<2x128xf32, #tpu.memory_space<vmem>>, vector<16xf32>,
        %parallel_loop3A_712 = vector.broadcast %squeeze3A : i32 to vector<16xi32>
        %parallel_loop3A_713 = arith.cmpi sge, %parallel_loop3A_688, %parallel_loop3A_712 : vector<16xi32>
        %parallel_loop3A_714 = vector.broadcast %squeeze3A_5 : i32 to vector<16xi32>
        %parallel_loop3A_715 = arith.cmpi slt, %parallel_loop3A_688, %parallel_loop3A_714 : vector<16xi32>
        %parallel_loop3A_716 = arith.andi %parallel_loop3A_713, %parallel_loop3A_715 : vector<16xi1>
        %parallel_loop3A_717 = arith.constant 0.000000e+00 : f32
        %parallel_loop3A_718 = vector.broadcast %parallel_loop3A_717 : f32 to vector<16xf32>
        %parallel_loop3A_719 = arith.select %parallel_loop3A_716, %parallel_loop3A_711, %parallel_loop3A_718 : vector<16xi1>, vector<16xf32>
        %parallel_loop3A_720 = arith.constant 0 : i32
        %parallel_loop3A_721 = arith.index_cast %parallel_loop3A_720 : i32 to index
        %parallel_loop3A_722 = arith.index_cast %parallel_loop3A_683 : i32 to index
        %parallel_loop3A_723 = tpu.vector_load %arg11[%parallel_loop3A_721, %parallel_loop3A_722] {strides = array<i32>} : memref<2x128xf32, #tpu.memory_space<vmem>>, vector<16xf32>,
        tpu.vector_store %arg11[%parallel_loop3A_721, %parallel_loop3A_722], %parallel_loop3A_719 {strides = array<i32>} : memref<2x128xf32, #tpu.memory_space<vmem>>, vector<16xf32>,
      } {sc.loop_unroll_factor = 2 : i64, sc.parallel_access}
      %broadcast_in_dim3A_431 = arith.constant 0.000000e+00 : f32
      %broadcast_in_dim3A_432 = vector.broadcast %broadcast_in_dim3A_431 : f32 to vector<16xf32>
      %parallel_loop3A_433 = arith.constant 0 : i32
      %parallel_loop3A_434 = arith.constant 128 : i32
      %parallel_loop3A_435 = arith.constant 1 : i32
      %parallel_loop3A_436 = arith.constant -1 : i32
      %parallel_loop3A_437:10 = scf.for %parallel_loop3A_681 = %parallel_loop3A_433 to %parallel_loop3A_434 step %parallel_loop3A_435 iter_args(%parallel_loop3A_682 = %iota3A, %parallel_loop3A_683 = %parallel_loop3A_436, %parallel_loop3A_684 = %broadcast_in_dim3A_432, %parallel_loop3A_685 = %broadcast_in_dim3A_432, %parallel_loop3A_686 = %broadcast_in_dim3A_432, %parallel_loop3A_687 = %broadcast_in_dim3A_432, %parallel_loop3A_688 = %broadcast_in_dim3A_432, %parallel_loop3A_689 = %broadcast_in_dim3A_432, %parallel_loop3A_690 = %broadcast_in_dim3A_432, %parallel_loop3A_691 = %broadcast_in_dim3A_432) -> (vector<16xi32>, i32, vector<16xf32>, vector<16xf32>, vector<16xf32>, vector<16xf32>, vector<16xf32>, vector<16xf32>, vector<16xf32>, vector<16xf32>)  : i32 {
        %parallel_loop3A_692 = arith.constant 16 : i32
        %parallel_loop3A_693 = arith.divsi %parallel_loop3A_681, %parallel_loop3A_692 : i32
        %parallel_loop3A_694 = arith.constant 0 : i32
        %parallel_loop3A_695 = arith.cmpi sgt, %parallel_loop3A_681, %parallel_loop3A_694 : i32
        %parallel_loop3A_696 = arith.extui %parallel_loop3A_695 : i1 to i32
        %parallel_loop3A_697 = arith.constant 0 : i32
        %parallel_loop3A_698 = arith.cmpi slt, %parallel_loop3A_681, %parallel_loop3A_697 : i32
        %parallel_loop3A_699 = arith.extui %parallel_loop3A_698 : i1 to i32
        %parallel_loop3A_700 = arith.subi %parallel_loop3A_696, %parallel_loop3A_699 : i32
        %parallel_loop3A_701 = arith.constant 0 : i32
        %parallel_loop3A_702 = arith.cmpi sgt, %parallel_loop3A_692, %parallel_loop3A_701 : i32
        %parallel_loop3A_703 = arith.extui %parallel_loop3A_702 : i1 to i32
        %parallel_loop3A_704 = arith.constant 0 : i32
        %parallel_loop3A_705 = arith.cmpi slt, %parallel_loop3A_692, %parallel_loop3A_704 : i32
        %parallel_loop3A_706 = arith.extui %parallel_loop3A_705 : i1 to i32
        %parallel_loop3A_707 = arith.subi %parallel_loop3A_703, %parallel_loop3A_706 : i32
        %parallel_loop3A_708 = arith.cmpi ne, %parallel_loop3A_700, %parallel_loop3A_707 : i32
        %parallel_loop3A_709 = arith.remsi %parallel_loop3A_681, %parallel_loop3A_692 : i32
        %parallel_loop3A_710 = arith.constant 0 : i32
        %parallel_loop3A_711 = arith.cmpi ne, %parallel_loop3A_709, %parallel_loop3A_710 : i32
        %parallel_loop3A_712 = arith.andi %parallel_loop3A_708, %parallel_loop3A_711 : i1
        %parallel_loop3A_713 = arith.constant 1 : i32
        %parallel_loop3A_714 = arith.subi %parallel_loop3A_693, %parallel_loop3A_713 : i32
        %parallel_loop3A_715 = arith.select %parallel_loop3A_712, %parallel_loop3A_714, %parallel_loop3A_693 : i32
        %parallel_loop3A_716 = arith.constant 16 : i32
        %parallel_loop3A_717 = arith.muli %parallel_loop3A_715, %parallel_loop3A_716 : i32
        %parallel_loop3A_718 = arith.constant 0 : i32
        %parallel_loop3A_719 = vector.broadcast %parallel_loop3A_718 : i32 to vector<16xi32>
        %parallel_loop3A_720 = arith.subi %parallel_loop3A_681, %parallel_loop3A_717 : i32
        %parallel_loop3A_721 = vector.broadcast %parallel_loop3A_720 : i32 to vector<16xi32>
        %parallel_loop3A_722 = arith.addi %parallel_loop3A_719, %parallel_loop3A_721 : vector<16xi32>
        %parallel_loop3A_723 = arith.constant 0 : i32
        %parallel_loop3A_724 = arith.index_cast %parallel_loop3A_723 : i32 to index
        %parallel_loop3A_725 = arith.index_cast %parallel_loop3A_717 : i32 to index
        %parallel_loop3A_726 = tpu.vector_load %arg10[%parallel_loop3A_724, %parallel_loop3A_725] {strides = array<i32>} : memref<2x128xi32, #tpu.memory_space<vmem>>, vector<16xi32>,
        %parallel_loop3A_727 = arith.constant 0 : i32
        %parallel_loop3A_728 = arith.index_cast %parallel_loop3A_727 : i32 to index
        %parallel_loop3A_729 = arith.index_cast %parallel_loop3A_717 : i32 to index
        %parallel_loop3A_730 = tpu.vector_load %arg11[%parallel_loop3A_728, %parallel_loop3A_729] {strides = array<i32>} : memref<2x128xf32, #tpu.memory_space<vmem>>, vector<16xf32>,
        %parallel_loop3A_731 = arith.constant 0 : i32
        %parallel_loop3A_732 = vector.broadcast %parallel_loop3A_731 : i32 to vector<16xi32>
        %parallel_loop3A_733 = arith.cmpi slt, %parallel_loop3A_722, %parallel_loop3A_732 : vector<16xi32>
        %parallel_loop3A_734 = arith.constant 16 : i32
        %parallel_loop3A_735 = vector.broadcast %parallel_loop3A_734 : i32 to vector<16xi32>
        %parallel_loop3A_736 = arith.addi %parallel_loop3A_722, %parallel_loop3A_735 : vector<16xi32>
        %parallel_loop3A_737 = arith.select %parallel_loop3A_733, %parallel_loop3A_736, %parallel_loop3A_722 : vector<16xi1>, vector<16xi32>
        %parallel_loop3A_738 = vector.shape_cast %parallel_loop3A_737 : vector<16xi32> to vector<16x1xi32>
        %parallel_loop3A_739 = vector.shape_cast %parallel_loop3A_738 : vector<16x1xi32> to vector<16xi32>
        %parallel_loop3A_740 = tpu.dynamic_gather %parallel_loop3A_726[%parallel_loop3A_739] in [0] : vector<16xi32>, vector<16xi32> -> vector<16xi32>
        %parallel_loop3A_741 = arith.addi %parallel_loop3A_740, %iota3A : vector<16xi32>
        %parallel_loop3A_742 = arith.constant 0 : i32
        %parallel_loop3A_743 = vector.broadcast %parallel_loop3A_742 : i32 to vector<16xi32>
        %parallel_loop3A_744 = arith.cmpi slt, %parallel_loop3A_722, %parallel_loop3A_743 : vector<16xi32>
        %parallel_loop3A_745 = arith.constant 16 : i32
        %parallel_loop3A_746 = vector.broadcast %parallel_loop3A_745 : i32 to vector<16xi32>
        %parallel_loop3A_747 = arith.addi %parallel_loop3A_722, %parallel_loop3A_746 : vector<16xi32>
        %parallel_loop3A_748 = arith.select %parallel_loop3A_744, %parallel_loop3A_747, %parallel_loop3A_722 : vector<16xi1>, vector<16xi32>
        %parallel_loop3A_749 = vector.shape_cast %parallel_loop3A_748 : vector<16xi32> to vector<16x1xi32>
        %parallel_loop3A_750 = vector.shape_cast %parallel_loop3A_749 : vector<16x1xi32> to vector<16xi32>
        %parallel_loop3A_751 = tpu.dynamic_gather %parallel_loop3A_730[%parallel_loop3A_750] in [0] : vector<16xf32>, vector<16xi32> -> vector<16xf32>
        %parallel_loop3A_752 = arith.constant 0 : i32
        %parallel_loop3A_753 = arith.index_cast %parallel_loop3A_752 : i32 to index
        %parallel_loop3A_754 = arith.index_cast %parallel_loop3A_681 : i32 to index
        %parallel_loop3A_755 = arith.constant 0 : index
        %parallel_loop3A_756 = tpu.vector_load %arg12[%parallel_loop3A_753, %parallel_loop3A_754, %parallel_loop3A_755] {strides = array<i32>} : memref<2x128x128xf32, #tpu.memory_space<vmem>>, vector<16xf32>,
        %parallel_loop3A_757 = arith.mulf %parallel_loop3A_756, %parallel_loop3A_751 : vector<16xf32>
        %parallel_loop3A_758 = arith.constant 0 : i32
        %parallel_loop3A_759 = arith.index_cast %parallel_loop3A_758 : i32 to index
        %parallel_loop3A_760 = arith.index_cast %parallel_loop3A_681 : i32 to index
        %parallel_loop3A_761 = arith.constant 16 : index
        %parallel_loop3A_762 = tpu.vector_load %arg12[%parallel_loop3A_759, %parallel_loop3A_760, %parallel_loop3A_761] {strides = array<i32>} : memref<2x128x128xf32, #tpu.memory_space<vmem>>, vector<16xf32>,
        %parallel_loop3A_763 = arith.mulf %parallel_loop3A_762, %parallel_loop3A_751 : vector<16xf32>
        %parallel_loop3A_764 = arith.constant 0 : i32
        %parallel_loop3A_765 = arith.index_cast %parallel_loop3A_764 : i32 to index
        %parallel_loop3A_766 = arith.index_cast %parallel_loop3A_681 : i32 to index
        %parallel_loop3A_767 = arith.constant 32 : index
        %parallel_loop3A_768 = tpu.vector_load %arg12[%parallel_loop3A_765, %parallel_loop3A_766, %parallel_loop3A_767] {strides = array<i32>} : memref<2x128x128xf32, #tpu.memory_space<vmem>>, vector<16xf32>,
        %parallel_loop3A_769 = arith.mulf %parallel_loop3A_768, %parallel_loop3A_751 : vector<16xf32>
        %parallel_loop3A_770 = arith.constant 0 : i32
        %parallel_loop3A_771 = arith.index_cast %parallel_loop3A_770 : i32 to index
        %parallel_loop3A_772 = arith.index_cast %parallel_loop3A_681 : i32 to index
        %parallel_loop3A_773 = arith.constant 48 : index
        %parallel_loop3A_774 = tpu.vector_load %arg12[%parallel_loop3A_771, %parallel_loop3A_772, %parallel_loop3A_773] {strides = array<i32>} : memref<2x128x128xf32, #tpu.memory_space<vmem>>, vector<16xf32>,
        %parallel_loop3A_775 = arith.mulf %parallel_loop3A_774, %parallel_loop3A_751 : vector<16xf32>
        %parallel_loop3A_776 = arith.constant 0 : i32
        %parallel_loop3A_777 = arith.index_cast %parallel_loop3A_776 : i32 to index
        %parallel_loop3A_778 = arith.index_cast %parallel_loop3A_681 : i32 to index
        %parallel_loop3A_779 = arith.constant 64 : index
        %parallel_loop3A_780 = tpu.vector_load %arg12[%parallel_loop3A_777, %parallel_loop3A_778, %parallel_loop3A_779] {strides = array<i32>} : memref<2x128x128xf32, #tpu.memory_space<vmem>>, vector<16xf32>,
        %parallel_loop3A_781 = arith.mulf %parallel_loop3A_780, %parallel_loop3A_751 : vector<16xf32>
        %parallel_loop3A_782 = arith.constant 0 : i32
        %parallel_loop3A_783 = arith.index_cast %parallel_loop3A_782 : i32 to index
        %parallel_loop3A_784 = arith.index_cast %parallel_loop3A_681 : i32 to index
        %parallel_loop3A_785 = arith.constant 80 : index
        %parallel_loop3A_786 = tpu.vector_load %arg12[%parallel_loop3A_783, %parallel_loop3A_784, %parallel_loop3A_785] {strides = array<i32>} : memref<2x128x128xf32, #tpu.memory_space<vmem>>, vector<16xf32>,
        %parallel_loop3A_787 = arith.mulf %parallel_loop3A_786, %parallel_loop3A_751 : vector<16xf32>
        %parallel_loop3A_788 = arith.constant 0 : i32
        %parallel_loop3A_789 = arith.index_cast %parallel_loop3A_788 : i32 to index
        %parallel_loop3A_790 = arith.index_cast %parallel_loop3A_681 : i32 to index
        %parallel_loop3A_791 = arith.constant 96 : index
        %parallel_loop3A_792 = tpu.vector_load %arg12[%parallel_loop3A_789, %parallel_loop3A_790, %parallel_loop3A_791] {strides = array<i32>} : memref<2x128x128xf32, #tpu.memory_space<vmem>>, vector<16xf32>,
        %parallel_loop3A_793 = arith.mulf %parallel_loop3A_792, %parallel_loop3A_751 : vector<16xf32>
        %parallel_loop3A_794 = arith.constant 0 : i32
        %parallel_loop3A_795 = arith.index_cast %parallel_loop3A_794 : i32 to index
        %parallel_loop3A_796 = arith.index_cast %parallel_loop3A_681 : i32 to index
        %parallel_loop3A_797 = arith.constant 112 : index
        %parallel_loop3A_798 = tpu.vector_load %arg12[%parallel_loop3A_795, %parallel_loop3A_796, %parallel_loop3A_797] {strides = array<i32>} : memref<2x128x128xf32, #tpu.memory_space<vmem>>, vector<16xf32>,
        %parallel_loop3A_799 = arith.mulf %parallel_loop3A_798, %parallel_loop3A_751 : vector<16xf32>
        %parallel_loop3A_800 = vector.extract_strided_slice %parallel_loop3A_741 {offsets = [0], sizes = [1], strides = [1]} : vector<16xi32> to vector<1xi32>
        %parallel_loop3A_801 = vector.extract %parallel_loop3A_800[0] : i32 from vector<1xi32>
        %parallel_loop3A_802 = arith.cmpi eq, %parallel_loop3A_801, %parallel_loop3A_683 : i32
        %parallel_loop3A_803 = arith.extui %parallel_loop3A_802 : i1 to i32
        %parallel_loop3A_804 = arith.constant 0 : i32
        %parallel_loop3A_805 = arith.constant 0 : i32
        %parallel_loop3A_806 = arith.cmpi ne, %parallel_loop3A_803, %parallel_loop3A_805 : i32
        %parallel_loop3A_807:8 = scf.if %parallel_loop3A_806 -> (vector<16xf32>, vector<16xf32>, vector<16xf32>, vector<16xf32>, vector<16xf32>, vector<16xf32>, vector<16xf32>, vector<16xf32>) {
          %parallel_loop3A_808 = arith.addf %parallel_loop3A_684, %parallel_loop3A_757 : vector<16xf32>
          %parallel_loop3A_809 = arith.addf %parallel_loop3A_685, %parallel_loop3A_763 : vector<16xf32>
          %parallel_loop3A_810 = arith.addf %parallel_loop3A_686, %parallel_loop3A_769 : vector<16xf32>
          %parallel_loop3A_811 = arith.addf %parallel_loop3A_687, %parallel_loop3A_775 : vector<16xf32>
          %parallel_loop3A_812 = arith.addf %parallel_loop3A_688, %parallel_loop3A_781 : vector<16xf32>
          %parallel_loop3A_813 = arith.addf %parallel_loop3A_689, %parallel_loop3A_787 : vector<16xf32>
          %parallel_loop3A_814 = arith.addf %parallel_loop3A_690, %parallel_loop3A_793 : vector<16xf32>
          %parallel_loop3A_815 = arith.addf %parallel_loop3A_691, %parallel_loop3A_799 : vector<16xf32>
          scf.yield %parallel_loop3A_808, %parallel_loop3A_809, %parallel_loop3A_810, %parallel_loop3A_811, %parallel_loop3A_812, %parallel_loop3A_813, %parallel_loop3A_814, %parallel_loop3A_815 : vector<16xf32>, vector<16xf32>, vector<16xf32>, vector<16xf32>, vector<16xf32>, vector<16xf32>, vector<16xf32>, vector<16xf32>
        } else {
          %parallel_loop3A_808 = arith.constant 0 : i32
          %parallel_loop3A_809 = tpu.memref_slice %arg13[%parallel_loop3A_808] : memref<65536xf32, #tpu.memory_space<vmem>> -> memref<65536xf32, #tpu.memory_space<vmem>>
          tpu.vector_store_idx %parallel_loop3A_809[%parallel_loop3A_682], %parallel_loop3A_684 {add = true} : memref<65536xf32, #tpu.memory_space<vmem>>[vector<16xi32>], vector<16xf32>,
          %parallel_loop3A_810 = arith.constant 16 : i32
          %parallel_loop3A_811 = tpu.memref_slice %arg13[%parallel_loop3A_810] : memref<65536xf32, #tpu.memory_space<vmem>> -> memref<65520xf32, #tpu.memory_space<vmem>>
          tpu.vector_store_idx %parallel_loop3A_811[%parallel_loop3A_682], %parallel_loop3A_685 {add = true} : memref<65520xf32, #tpu.memory_space<vmem>>[vector<16xi32>], vector<16xf32>,
          %parallel_loop3A_812 = arith.constant 32 : i32
          %parallel_loop3A_813 = tpu.memref_slice %arg13[%parallel_loop3A_812] : memref<65536xf32, #tpu.memory_space<vmem>> -> memref<65504xf32, #tpu.memory_space<vmem>>
          tpu.vector_store_idx %parallel_loop3A_813[%parallel_loop3A_682], %parallel_loop3A_686 {add = true} : memref<65504xf32, #tpu.memory_space<vmem>>[vector<16xi32>], vector<16xf32>,
          %parallel_loop3A_814 = arith.constant 48 : i32
          %parallel_loop3A_815 = tpu.memref_slice %arg13[%parallel_loop3A_814] : memref<65536xf32, #tpu.memory_space<vmem>> -> memref<65488xf32, #tpu.memory_space<vmem>>
          tpu.vector_store_idx %parallel_loop3A_815[%parallel_loop3A_682], %parallel_loop3A_687 {add = true} : memref<65488xf32, #tpu.memory_space<vmem>>[vector<16xi32>], vector<16xf32>,
          %parallel_loop3A_816 = arith.constant 64 : i32
          %parallel_loop3A_817 = tpu.memref_slice %arg13[%parallel_loop3A_816] : memref<65536xf32, #tpu.memory_space<vmem>> -> memref<65472xf32, #tpu.memory_space<vmem>>
          tpu.vector_store_idx %parallel_loop3A_817[%parallel_loop3A_682], %parallel_loop3A_688 {add = true} : memref<65472xf32, #tpu.memory_space<vmem>>[vector<16xi32>], vector<16xf32>,
          %parallel_loop3A_818 = arith.constant 80 : i32
          %parallel_loop3A_819 = tpu.memref_slice %arg13[%parallel_loop3A_818] : memref<65536xf32, #tpu.memory_space<vmem>> -> memref<65456xf32, #tpu.memory_space<vmem>>
          tpu.vector_store_idx %parallel_loop3A_819[%parallel_loop3A_682], %parallel_loop3A_689 {add = true} : memref<65456xf32, #tpu.memory_space<vmem>>[vector<16xi32>], vector<16xf32>,
          %parallel_loop3A_820 = arith.constant 96 : i32
          %parallel_loop3A_821 = tpu.memref_slice %arg13[%parallel_loop3A_820] : memref<65536xf32, #tpu.memory_space<vmem>> -> memref<65440xf32, #tpu.memory_space<vmem>>
          tpu.vector_store_idx %parallel_loop3A_821[%parallel_loop3A_682], %parallel_loop3A_690 {add = true} : memref<65440xf32, #tpu.memory_space<vmem>>[vector<16xi32>], vector<16xf32>,
          %parallel_loop3A_822 = arith.constant 112 : i32
          %parallel_loop3A_823 = tpu.memref_slice %arg13[%parallel_loop3A_822] : memref<65536xf32, #tpu.memory_space<vmem>> -> memref<65424xf32, #tpu.memory_space<vmem>>
          tpu.vector_store_idx %parallel_loop3A_823[%parallel_loop3A_682], %parallel_loop3A_691 {add = true} : memref<65424xf32, #tpu.memory_space<vmem>>[vector<16xi32>], vector<16xf32>,
          scf.yield %parallel_loop3A_757, %parallel_loop3A_763, %parallel_loop3A_769, %parallel_loop3A_775, %parallel_loop3A_781, %parallel_loop3A_787, %parallel_loop3A_793, %parallel_loop3A_799 : vector<16xf32>, vector<16xf32>, vector<16xf32>, vector<16xf32>, vector<16xf32>, vector<16xf32>, vector<16xf32>, vector<16xf32>
        }
        scf.yield %parallel_loop3A_741, %parallel_loop3A_801, %parallel_loop3A_807#0, %parallel_loop3A_807#1, %parallel_loop3A_807#2, %parallel_loop3A_807#3, %parallel_loop3A_807#4, %parallel_loop3A_807#5, %parallel_loop3A_807#6, %parallel_loop3A_807#7 : vector<16xi32>, i32, vector<16xf32>, vector<16xf32>, vector<16xf32>, vector<16xf32>, vector<16xf32>, vector<16xf32>, vector<16xf32>, vector<16xf32>
      } {sc.loop_unroll_factor = 2 : i64, sc.parallel_access}
      %scatter3A = arith.constant 0 : i32
      %scatter3A_438 = tpu.memref_slice %arg13[%scatter3A] : memref<65536xf32, #tpu.memory_space<vmem>> -> memref<65536xf32, #tpu.memory_space<vmem>>
      tpu.vector_store_idx %scatter3A_438[%parallel_loop3A_437#0], %parallel_loop3A_437#2 {add = true} : memref<65536xf32, #tpu.memory_space<vmem>>[vector<16xi32>], vector<16xf32>,
      %scatter3A_439 = arith.constant 16 : i32
      %scatter3A_440 = tpu.memref_slice %arg13[%scatter3A_439] : memref<65536xf32, #tpu.memory_space<vmem>> -> memref<65520xf32, #tpu.memory_space<vmem>>
      tpu.vector_store_idx %scatter3A_440[%parallel_loop3A_437#0], %parallel_loop3A_437#3 {add = true} : memref<65520xf32, #tpu.memory_space<vmem>>[vector<16xi32>], vector<16xf32>,
      %scatter3A_441 = arith.constant 32 : i32
      %scatter3A_442 = tpu.memref_slice %arg13[%scatter3A_441] : memref<65536xf32, #tpu.memory_space<vmem>> -> memref<65504xf32, #tpu.memory_space<vmem>>
      tpu.vector_store_idx %scatter3A_442[%parallel_loop3A_437#0], %parallel_loop3A_437#4 {add = true} : memref<65504xf32, #tpu.memory_space<vmem>>[vector<16xi32>], vector<16xf32>,
      %scatter3A_443 = arith.constant 48 : i32
      %scatter3A_444 = tpu.memref_slice %arg13[%scatter3A_443] : memref<65536xf32, #tpu.memory_space<vmem>> -> memref<65488xf32, #tpu.memory_space<vmem>>
      tpu.vector_store_idx %scatter3A_444[%parallel_loop3A_437#0], %parallel_loop3A_437#5 {add = true} : memref<65488xf32, #tpu.memory_space<vmem>>[vector<16xi32>], vector<16xf32>,
      %scatter3A_445 = arith.constant 64 : i32
      %scatter3A_446 = tpu.memref_slice %arg13[%scatter3A_445] : memref<65536xf32, #tpu.memory_space<vmem>> -> memref<65472xf32, #tpu.memory_space<vmem>>
      tpu.vector_store_idx %scatter3A_446[%parallel_loop3A_437#0], %parallel_loop3A_437#6 {add = true} : memref<65472xf32, #tpu.memory_space<vmem>>[vector<16xi32>], vector<16xf32>,
      %scatter3A_447 = arith.constant 80 : i32
      %scatter3A_448 = tpu.memref_slice %arg13[%scatter3A_447] : memref<65536xf32, #tpu.memory_space<vmem>> -> memref<65456xf32, #tpu.memory_space<vmem>>
      tpu.vector_store_idx %scatter3A_448[%parallel_loop3A_437#0], %parallel_loop3A_437#7 {add = true} : memref<65456xf32, #tpu.memory_space<vmem>>[vector<16xi32>], vector<16xf32>,
      %scatter3A_449 = arith.constant 96 : i32
      %scatter3A_450 = tpu.memref_slice %arg13[%scatter3A_449] : memref<65536xf32, #tpu.memory_space<vmem>> -> memref<65440xf32, #tpu.memory_space<vmem>>
      tpu.vector_store_idx %scatter3A_450[%parallel_loop3A_437#0], %parallel_loop3A_437#8 {add = true} : memref<65440xf32, #tpu.memory_space<vmem>>[vector<16xi32>], vector<16xf32>,
      %scatter3A_451 = arith.constant 112 : i32
      %scatter3A_452 = tpu.memref_slice %arg13[%scatter3A_451] : memref<65536xf32, #tpu.memory_space<vmem>> -> memref<65424xf32, #tpu.memory_space<vmem>>
      tpu.vector_store_idx %scatter3A_452[%parallel_loop3A_437#0], %parallel_loop3A_437#9 {add = true} : memref<65424xf32, #tpu.memory_space<vmem>>[vector<16xi32>], vector<16xf32>,
      %add3A_453 = arith.constant 2 : i32
      %add3A_454 = arith.addi %mul3A_294, %add3A_453 : i32
      %mul3A_455 = arith.constant 128 : i32
      %mul3A_456 = arith.muli %add3A_454, %mul3A_455 : i32
      %add3A_457 = arith.addi %sub3A, %mul3A_456 : i32
      %multiple_of3A_458 = tpu.assume_multiple %add3A_457, 8 : i32
      %dma_start3A_459 = arith.constant 0 : i32
      %dma_start3A_460 = arith.constant 0 : i32
      %dma_start3A_461 = tpu.memref_slice %arg9[%dma_start3A_459, %dma_start3A_460] : memref<2x128xi32, #tpu.memory_space<vmem>> -> memref<1x128xi32, #tpu.memory_space<vmem>>
      %dma_start3A_462 = tpu.memref_squeeze %dma_start3A_461 : memref<1x128xi32, #tpu.memory_space<vmem>> -> memref<128xi32, #tpu.memory_space<vmem>>
      %dma_start3A_463 = tpu.memref_slice %arg2[%multiple_of3A_458] : memref<426496xi32, #tpu.memory_space<hbm>> -> memref<128xi32, #tpu.memory_space<hbm>>
      %dma_start3A_464 = arith.constant 0 : i32
      %dma_start3A_465 = tpu.memref_slice %arg9[%dma_start3A_459, %dma_start3A_464] : memref<2x128xi32, #tpu.memory_space<vmem>> -> memref<1x128xi32, #tpu.memory_space<vmem>>
      %dma_start3A_466 = tpu.memref_squeeze %dma_start3A_465 : memref<1x128xi32, #tpu.memory_space<vmem>> -> memref<128xi32, #tpu.memory_space<vmem>>
      %dma_start3A_467 = tpu.memref_slice %arg2[%multiple_of3A_458] : memref<426496xi32, #tpu.memory_space<hbm>> -> memref<128xi32, #tpu.memory_space<hbm>>
      tpu.enqueue_dma source(%dma_start3A_467 : memref<128xi32, #tpu.memory_space<hbm>>) target(%dma_start3A_466 : memref<128xi32, #tpu.memory_space<vmem>>) target_semaphore(%arg14 : memref<!tpu.dma_semaphore, #tpu.memory_space<semaphore_mem>>)
      %dma_start3A_468 = arith.constant 0 : i32
      %dma_start3A_469 = arith.constant 0 : i32
      %dma_start3A_470 = tpu.memref_slice %arg10[%dma_start3A_468, %dma_start3A_469] : memref<2x128xi32, #tpu.memory_space<vmem>> -> memref<1x128xi32, #tpu.memory_space<vmem>>
      %dma_start3A_471 = tpu.memref_squeeze %dma_start3A_470 : memref<1x128xi32, #tpu.memory_space<vmem>> -> memref<128xi32, #tpu.memory_space<vmem>>
      %dma_start3A_472 = tpu.memref_slice %arg3[%multiple_of3A_458] : memref<426496xi32, #tpu.memory_space<hbm>> -> memref<128xi32, #tpu.memory_space<hbm>>
      %dma_start3A_473 = arith.constant 0 : i32
      %dma_start3A_474 = tpu.memref_slice %arg10[%dma_start3A_468, %dma_start3A_473] : memref<2x128xi32, #tpu.memory_space<vmem>> -> memref<1x128xi32, #tpu.memory_space<vmem>>
      %dma_start3A_475 = tpu.memref_squeeze %dma_start3A_474 : memref<1x128xi32, #tpu.memory_space<vmem>> -> memref<128xi32, #tpu.memory_space<vmem>>
      %dma_start3A_476 = tpu.memref_slice %arg3[%multiple_of3A_458] : memref<426496xi32, #tpu.memory_space<hbm>> -> memref<128xi32, #tpu.memory_space<hbm>>
      tpu.enqueue_dma source(%dma_start3A_476 : memref<128xi32, #tpu.memory_space<hbm>>) target(%dma_start3A_475 : memref<128xi32, #tpu.memory_space<vmem>>) target_semaphore(%arg14 : memref<!tpu.dma_semaphore, #tpu.memory_space<semaphore_mem>>)
      %dma_start3A_477 = arith.constant 0 : i32
      %dma_start3A_478 = arith.constant 0 : i32
      %dma_start3A_479 = tpu.memref_slice %arg11[%dma_start3A_477, %dma_start3A_478] : memref<2x128xf32, #tpu.memory_space<vmem>> -> memref<1x128xf32, #tpu.memory_space<vmem>>
      %dma_start3A_480 = tpu.memref_squeeze %dma_start3A_479 : memref<1x128xf32, #tpu.memory_space<vmem>> -> memref<128xf32, #tpu.memory_space<vmem>>
      %dma_start3A_481 = tpu.memref_slice %arg4[%multiple_of3A_458] : memref<426496xf32, #tpu.memory_space<hbm>> -> memref<128xf32, #tpu.memory_space<hbm>>
      %dma_start3A_482 = arith.constant 0 : i32
      %dma_start3A_483 = tpu.memref_slice %arg11[%dma_start3A_477, %dma_start3A_482] : memref<2x128xf32, #tpu.memory_space<vmem>> -> memref<1x128xf32, #tpu.memory_space<vmem>>
      %dma_start3A_484 = tpu.memref_squeeze %dma_start3A_483 : memref<1x128xf32, #tpu.memory_space<vmem>> -> memref<128xf32, #tpu.memory_space<vmem>>
      %dma_start3A_485 = tpu.memref_slice %arg4[%multiple_of3A_458] : memref<426496xf32, #tpu.memory_space<hbm>> -> memref<128xf32, #tpu.memory_space<hbm>>
      tpu.enqueue_dma source(%dma_start3A_485 : memref<128xf32, #tpu.memory_space<hbm>>) target(%dma_start3A_484 : memref<128xf32, #tpu.memory_space<vmem>>) target_semaphore(%arg14 : memref<!tpu.dma_semaphore, #tpu.memory_space<semaphore_mem>>)
      %add3A_486 = arith.constant 1 : i32
      %add3A_487 = arith.addi %mul3A_294, %add3A_486 : i32
      %dma_wait3A_488 = arith.constant 0 : i32
      %dma_wait3A_489 = arith.constant 0 : i32
      %dma_wait3A_490 = tpu.memref_slice %arg9[%dma_wait3A_488, %dma_wait3A_489] : memref<2x128xi32, #tpu.memory_space<vmem>> -> memref<1x128xi32, #tpu.memory_space<vmem>>
      %dma_wait3A_491 = tpu.memref_squeeze %dma_wait3A_490 : memref<1x128xi32, #tpu.memory_space<vmem>> -> memref<128xi32, #tpu.memory_space<vmem>>
      %dma_wait3A_492 = arith.constant 0 : i32
      %dma_wait3A_493 = tpu.memref_slice %arg2[%dma_wait3A_492] : memref<426496xi32, #tpu.memory_space<hbm>> -> memref<128xi32, #tpu.memory_space<hbm>>
      %dma_wait3A_494 = arith.constant 0 : i32
      %dma_wait3A_495 = tpu.memref_slice %arg9[%dma_wait3A_488, %dma_wait3A_494] : memref<2x128xi32, #tpu.memory_space<vmem>> -> memref<1x128xi32, #tpu.memory_space<vmem>>
      %dma_wait3A_496 = tpu.memref_squeeze %dma_wait3A_495 : memref<1x128xi32, #tpu.memory_space<vmem>> -> memref<128xi32, #tpu.memory_space<vmem>>
      %dma_wait3A_497 = arith.constant 0 : i32
      %dma_wait3A_498 = tpu.memref_slice %arg2[%dma_wait3A_497] : memref<426496xi32, #tpu.memory_space<hbm>> -> memref<128xi32, #tpu.memory_space<hbm>>
      tpu.wait_dma2 semaphore(%arg14 : memref<!tpu.dma_semaphore, #tpu.memory_space<semaphore_mem>>) src(%dma_wait3A_498 : memref<128xi32, #tpu.memory_space<hbm>>) dst(%dma_wait3A_496 : memref<128xi32, #tpu.memory_space<vmem>>)
      %dma_wait3A_499 = arith.constant 0 : i32
      %dma_wait3A_500 = arith.constant 0 : i32
      %dma_wait3A_501 = tpu.memref_slice %arg10[%dma_wait3A_499, %dma_wait3A_500] : memref<2x128xi32, #tpu.memory_space<vmem>> -> memref<1x128xi32, #tpu.memory_space<vmem>>
      %dma_wait3A_502 = tpu.memref_squeeze %dma_wait3A_501 : memref<1x128xi32, #tpu.memory_space<vmem>> -> memref<128xi32, #tpu.memory_space<vmem>>
      %dma_wait3A_503 = arith.constant 0 : i32
      %dma_wait3A_504 = tpu.memref_slice %arg3[%dma_wait3A_503] : memref<426496xi32, #tpu.memory_space<hbm>> -> memref<128xi32, #tpu.memory_space<hbm>>
      %dma_wait3A_505 = arith.constant 0 : i32
      %dma_wait3A_506 = tpu.memref_slice %arg10[%dma_wait3A_499, %dma_wait3A_505] : memref<2x128xi32, #tpu.memory_space<vmem>> -> memref<1x128xi32, #tpu.memory_space<vmem>>
      %dma_wait3A_507 = tpu.memref_squeeze %dma_wait3A_506 : memref<1x128xi32, #tpu.memory_space<vmem>> -> memref<128xi32, #tpu.memory_space<vmem>>
      %dma_wait3A_508 = arith.constant 0 : i32
      %dma_wait3A_509 = tpu.memref_slice %arg3[%dma_wait3A_508] : memref<426496xi32, #tpu.memory_space<hbm>> -> memref<128xi32, #tpu.memory_space<hbm>>
      tpu.wait_dma2 semaphore(%arg14 : memref<!tpu.dma_semaphore, #tpu.memory_space<semaphore_mem>>) src(%dma_wait3A_509 : memref<128xi32, #tpu.memory_space<hbm>>) dst(%dma_wait3A_507 : memref<128xi32, #tpu.memory_space<vmem>>)
      %dma_wait3A_510 = arith.constant 0 : i32
      %dma_wait3A_511 = arith.constant 0 : i32
      %dma_wait3A_512 = tpu.memref_slice %arg11[%dma_wait3A_510, %dma_wait3A_511] : memref<2x128xf32, #tpu.memory_space<vmem>> -> memref<1x128xf32, #tpu.memory_space<vmem>>
      %dma_wait3A_513 = tpu.memref_squeeze %dma_wait3A_512 : memref<1x128xf32, #tpu.memory_space<vmem>> -> memref<128xf32, #tpu.memory_space<vmem>>
      %dma_wait3A_514 = arith.constant 0 : i32
      %dma_wait3A_515 = tpu.memref_slice %arg4[%dma_wait3A_514] : memref<426496xf32, #tpu.memory_space<hbm>> -> memref<128xf32, #tpu.memory_space<hbm>>
      %dma_wait3A_516 = arith.constant 0 : i32
      %dma_wait3A_517 = tpu.memref_slice %arg11[%dma_wait3A_510, %dma_wait3A_516] : memref<2x128xf32, #tpu.memory_space<vmem>> -> memref<1x128xf32, #tpu.memory_space<vmem>>
      %dma_wait3A_518 = tpu.memref_squeeze %dma_wait3A_517 : memref<1x128xf32, #tpu.memory_space<vmem>> -> memref<128xf32, #tpu.memory_space<vmem>>
      %dma_wait3A_519 = arith.constant 0 : i32
      %dma_wait3A_520 = tpu.memref_slice %arg4[%dma_wait3A_519] : memref<426496xf32, #tpu.memory_space<hbm>> -> memref<128xf32, #tpu.memory_space<hbm>>
      tpu.wait_dma2 semaphore(%arg14 : memref<!tpu.dma_semaphore, #tpu.memory_space<semaphore_mem>>) src(%dma_wait3A_520 : memref<128xf32, #tpu.memory_space<hbm>>) dst(%dma_wait3A_518 : memref<128xf32, #tpu.memory_space<vmem>>)
      %dma_start3A_521 = arith.constant 0 : i32
      %dma_start3A_522 = arith.constant 0 : i32
      %dma_start3A_523 = arith.constant 0 : i32
      %dma_start3A_524 = arith.constant 0 : i32
      %dma_start3A_525 = tpu.memref_slice %arg12[%dma_start3A_522, %dma_start3A_523, %dma_start3A_524] : memref<2x128x128xf32, #tpu.memory_space<vmem>> -> memref<1x32x128xf32, #tpu.memory_space<vmem>>
      %dma_start3A_526 = tpu.memref_squeeze %dma_start3A_525 : memref<1x32x128xf32, #tpu.memory_space<vmem>> -> memref<32x128xf32, #tpu.memory_space<vmem>>
      %dma_start3A_527 = arith.constant 0 : i32
      %dma_start3A_528 = tpu.memref_slice %arg9[%dma_start3A_521, %dma_start3A_527] : memref<2x128xi32, #tpu.memory_space<vmem>> -> memref<1x32xi32, #tpu.memory_space<vmem>>
      %dma_start3A_529 = tpu.memref_squeeze %dma_start3A_528 : memref<1x32xi32, #tpu.memory_space<vmem>> -> memref<32xi32, #tpu.memory_space<vmem>>
      %dma_start3A_530 = arith.constant 0 : i32
      %dma_start3A_531 = arith.constant 0 : i32
      %dma_start3A_532 = tpu.memref_slice %arg5[%dma_start3A_530, %dma_start3A_531] : memref<1048576x128xf32, #tpu.memory_space<hbm>> -> memref<1048576x128xf32, #tpu.memory_space<hbm>>
      tpu.enqueue_indirect_dma source(%dma_start3A_532 : memref<1048576x128xf32, #tpu.memory_space<hbm>>) target(%dma_start3A_526 : memref<32x128xf32, #tpu.memory_space<vmem>>) offsets(%dma_start3A_529 : memref<32xi32, #tpu.memory_space<vmem>>) semaphore(%arg16 : memref<!tpu.dma_semaphore, #tpu.memory_space<semaphore_mem>>)
      %dma_start3A_533 = arith.constant 0 : i32
      %dma_start3A_534 = arith.constant 0 : i32
      %dma_start3A_535 = arith.constant 32 : i32
      %dma_start3A_536 = arith.constant 0 : i32
      %dma_start3A_537 = tpu.memref_slice %arg12[%dma_start3A_534, %dma_start3A_535, %dma_start3A_536] : memref<2x128x128xf32, #tpu.memory_space<vmem>> -> memref<1x32x128xf32, #tpu.memory_space<vmem>>
      %dma_start3A_538 = tpu.memref_squeeze %dma_start3A_537 : memref<1x32x128xf32, #tpu.memory_space<vmem>> -> memref<32x128xf32, #tpu.memory_space<vmem>>
      %dma_start3A_539 = arith.constant 32 : i32
      %dma_start3A_540 = tpu.memref_slice %arg9[%dma_start3A_533, %dma_start3A_539] : memref<2x128xi32, #tpu.memory_space<vmem>> -> memref<1x32xi32, #tpu.memory_space<vmem>>
      %dma_start3A_541 = tpu.memref_squeeze %dma_start3A_540 : memref<1x32xi32, #tpu.memory_space<vmem>> -> memref<32xi32, #tpu.memory_space<vmem>>
      %dma_start3A_542 = arith.constant 0 : i32
      %dma_start3A_543 = arith.constant 0 : i32
      %dma_start3A_544 = tpu.memref_slice %arg5[%dma_start3A_542, %dma_start3A_543] : memref<1048576x128xf32, #tpu.memory_space<hbm>> -> memref<1048576x128xf32, #tpu.memory_space<hbm>>
      tpu.enqueue_indirect_dma source(%dma_start3A_544 : memref<1048576x128xf32, #tpu.memory_space<hbm>>) target(%dma_start3A_538 : memref<32x128xf32, #tpu.memory_space<vmem>>) offsets(%dma_start3A_541 : memref<32xi32, #tpu.memory_space<vmem>>) semaphore(%arg16 : memref<!tpu.dma_semaphore, #tpu.memory_space<semaphore_mem>>)
      %dma_start3A_545 = arith.constant 0 : i32
      %dma_start3A_546 = arith.constant 0 : i32
      %dma_start3A_547 = arith.constant 64 : i32
      %dma_start3A_548 = arith.constant 0 : i32
      %dma_start3A_549 = tpu.memref_slice %arg12[%dma_start3A_546, %dma_start3A_547, %dma_start3A_548] : memref<2x128x128xf32, #tpu.memory_space<vmem>> -> memref<1x32x128xf32, #tpu.memory_space<vmem>>
      %dma_start3A_550 = tpu.memref_squeeze %dma_start3A_549 : memref<1x32x128xf32, #tpu.memory_space<vmem>> -> memref<32x128xf32, #tpu.memory_space<vmem>>
      %dma_start3A_551 = arith.constant 64 : i32
      %dma_start3A_552 = tpu.memref_slice %arg9[%dma_start3A_545, %dma_start3A_551] : memref<2x128xi32, #tpu.memory_space<vmem>> -> memref<1x32xi32, #tpu.memory_space<vmem>>
      %dma_start3A_553 = tpu.memref_squeeze %dma_start3A_552 : memref<1x32xi32, #tpu.memory_space<vmem>> -> memref<32xi32, #tpu.memory_space<vmem>>
      %dma_start3A_554 = arith.constant 0 : i32
      %dma_start3A_555 = arith.constant 0 : i32
      %dma_start3A_556 = tpu.memref_slice %arg5[%dma_start3A_554, %dma_start3A_555] : memref<1048576x128xf32, #tpu.memory_space<hbm>> -> memref<1048576x128xf32, #tpu.memory_space<hbm>>
      tpu.enqueue_indirect_dma source(%dma_start3A_556 : memref<1048576x128xf32, #tpu.memory_space<hbm>>) target(%dma_start3A_550 : memref<32x128xf32, #tpu.memory_space<vmem>>) offsets(%dma_start3A_553 : memref<32xi32, #tpu.memory_space<vmem>>) semaphore(%arg16 : memref<!tpu.dma_semaphore, #tpu.memory_space<semaphore_mem>>)
      %dma_start3A_557 = arith.constant 0 : i32
      %dma_start3A_558 = arith.constant 0 : i32
      %dma_start3A_559 = arith.constant 96 : i32
      %dma_start3A_560 = arith.constant 0 : i32
      %dma_start3A_561 = tpu.memref_slice %arg12[%dma_start3A_558, %dma_start3A_559, %dma_start3A_560] : memref<2x128x128xf32, #tpu.memory_space<vmem>> -> memref<1x32x128xf32, #tpu.memory_space<vmem>>
      %dma_start3A_562 = tpu.memref_squeeze %dma_start3A_561 : memref<1x32x128xf32, #tpu.memory_space<vmem>> -> memref<32x128xf32, #tpu.memory_space<vmem>>
      %dma_start3A_563 = arith.constant 96 : i32
      %dma_start3A_564 = tpu.memref_slice %arg9[%dma_start3A_557, %dma_start3A_563] : memref<2x128xi32, #tpu.memory_space<vmem>> -> memref<1x32xi32, #tpu.memory_space<vmem>>
      %dma_start3A_565 = tpu.memref_squeeze %dma_start3A_564 : memref<1x32xi32, #tpu.memory_space<vmem>> -> memref<32xi32, #tpu.memory_space<vmem>>
      %dma_start3A_566 = arith.constant 0 : i32
      %dma_start3A_567 = arith.constant 0 : i32
      %dma_start3A_568 = tpu.memref_slice %arg5[%dma_start3A_566, %dma_start3A_567] : memref<1048576x128xf32, #tpu.memory_space<hbm>> -> memref<1048576x128xf32, #tpu.memory_space<hbm>>
      tpu.enqueue_indirect_dma source(%dma_start3A_568 : memref<1048576x128xf32, #tpu.memory_space<hbm>>) target(%dma_start3A_562 : memref<32x128xf32, #tpu.memory_space<vmem>>) offsets(%dma_start3A_565 : memref<32xi32, #tpu.memory_space<vmem>>) semaphore(%arg16 : memref<!tpu.dma_semaphore, #tpu.memory_space<semaphore_mem>>)
      %dma_wait3A_569 = arith.constant 1 : i32
      %dma_wait3A_570 = arith.constant 1 : i32
      %dma_wait3A_571 = arith.constant 0 : i32
      %dma_wait3A_572 = arith.constant 0 : i32
      %dma_wait3A_573 = tpu.memref_slice %arg12[%dma_wait3A_570, %dma_wait3A_571, %dma_wait3A_572] : memref<2x128x128xf32, #tpu.memory_space<vmem>> -> memref<1x32x128xf32, #tpu.memory_space<vmem>>
      %dma_wait3A_574 = tpu.memref_squeeze %dma_wait3A_573 : memref<1x32x128xf32, #tpu.memory_space<vmem>> -> memref<32x128xf32, #tpu.memory_space<vmem>>
      %dma_wait3A_575 = arith.constant 0 : i32
      %dma_wait3A_576 = tpu.memref_slice %arg9[%dma_wait3A_569, %dma_wait3A_575] : memref<2x128xi32, #tpu.memory_space<vmem>> -> memref<1x32xi32, #tpu.memory_space<vmem>>
      %dma_wait3A_577 = tpu.memref_squeeze %dma_wait3A_576 : memref<1x32xi32, #tpu.memory_space<vmem>> -> memref<32xi32, #tpu.memory_space<vmem>>
      %dma_wait3A_578 = arith.constant 0 : i32
      %dma_wait3A_579 = arith.constant 0 : i32
      %dma_wait3A_580 = tpu.memref_slice %arg5[%dma_wait3A_578, %dma_wait3A_579] : memref<1048576x128xf32, #tpu.memory_space<hbm>> -> memref<1048576x128xf32, #tpu.memory_space<hbm>>
      tpu.wait_indirect_dma semaphore(%arg17 : memref<!tpu.dma_semaphore, #tpu.memory_space<semaphore_mem>>) src(%dma_wait3A_580 : memref<1048576x128xf32, #tpu.memory_space<hbm>>) dst(%dma_wait3A_574 : memref<32x128xf32, #tpu.memory_space<vmem>>)
      %dma_wait3A_581 = arith.constant 1 : i32
      %dma_wait3A_582 = arith.constant 1 : i32
      %dma_wait3A_583 = arith.constant 32 : i32
      %dma_wait3A_584 = arith.constant 0 : i32
      %dma_wait3A_585 = tpu.memref_slice %arg12[%dma_wait3A_582, %dma_wait3A_583, %dma_wait3A_584] : memref<2x128x128xf32, #tpu.memory_space<vmem>> -> memref<1x32x128xf32, #tpu.memory_space<vmem>>
      %dma_wait3A_586 = tpu.memref_squeeze %dma_wait3A_585 : memref<1x32x128xf32, #tpu.memory_space<vmem>> -> memref<32x128xf32, #tpu.memory_space<vmem>>
      %dma_wait3A_587 = arith.constant 32 : i32
      %dma_wait3A_588 = tpu.memref_slice %arg9[%dma_wait3A_581, %dma_wait3A_587] : memref<2x128xi32, #tpu.memory_space<vmem>> -> memref<1x32xi32, #tpu.memory_space<vmem>>
      %dma_wait3A_589 = tpu.memref_squeeze %dma_wait3A_588 : memref<1x32xi32, #tpu.memory_space<vmem>> -> memref<32xi32, #tpu.memory_space<vmem>>
      %dma_wait3A_590 = arith.constant 0 : i32
      %dma_wait3A_591 = arith.constant 0 : i32
      %dma_wait3A_592 = tpu.memref_slice %arg5[%dma_wait3A_590, %dma_wait3A_591] : memref<1048576x128xf32, #tpu.memory_space<hbm>> -> memref<1048576x128xf32, #tpu.memory_space<hbm>>
      tpu.wait_indirect_dma semaphore(%arg17 : memref<!tpu.dma_semaphore, #tpu.memory_space<semaphore_mem>>) src(%dma_wait3A_592 : memref<1048576x128xf32, #tpu.memory_space<hbm>>) dst(%dma_wait3A_586 : memref<32x128xf32, #tpu.memory_space<vmem>>)
      %dma_wait3A_593 = arith.constant 1 : i32
      %dma_wait3A_594 = arith.constant 1 : i32
      %dma_wait3A_595 = arith.constant 64 : i32
      %dma_wait3A_596 = arith.constant 0 : i32
      %dma_wait3A_597 = tpu.memref_slice %arg12[%dma_wait3A_594, %dma_wait3A_595, %dma_wait3A_596] : memref<2x128x128xf32, #tpu.memory_space<vmem>> -> memref<1x32x128xf32, #tpu.memory_space<vmem>>
      %dma_wait3A_598 = tpu.memref_squeeze %dma_wait3A_597 : memref<1x32x128xf32, #tpu.memory_space<vmem>> -> memref<32x128xf32, #tpu.memory_space<vmem>>
      %dma_wait3A_599 = arith.constant 64 : i32
      %dma_wait3A_600 = tpu.memref_slice %arg9[%dma_wait3A_593, %dma_wait3A_599] : memref<2x128xi32, #tpu.memory_space<vmem>> -> memref<1x32xi32, #tpu.memory_space<vmem>>
      %dma_wait3A_601 = tpu.memref_squeeze %dma_wait3A_600 : memref<1x32xi32, #tpu.memory_space<vmem>> -> memref<32xi32, #tpu.memory_space<vmem>>
      %dma_wait3A_602 = arith.constant 0 : i32
      %dma_wait3A_603 = arith.constant 0 : i32
      %dma_wait3A_604 = tpu.memref_slice %arg5[%dma_wait3A_602, %dma_wait3A_603] : memref<1048576x128xf32, #tpu.memory_space<hbm>> -> memref<1048576x128xf32, #tpu.memory_space<hbm>>
      tpu.wait_indirect_dma semaphore(%arg17 : memref<!tpu.dma_semaphore, #tpu.memory_space<semaphore_mem>>) src(%dma_wait3A_604 : memref<1048576x128xf32, #tpu.memory_space<hbm>>) dst(%dma_wait3A_598 : memref<32x128xf32, #tpu.memory_space<vmem>>)
      %dma_wait3A_605 = arith.constant 1 : i32
      %dma_wait3A_606 = arith.constant 1 : i32
      %dma_wait3A_607 = arith.constant 96 : i32
      %dma_wait3A_608 = arith.constant 0 : i32
      %dma_wait3A_609 = tpu.memref_slice %arg12[%dma_wait3A_606, %dma_wait3A_607, %dma_wait3A_608] : memref<2x128x128xf32, #tpu.memory_space<vmem>> -> memref<1x32x128xf32, #tpu.memory_space<vmem>>
      %dma_wait3A_610 = tpu.memref_squeeze %dma_wait3A_609 : memref<1x32x128xf32, #tpu.memory_space<vmem>> -> memref<32x128xf32, #tpu.memory_space<vmem>>
      %dma_wait3A_611 = arith.constant 96 : i32
      %dma_wait3A_612 = tpu.memref_slice %arg9[%dma_wait3A_605, %dma_wait3A_611] : memref<2x128xi32, #tpu.memory_space<vmem>> -> memref<1x32xi32, #tpu.memory_space<vmem>>
      %dma_wait3A_613 = tpu.memref_squeeze %dma_wait3A_612 : memref<1x32xi32, #tpu.memory_space<vmem>> -> memref<32xi32, #tpu.memory_space<vmem>>
      %dma_wait3A_614 = arith.constant 0 : i32
      %dma_wait3A_615 = arith.constant 0 : i32
      %dma_wait3A_616 = tpu.memref_slice %arg5[%dma_wait3A_614, %dma_wait3A_615] : memref<1048576x128xf32, #tpu.memory_space<hbm>> -> memref<1048576x128xf32, #tpu.memory_space<hbm>>
      tpu.wait_indirect_dma semaphore(%arg17 : memref<!tpu.dma_semaphore, #tpu.memory_space<semaphore_mem>>) src(%dma_wait3A_616 : memref<1048576x128xf32, #tpu.memory_space<hbm>>) dst(%dma_wait3A_610 : memref<32x128xf32, #tpu.memory_space<vmem>>)
      %mul3A_617 = arith.constant 128 : i32
      %mul3A_618 = arith.muli %add3A_487, %mul3A_617 : i32
      %add3A_619 = arith.addi %sub3A, %mul3A_618 : i32
      %multiple_of3A_620 = tpu.assume_multiple %add3A_619, 8 : i32
      %parallel_loop3A_621 = arith.constant 0 : i32
      %parallel_loop3A_622 = arith.constant 8 : i32
      %parallel_loop3A_623 = arith.constant 1 : i32
      scf.for %parallel_loop3A_681 = %parallel_loop3A_621 to %parallel_loop3A_622 step %parallel_loop3A_623  : i32 {
        %parallel_loop3A_682 = arith.constant 16 : i32
        %parallel_loop3A_683 = arith.muli %parallel_loop3A_681, %parallel_loop3A_682 : i32
        %parallel_loop3A_684 = arith.constant 16 : i32
        %parallel_loop3A_685 = arith.muli %parallel_loop3A_681, %parallel_loop3A_684 : i32
        %parallel_loop3A_686 = arith.addi %multiple_of3A_620, %parallel_loop3A_685 : i32
        %parallel_loop3A_687 = vector.broadcast %parallel_loop3A_686 : i32 to vector<16xi32>
        %parallel_loop3A_688 = arith.addi %parallel_loop3A_687, %iota3A : vector<16xi32>
        %parallel_loop3A_689 = arith.constant 1 : i32
        %parallel_loop3A_690 = arith.index_cast %parallel_loop3A_689 : i32 to index
        %parallel_loop3A_691 = arith.index_cast %parallel_loop3A_683 : i32 to index
        %parallel_loop3A_692 = tpu.vector_load %arg10[%parallel_loop3A_690, %parallel_loop3A_691] {strides = array<i32>} : memref<2x128xi32, #tpu.memory_space<vmem>>, vector<16xi32>,
        %parallel_loop3A_693 = vector.broadcast %mul3A_2 : i32 to vector<16xi32>
        %parallel_loop3A_694 = arith.subi %parallel_loop3A_692, %parallel_loop3A_693 : vector<16xi32>
        %parallel_loop3A_695 = arith.constant 0 : i32
        %parallel_loop3A_696 = arith.constant 511 : i32
        %parallel_loop3A_697 = vector.broadcast %parallel_loop3A_695 : i32 to vector<16xi32>
        %parallel_loop3A_698 = arith.maxsi %parallel_loop3A_697, %parallel_loop3A_694 : vector<16xi32>
        %parallel_loop3A_699 = vector.broadcast %parallel_loop3A_696 : i32 to vector<16xi32>
        %parallel_loop3A_700 = arith.minsi %parallel_loop3A_699, %parallel_loop3A_698 : vector<16xi32>
        %parallel_loop3A_701 = arith.constant 128 : i32
        %parallel_loop3A_702 = vector.broadcast %parallel_loop3A_701 : i32 to vector<16xi32>
        %parallel_loop3A_703 = arith.muli %parallel_loop3A_700, %parallel_loop3A_702 : vector<16xi32>
        %parallel_loop3A_704 = arith.constant 1 : i32
        %parallel_loop3A_705 = arith.index_cast %parallel_loop3A_704 : i32 to index
        %parallel_loop3A_706 = arith.index_cast %parallel_loop3A_683 : i32 to index
        %parallel_loop3A_707 = tpu.vector_load %arg10[%parallel_loop3A_705, %parallel_loop3A_706] {strides = array<i32>} : memref<2x128xi32, #tpu.memory_space<vmem>>, vector<16xi32>,
        tpu.vector_store %arg10[%parallel_loop3A_705, %parallel_loop3A_706], %parallel_loop3A_703 {strides = array<i32>} : memref<2x128xi32, #tpu.memory_space<vmem>>, vector<16xi32>,
        %parallel_loop3A_708 = arith.constant 1 : i32
        %parallel_loop3A_709 = arith.index_cast %parallel_loop3A_708 : i32 to index
        %parallel_loop3A_710 = arith.index_cast %parallel_loop3A_683 : i32 to index
        %parallel_loop3A_711 = tpu.vector_load %arg11[%parallel_loop3A_709, %parallel_loop3A_710] {strides = array<i32>} : memref<2x128xf32, #tpu.memory_space<vmem>>, vector<16xf32>,
        %parallel_loop3A_712 = vector.broadcast %squeeze3A : i32 to vector<16xi32>
        %parallel_loop3A_713 = arith.cmpi sge, %parallel_loop3A_688, %parallel_loop3A_712 : vector<16xi32>
        %parallel_loop3A_714 = vector.broadcast %squeeze3A_5 : i32 to vector<16xi32>
        %parallel_loop3A_715 = arith.cmpi slt, %parallel_loop3A_688, %parallel_loop3A_714 : vector<16xi32>
        %parallel_loop3A_716 = arith.andi %parallel_loop3A_713, %parallel_loop3A_715 : vector<16xi1>
        %parallel_loop3A_717 = arith.constant 0.000000e+00 : f32
        %parallel_loop3A_718 = vector.broadcast %parallel_loop3A_717 : f32 to vector<16xf32>
        %parallel_loop3A_719 = arith.select %parallel_loop3A_716, %parallel_loop3A_711, %parallel_loop3A_718 : vector<16xi1>, vector<16xf32>
        %parallel_loop3A_720 = arith.constant 1 : i32
        %parallel_loop3A_721 = arith.index_cast %parallel_loop3A_720 : i32 to index
        %parallel_loop3A_722 = arith.index_cast %parallel_loop3A_683 : i32 to index
        %parallel_loop3A_723 = tpu.vector_load %arg11[%parallel_loop3A_721, %parallel_loop3A_722] {strides = array<i32>} : memref<2x128xf32, #tpu.memory_space<vmem>>, vector<16xf32>,
        tpu.vector_store %arg11[%parallel_loop3A_721, %parallel_loop3A_722], %parallel_loop3A_719 {strides = array<i32>} : memref<2x128xf32, #tpu.memory_space<vmem>>, vector<16xf32>,
      } {sc.loop_unroll_factor = 2 : i64, sc.parallel_access}
      %broadcast_in_dim3A_624 = arith.constant 0.000000e+00 : f32
      %broadcast_in_dim3A_625 = vector.broadcast %broadcast_in_dim3A_624 : f32 to vector<16xf32>
      %parallel_loop3A_626 = arith.constant 0 : i32
      %parallel_loop3A_627 = arith.constant 128 : i32
      %parallel_loop3A_628 = arith.constant 1 : i32
      %parallel_loop3A_629 = arith.constant -1 : i32
      %parallel_loop3A_630:10 = scf.for %parallel_loop3A_681 = %parallel_loop3A_626 to %parallel_loop3A_627 step %parallel_loop3A_628 iter_args(%parallel_loop3A_682 = %iota3A, %parallel_loop3A_683 = %parallel_loop3A_629, %parallel_loop3A_684 = %broadcast_in_dim3A_625, %parallel_loop3A_685 = %broadcast_in_dim3A_625, %parallel_loop3A_686 = %broadcast_in_dim3A_625, %parallel_loop3A_687 = %broadcast_in_dim3A_625, %parallel_loop3A_688 = %broadcast_in_dim3A_625, %parallel_loop3A_689 = %broadcast_in_dim3A_625, %parallel_loop3A_690 = %broadcast_in_dim3A_625, %parallel_loop3A_691 = %broadcast_in_dim3A_625) -> (vector<16xi32>, i32, vector<16xf32>, vector<16xf32>, vector<16xf32>, vector<16xf32>, vector<16xf32>, vector<16xf32>, vector<16xf32>, vector<16xf32>)  : i32 {
        %parallel_loop3A_692 = arith.constant 16 : i32
        %parallel_loop3A_693 = arith.divsi %parallel_loop3A_681, %parallel_loop3A_692 : i32
        %parallel_loop3A_694 = arith.constant 0 : i32
        %parallel_loop3A_695 = arith.cmpi sgt, %parallel_loop3A_681, %parallel_loop3A_694 : i32
        %parallel_loop3A_696 = arith.extui %parallel_loop3A_695 : i1 to i32
        %parallel_loop3A_697 = arith.constant 0 : i32
        %parallel_loop3A_698 = arith.cmpi slt, %parallel_loop3A_681, %parallel_loop3A_697 : i32
        %parallel_loop3A_699 = arith.extui %parallel_loop3A_698 : i1 to i32
        %parallel_loop3A_700 = arith.subi %parallel_loop3A_696, %parallel_loop3A_699 : i32
        %parallel_loop3A_701 = arith.constant 0 : i32
        %parallel_loop3A_702 = arith.cmpi sgt, %parallel_loop3A_692, %parallel_loop3A_701 : i32
        %parallel_loop3A_703 = arith.extui %parallel_loop3A_702 : i1 to i32
        %parallel_loop3A_704 = arith.constant 0 : i32
        %parallel_loop3A_705 = arith.cmpi slt, %parallel_loop3A_692, %parallel_loop3A_704 : i32
        %parallel_loop3A_706 = arith.extui %parallel_loop3A_705 : i1 to i32
        %parallel_loop3A_707 = arith.subi %parallel_loop3A_703, %parallel_loop3A_706 : i32
        %parallel_loop3A_708 = arith.cmpi ne, %parallel_loop3A_700, %parallel_loop3A_707 : i32
        %parallel_loop3A_709 = arith.remsi %parallel_loop3A_681, %parallel_loop3A_692 : i32
        %parallel_loop3A_710 = arith.constant 0 : i32
        %parallel_loop3A_711 = arith.cmpi ne, %parallel_loop3A_709, %parallel_loop3A_710 : i32
        %parallel_loop3A_712 = arith.andi %parallel_loop3A_708, %parallel_loop3A_711 : i1
        %parallel_loop3A_713 = arith.constant 1 : i32
        %parallel_loop3A_714 = arith.subi %parallel_loop3A_693, %parallel_loop3A_713 : i32
        %parallel_loop3A_715 = arith.select %parallel_loop3A_712, %parallel_loop3A_714, %parallel_loop3A_693 : i32
        %parallel_loop3A_716 = arith.constant 16 : i32
        %parallel_loop3A_717 = arith.muli %parallel_loop3A_715, %parallel_loop3A_716 : i32
        %parallel_loop3A_718 = arith.constant 0 : i32
        %parallel_loop3A_719 = vector.broadcast %parallel_loop3A_718 : i32 to vector<16xi32>
        %parallel_loop3A_720 = arith.subi %parallel_loop3A_681, %parallel_loop3A_717 : i32
        %parallel_loop3A_721 = vector.broadcast %parallel_loop3A_720 : i32 to vector<16xi32>
        %parallel_loop3A_722 = arith.addi %parallel_loop3A_719, %parallel_loop3A_721 : vector<16xi32>
        %parallel_loop3A_723 = arith.constant 1 : i32
        %parallel_loop3A_724 = arith.index_cast %parallel_loop3A_723 : i32 to index
        %parallel_loop3A_725 = arith.index_cast %parallel_loop3A_717 : i32 to index
        %parallel_loop3A_726 = tpu.vector_load %arg10[%parallel_loop3A_724, %parallel_loop3A_725] {strides = array<i32>} : memref<2x128xi32, #tpu.memory_space<vmem>>, vector<16xi32>,
        %parallel_loop3A_727 = arith.constant 1 : i32
        %parallel_loop3A_728 = arith.index_cast %parallel_loop3A_727 : i32 to index
        %parallel_loop3A_729 = arith.index_cast %parallel_loop3A_717 : i32 to index
        %parallel_loop3A_730 = tpu.vector_load %arg11[%parallel_loop3A_728, %parallel_loop3A_729] {strides = array<i32>} : memref<2x128xf32, #tpu.memory_space<vmem>>, vector<16xf32>,
        %parallel_loop3A_731 = arith.constant 0 : i32
        %parallel_loop3A_732 = vector.broadcast %parallel_loop3A_731 : i32 to vector<16xi32>
        %parallel_loop3A_733 = arith.cmpi slt, %parallel_loop3A_722, %parallel_loop3A_732 : vector<16xi32>
        %parallel_loop3A_734 = arith.constant 16 : i32
        %parallel_loop3A_735 = vector.broadcast %parallel_loop3A_734 : i32 to vector<16xi32>
        %parallel_loop3A_736 = arith.addi %parallel_loop3A_722, %parallel_loop3A_735 : vector<16xi32>
        %parallel_loop3A_737 = arith.select %parallel_loop3A_733, %parallel_loop3A_736, %parallel_loop3A_722 : vector<16xi1>, vector<16xi32>
        %parallel_loop3A_738 = vector.shape_cast %parallel_loop3A_737 : vector<16xi32> to vector<16x1xi32>
        %parallel_loop3A_739 = vector.shape_cast %parallel_loop3A_738 : vector<16x1xi32> to vector<16xi32>
        %parallel_loop3A_740 = tpu.dynamic_gather %parallel_loop3A_726[%parallel_loop3A_739] in [0] : vector<16xi32>, vector<16xi32> -> vector<16xi32>
        %parallel_loop3A_741 = arith.addi %parallel_loop3A_740, %iota3A : vector<16xi32>
        %parallel_loop3A_742 = arith.constant 0 : i32
        %parallel_loop3A_743 = vector.broadcast %parallel_loop3A_742 : i32 to vector<16xi32>
        %parallel_loop3A_744 = arith.cmpi slt, %parallel_loop3A_722, %parallel_loop3A_743 : vector<16xi32>
        %parallel_loop3A_745 = arith.constant 16 : i32
        %parallel_loop3A_746 = vector.broadcast %parallel_loop3A_745 : i32 to vector<16xi32>
        %parallel_loop3A_747 = arith.addi %parallel_loop3A_722, %parallel_loop3A_746 : vector<16xi32>
        %parallel_loop3A_748 = arith.select %parallel_loop3A_744, %parallel_loop3A_747, %parallel_loop3A_722 : vector<16xi1>, vector<16xi32>
        %parallel_loop3A_749 = vector.shape_cast %parallel_loop3A_748 : vector<16xi32> to vector<16x1xi32>
        %parallel_loop3A_750 = vector.shape_cast %parallel_loop3A_749 : vector<16x1xi32> to vector<16xi32>
        %parallel_loop3A_751 = tpu.dynamic_gather %parallel_loop3A_730[%parallel_loop3A_750] in [0] : vector<16xf32>, vector<16xi32> -> vector<16xf32>
        %parallel_loop3A_752 = arith.constant 1 : i32
        %parallel_loop3A_753 = arith.index_cast %parallel_loop3A_752 : i32 to index
        %parallel_loop3A_754 = arith.index_cast %parallel_loop3A_681 : i32 to index
        %parallel_loop3A_755 = arith.constant 0 : index
        %parallel_loop3A_756 = tpu.vector_load %arg12[%parallel_loop3A_753, %parallel_loop3A_754, %parallel_loop3A_755] {strides = array<i32>} : memref<2x128x128xf32, #tpu.memory_space<vmem>>, vector<16xf32>,
        %parallel_loop3A_757 = arith.mulf %parallel_loop3A_756, %parallel_loop3A_751 : vector<16xf32>
        %parallel_loop3A_758 = arith.constant 1 : i32
        %parallel_loop3A_759 = arith.index_cast %parallel_loop3A_758 : i32 to index
        %parallel_loop3A_760 = arith.index_cast %parallel_loop3A_681 : i32 to index
        %parallel_loop3A_761 = arith.constant 16 : index
        %parallel_loop3A_762 = tpu.vector_load %arg12[%parallel_loop3A_759, %parallel_loop3A_760, %parallel_loop3A_761] {strides = array<i32>} : memref<2x128x128xf32, #tpu.memory_space<vmem>>, vector<16xf32>,
        %parallel_loop3A_763 = arith.mulf %parallel_loop3A_762, %parallel_loop3A_751 : vector<16xf32>
        %parallel_loop3A_764 = arith.constant 1 : i32
        %parallel_loop3A_765 = arith.index_cast %parallel_loop3A_764 : i32 to index
        %parallel_loop3A_766 = arith.index_cast %parallel_loop3A_681 : i32 to index
        %parallel_loop3A_767 = arith.constant 32 : index
        %parallel_loop3A_768 = tpu.vector_load %arg12[%parallel_loop3A_765, %parallel_loop3A_766, %parallel_loop3A_767] {strides = array<i32>} : memref<2x128x128xf32, #tpu.memory_space<vmem>>, vector<16xf32>,
        %parallel_loop3A_769 = arith.mulf %parallel_loop3A_768, %parallel_loop3A_751 : vector<16xf32>
        %parallel_loop3A_770 = arith.constant 1 : i32
        %parallel_loop3A_771 = arith.index_cast %parallel_loop3A_770 : i32 to index
        %parallel_loop3A_772 = arith.index_cast %parallel_loop3A_681 : i32 to index
        %parallel_loop3A_773 = arith.constant 48 : index
        %parallel_loop3A_774 = tpu.vector_load %arg12[%parallel_loop3A_771, %parallel_loop3A_772, %parallel_loop3A_773] {strides = array<i32>} : memref<2x128x128xf32, #tpu.memory_space<vmem>>, vector<16xf32>,
        %parallel_loop3A_775 = arith.mulf %parallel_loop3A_774, %parallel_loop3A_751 : vector<16xf32>
        %parallel_loop3A_776 = arith.constant 1 : i32
        %parallel_loop3A_777 = arith.index_cast %parallel_loop3A_776 : i32 to index
        %parallel_loop3A_778 = arith.index_cast %parallel_loop3A_681 : i32 to index
        %parallel_loop3A_779 = arith.constant 64 : index
        %parallel_loop3A_780 = tpu.vector_load %arg12[%parallel_loop3A_777, %parallel_loop3A_778, %parallel_loop3A_779] {strides = array<i32>} : memref<2x128x128xf32, #tpu.memory_space<vmem>>, vector<16xf32>,
        %parallel_loop3A_781 = arith.mulf %parallel_loop3A_780, %parallel_loop3A_751 : vector<16xf32>
        %parallel_loop3A_782 = arith.constant 1 : i32
        %parallel_loop3A_783 = arith.index_cast %parallel_loop3A_782 : i32 to index
        %parallel_loop3A_784 = arith.index_cast %parallel_loop3A_681 : i32 to index
        %parallel_loop3A_785 = arith.constant 80 : index
        %parallel_loop3A_786 = tpu.vector_load %arg12[%parallel_loop3A_783, %parallel_loop3A_784, %parallel_loop3A_785] {strides = array<i32>} : memref<2x128x128xf32, #tpu.memory_space<vmem>>, vector<16xf32>,
        %parallel_loop3A_787 = arith.mulf %parallel_loop3A_786, %parallel_loop3A_751 : vector<16xf32>
        %parallel_loop3A_788 = arith.constant 1 : i32
        %parallel_loop3A_789 = arith.index_cast %parallel_loop3A_788 : i32 to index
        %parallel_loop3A_790 = arith.index_cast %parallel_loop3A_681 : i32 to index
        %parallel_loop3A_791 = arith.constant 96 : index
        %parallel_loop3A_792 = tpu.vector_load %arg12[%parallel_loop3A_789, %parallel_loop3A_790, %parallel_loop3A_791] {strides = array<i32>} : memref<2x128x128xf32, #tpu.memory_space<vmem>>, vector<16xf32>,
        %parallel_loop3A_793 = arith.mulf %parallel_loop3A_792, %parallel_loop3A_751 : vector<16xf32>
        %parallel_loop3A_794 = arith.constant 1 : i32
        %parallel_loop3A_795 = arith.index_cast %parallel_loop3A_794 : i32 to index
        %parallel_loop3A_796 = arith.index_cast %parallel_loop3A_681 : i32 to index
        %parallel_loop3A_797 = arith.constant 112 : index
        %parallel_loop3A_798 = tpu.vector_load %arg12[%parallel_loop3A_795, %parallel_loop3A_796, %parallel_loop3A_797] {strides = array<i32>} : memref<2x128x128xf32, #tpu.memory_space<vmem>>, vector<16xf32>,
        %parallel_loop3A_799 = arith.mulf %parallel_loop3A_798, %parallel_loop3A_751 : vector<16xf32>
        %parallel_loop3A_800 = vector.extract_strided_slice %parallel_loop3A_741 {offsets = [0], sizes = [1], strides = [1]} : vector<16xi32> to vector<1xi32>
        %parallel_loop3A_801 = vector.extract %parallel_loop3A_800[0] : i32 from vector<1xi32>
        %parallel_loop3A_802 = arith.cmpi eq, %parallel_loop3A_801, %parallel_loop3A_683 : i32
        %parallel_loop3A_803 = arith.extui %parallel_loop3A_802 : i1 to i32
        %parallel_loop3A_804 = arith.constant 0 : i32
        %parallel_loop3A_805 = arith.constant 0 : i32
        %parallel_loop3A_806 = arith.cmpi ne, %parallel_loop3A_803, %parallel_loop3A_805 : i32
        %parallel_loop3A_807:8 = scf.if %parallel_loop3A_806 -> (vector<16xf32>, vector<16xf32>, vector<16xf32>, vector<16xf32>, vector<16xf32>, vector<16xf32>, vector<16xf32>, vector<16xf32>) {
          %parallel_loop3A_808 = arith.addf %parallel_loop3A_684, %parallel_loop3A_757 : vector<16xf32>
          %parallel_loop3A_809 = arith.addf %parallel_loop3A_685, %parallel_loop3A_763 : vector<16xf32>
          %parallel_loop3A_810 = arith.addf %parallel_loop3A_686, %parallel_loop3A_769 : vector<16xf32>
          %parallel_loop3A_811 = arith.addf %parallel_loop3A_687, %parallel_loop3A_775 : vector<16xf32>
          %parallel_loop3A_812 = arith.addf %parallel_loop3A_688, %parallel_loop3A_781 : vector<16xf32>
          %parallel_loop3A_813 = arith.addf %parallel_loop3A_689, %parallel_loop3A_787 : vector<16xf32>
          %parallel_loop3A_814 = arith.addf %parallel_loop3A_690, %parallel_loop3A_793 : vector<16xf32>
          %parallel_loop3A_815 = arith.addf %parallel_loop3A_691, %parallel_loop3A_799 : vector<16xf32>
          scf.yield %parallel_loop3A_808, %parallel_loop3A_809, %parallel_loop3A_810, %parallel_loop3A_811, %parallel_loop3A_812, %parallel_loop3A_813, %parallel_loop3A_814, %parallel_loop3A_815 : vector<16xf32>, vector<16xf32>, vector<16xf32>, vector<16xf32>, vector<16xf32>, vector<16xf32>, vector<16xf32>, vector<16xf32>
        } else {
          %parallel_loop3A_808 = arith.constant 0 : i32
          %parallel_loop3A_809 = tpu.memref_slice %arg13[%parallel_loop3A_808] : memref<65536xf32, #tpu.memory_space<vmem>> -> memref<65536xf32, #tpu.memory_space<vmem>>
          tpu.vector_store_idx %parallel_loop3A_809[%parallel_loop3A_682], %parallel_loop3A_684 {add = true} : memref<65536xf32, #tpu.memory_space<vmem>>[vector<16xi32>], vector<16xf32>,
          %parallel_loop3A_810 = arith.constant 16 : i32
          %parallel_loop3A_811 = tpu.memref_slice %arg13[%parallel_loop3A_810] : memref<65536xf32, #tpu.memory_space<vmem>> -> memref<65520xf32, #tpu.memory_space<vmem>>
          tpu.vector_store_idx %parallel_loop3A_811[%parallel_loop3A_682], %parallel_loop3A_685 {add = true} : memref<65520xf32, #tpu.memory_space<vmem>>[vector<16xi32>], vector<16xf32>,
          %parallel_loop3A_812 = arith.constant 32 : i32
          %parallel_loop3A_813 = tpu.memref_slice %arg13[%parallel_loop3A_812] : memref<65536xf32, #tpu.memory_space<vmem>> -> memref<65504xf32, #tpu.memory_space<vmem>>
          tpu.vector_store_idx %parallel_loop3A_813[%parallel_loop3A_682], %parallel_loop3A_686 {add = true} : memref<65504xf32, #tpu.memory_space<vmem>>[vector<16xi32>], vector<16xf32>,
          %parallel_loop3A_814 = arith.constant 48 : i32
          %parallel_loop3A_815 = tpu.memref_slice %arg13[%parallel_loop3A_814] : memref<65536xf32, #tpu.memory_space<vmem>> -> memref<65488xf32, #tpu.memory_space<vmem>>
          tpu.vector_store_idx %parallel_loop3A_815[%parallel_loop3A_682], %parallel_loop3A_687 {add = true} : memref<65488xf32, #tpu.memory_space<vmem>>[vector<16xi32>], vector<16xf32>,
          %parallel_loop3A_816 = arith.constant 64 : i32
          %parallel_loop3A_817 = tpu.memref_slice %arg13[%parallel_loop3A_816] : memref<65536xf32, #tpu.memory_space<vmem>> -> memref<65472xf32, #tpu.memory_space<vmem>>
          tpu.vector_store_idx %parallel_loop3A_817[%parallel_loop3A_682], %parallel_loop3A_688 {add = true} : memref<65472xf32, #tpu.memory_space<vmem>>[vector<16xi32>], vector<16xf32>,
          %parallel_loop3A_818 = arith.constant 80 : i32
          %parallel_loop3A_819 = tpu.memref_slice %arg13[%parallel_loop3A_818] : memref<65536xf32, #tpu.memory_space<vmem>> -> memref<65456xf32, #tpu.memory_space<vmem>>
          tpu.vector_store_idx %parallel_loop3A_819[%parallel_loop3A_682], %parallel_loop3A_689 {add = true} : memref<65456xf32, #tpu.memory_space<vmem>>[vector<16xi32>], vector<16xf32>,
          %parallel_loop3A_820 = arith.constant 96 : i32
          %parallel_loop3A_821 = tpu.memref_slice %arg13[%parallel_loop3A_820] : memref<65536xf32, #tpu.memory_space<vmem>> -> memref<65440xf32, #tpu.memory_space<vmem>>
          tpu.vector_store_idx %parallel_loop3A_821[%parallel_loop3A_682], %parallel_loop3A_690 {add = true} : memref<65440xf32, #tpu.memory_space<vmem>>[vector<16xi32>], vector<16xf32>,
          %parallel_loop3A_822 = arith.constant 112 : i32
          %parallel_loop3A_823 = tpu.memref_slice %arg13[%parallel_loop3A_822] : memref<65536xf32, #tpu.memory_space<vmem>> -> memref<65424xf32, #tpu.memory_space<vmem>>
          tpu.vector_store_idx %parallel_loop3A_823[%parallel_loop3A_682], %parallel_loop3A_691 {add = true} : memref<65424xf32, #tpu.memory_space<vmem>>[vector<16xi32>], vector<16xf32>,
          scf.yield %parallel_loop3A_757, %parallel_loop3A_763, %parallel_loop3A_769, %parallel_loop3A_775, %parallel_loop3A_781, %parallel_loop3A_787, %parallel_loop3A_793, %parallel_loop3A_799 : vector<16xf32>, vector<16xf32>, vector<16xf32>, vector<16xf32>, vector<16xf32>, vector<16xf32>, vector<16xf32>, vector<16xf32>
        }
        scf.yield %parallel_loop3A_741, %parallel_loop3A_801, %parallel_loop3A_807#0, %parallel_loop3A_807#1, %parallel_loop3A_807#2, %parallel_loop3A_807#3, %parallel_loop3A_807#4, %parallel_loop3A_807#5, %parallel_loop3A_807#6, %parallel_loop3A_807#7 : vector<16xi32>, i32, vector<16xf32>, vector<16xf32>, vector<16xf32>, vector<16xf32>, vector<16xf32>, vector<16xf32>, vector<16xf32>, vector<16xf32>
      } {sc.loop_unroll_factor = 2 : i64, sc.parallel_access}
      %scatter3A_631 = arith.constant 0 : i32
      %scatter3A_632 = tpu.memref_slice %arg13[%scatter3A_631] : memref<65536xf32, #tpu.memory_space<vmem>> -> memref<65536xf32, #tpu.memory_space<vmem>>
      tpu.vector_store_idx %scatter3A_632[%parallel_loop3A_630#0], %parallel_loop3A_630#2 {add = true} : memref<65536xf32, #tpu.memory_space<vmem>>[vector<16xi32>], vector<16xf32>,
      %scatter3A_633 = arith.constant 16 : i32
      %scatter3A_634 = tpu.memref_slice %arg13[%scatter3A_633] : memref<65536xf32, #tpu.memory_space<vmem>> -> memref<65520xf32, #tpu.memory_space<vmem>>
      tpu.vector_store_idx %scatter3A_634[%parallel_loop3A_630#0], %parallel_loop3A_630#3 {add = true} : memref<65520xf32, #tpu.memory_space<vmem>>[vector<16xi32>], vector<16xf32>,
      %scatter3A_635 = arith.constant 32 : i32
      %scatter3A_636 = tpu.memref_slice %arg13[%scatter3A_635] : memref<65536xf32, #tpu.memory_space<vmem>> -> memref<65504xf32, #tpu.memory_space<vmem>>
      tpu.vector_store_idx %scatter3A_636[%parallel_loop3A_630#0], %parallel_loop3A_630#4 {add = true} : memref<65504xf32, #tpu.memory_space<vmem>>[vector<16xi32>], vector<16xf32>,
      %scatter3A_637 = arith.constant 48 : i32
      %scatter3A_638 = tpu.memref_slice %arg13[%scatter3A_637] : memref<65536xf32, #tpu.memory_space<vmem>> -> memref<65488xf32, #tpu.memory_space<vmem>>
      tpu.vector_store_idx %scatter3A_638[%parallel_loop3A_630#0], %parallel_loop3A_630#5 {add = true} : memref<65488xf32, #tpu.memory_space<vmem>>[vector<16xi32>], vector<16xf32>,
      %scatter3A_639 = arith.constant 64 : i32
      %scatter3A_640 = tpu.memref_slice %arg13[%scatter3A_639] : memref<65536xf32, #tpu.memory_space<vmem>> -> memref<65472xf32, #tpu.memory_space<vmem>>
      tpu.vector_store_idx %scatter3A_640[%parallel_loop3A_630#0], %parallel_loop3A_630#6 {add = true} : memref<65472xf32, #tpu.memory_space<vmem>>[vector<16xi32>], vector<16xf32>,
      %scatter3A_641 = arith.constant 80 : i32
      %scatter3A_642 = tpu.memref_slice %arg13[%scatter3A_641] : memref<65536xf32, #tpu.memory_space<vmem>> -> memref<65456xf32, #tpu.memory_space<vmem>>
      tpu.vector_store_idx %scatter3A_642[%parallel_loop3A_630#0], %parallel_loop3A_630#7 {add = true} : memref<65456xf32, #tpu.memory_space<vmem>>[vector<16xi32>], vector<16xf32>,
      %scatter3A_643 = arith.constant 96 : i32
      %scatter3A_644 = tpu.memref_slice %arg13[%scatter3A_643] : memref<65536xf32, #tpu.memory_space<vmem>> -> memref<65440xf32, #tpu.memory_space<vmem>>
      tpu.vector_store_idx %scatter3A_644[%parallel_loop3A_630#0], %parallel_loop3A_630#8 {add = true} : memref<65440xf32, #tpu.memory_space<vmem>>[vector<16xi32>], vector<16xf32>,
      %scatter3A_645 = arith.constant 112 : i32
      %scatter3A_646 = tpu.memref_slice %arg13[%scatter3A_645] : memref<65536xf32, #tpu.memory_space<vmem>> -> memref<65424xf32, #tpu.memory_space<vmem>>
      tpu.vector_store_idx %scatter3A_646[%parallel_loop3A_630#0], %parallel_loop3A_630#9 {add = true} : memref<65424xf32, #tpu.memory_space<vmem>>[vector<16xi32>], vector<16xf32>,
      %add3A_647 = arith.constant 2 : i32
      %add3A_648 = arith.addi %add3A_487, %add3A_647 : i32
      %mul3A_649 = arith.constant 128 : i32
      %mul3A_650 = arith.muli %add3A_648, %mul3A_649 : i32
      %add3A_651 = arith.addi %sub3A, %mul3A_650 : i32
      %multiple_of3A_652 = tpu.assume_multiple %add3A_651, 8 : i32
      %dma_start3A_653 = arith.constant 1 : i32
      %dma_start3A_654 = arith.constant 0 : i32
      %dma_start3A_655 = tpu.memref_slice %arg9[%dma_start3A_653, %dma_start3A_654] : memref<2x128xi32, #tpu.memory_space<vmem>> -> memref<1x128xi32, #tpu.memory_space<vmem>>
      %dma_start3A_656 = tpu.memref_squeeze %dma_start3A_655 : memref<1x128xi32, #tpu.memory_space<vmem>> -> memref<128xi32, #tpu.memory_space<vmem>>
      %dma_start3A_657 = tpu.memref_slice %arg2[%multiple_of3A_652] : memref<426496xi32, #tpu.memory_space<hbm>> -> memref<128xi32, #tpu.memory_space<hbm>>
      %dma_start3A_658 = arith.constant 0 : i32
      %dma_start3A_659 = tpu.memref_slice %arg9[%dma_start3A_653, %dma_start3A_658] : memref<2x128xi32, #tpu.memory_space<vmem>> -> memref<1x128xi32, #tpu.memory_space<vmem>>
      %dma_start3A_660 = tpu.memref_squeeze %dma_start3A_659 : memref<1x128xi32, #tpu.memory_space<vmem>> -> memref<128xi32, #tpu.memory_space<vmem>>
      %dma_start3A_661 = tpu.memref_slice %arg2[%multiple_of3A_652] : memref<426496xi32, #tpu.memory_space<hbm>> -> memref<128xi32, #tpu.memory_space<hbm>>
      tpu.enqueue_dma source(%dma_start3A_661 : memref<128xi32, #tpu.memory_space<hbm>>) target(%dma_start3A_660 : memref<128xi32, #tpu.memory_space<vmem>>) target_semaphore(%arg15 : memref<!tpu.dma_semaphore, #tpu.memory_space<semaphore_mem>>)
      %dma_start3A_662 = arith.constant 1 : i32
      %dma_start3A_663 = arith.constant 0 : i32
      %dma_start3A_664 = tpu.memref_slice %arg10[%dma_start3A_662, %dma_start3A_663] : memref<2x128xi32, #tpu.memory_space<vmem>> -> memref<1x128xi32, #tpu.memory_space<vmem>>
      %dma_start3A_665 = tpu.memref_squeeze %dma_start3A_664 : memref<1x128xi32, #tpu.memory_space<vmem>> -> memref<128xi32, #tpu.memory_space<vmem>>
      %dma_start3A_666 = tpu.memref_slice %arg3[%multiple_of3A_652] : memref<426496xi32, #tpu.memory_space<hbm>> -> memref<128xi32, #tpu.memory_space<hbm>>
      %dma_start3A_667 = arith.constant 0 : i32
      %dma_start3A_668 = tpu.memref_slice %arg10[%dma_start3A_662, %dma_start3A_667] : memref<2x128xi32, #tpu.memory_space<vmem>> -> memref<1x128xi32, #tpu.memory_space<vmem>>
      %dma_start3A_669 = tpu.memref_squeeze %dma_start3A_668 : memref<1x128xi32, #tpu.memory_space<vmem>> -> memref<128xi32, #tpu.memory_space<vmem>>
      %dma_start3A_670 = tpu.memref_slice %arg3[%multiple_of3A_652] : memref<426496xi32, #tpu.memory_space<hbm>> -> memref<128xi32, #tpu.memory_space<hbm>>
      tpu.enqueue_dma source(%dma_start3A_670 : memref<128xi32, #tpu.memory_space<hbm>>) target(%dma_start3A_669 : memref<128xi32, #tpu.memory_space<vmem>>) target_semaphore(%arg15 : memref<!tpu.dma_semaphore, #tpu.memory_space<semaphore_mem>>)
      %dma_start3A_671 = arith.constant 1 : i32
      %dma_start3A_672 = arith.constant 0 : i32
      %dma_start3A_673 = tpu.memref_slice %arg11[%dma_start3A_671, %dma_start3A_672] : memref<2x128xf32, #tpu.memory_space<vmem>> -> memref<1x128xf32, #tpu.memory_space<vmem>>
      %dma_start3A_674 = tpu.memref_squeeze %dma_start3A_673 : memref<1x128xf32, #tpu.memory_space<vmem>> -> memref<128xf32, #tpu.memory_space<vmem>>
      %dma_start3A_675 = tpu.memref_slice %arg4[%multiple_of3A_652] : memref<426496xf32, #tpu.memory_space<hbm>> -> memref<128xf32, #tpu.memory_space<hbm>>
      %dma_start3A_676 = arith.constant 0 : i32
      %dma_start3A_677 = tpu.memref_slice %arg11[%dma_start3A_671, %dma_start3A_676] : memref<2x128xf32, #tpu.memory_space<vmem>> -> memref<1x128xf32, #tpu.memory_space<vmem>>
      %dma_start3A_678 = tpu.memref_squeeze %dma_start3A_677 : memref<1x128xf32, #tpu.memory_space<vmem>> -> memref<128xf32, #tpu.memory_space<vmem>>
      %dma_start3A_679 = tpu.memref_slice %arg4[%multiple_of3A_652] : memref<426496xf32, #tpu.memory_space<hbm>> -> memref<128xf32, #tpu.memory_space<hbm>>
      tpu.enqueue_dma source(%dma_start3A_679 : memref<128xf32, #tpu.memory_space<hbm>>) target(%dma_start3A_678 : memref<128xf32, #tpu.memory_space<vmem>>) target_semaphore(%arg15 : memref<!tpu.dma_semaphore, #tpu.memory_space<semaphore_mem>>)
      %while3A_680 = arith.constant 0 : i32
      scf.yield %while3A_680 : i32
    }
    %dma_wait3A_208 = arith.constant 0 : i32
    %dma_wait3A_209 = arith.constant 0 : i32
    %dma_wait3A_210 = arith.constant 0 : i32
    %dma_wait3A_211 = arith.constant 0 : i32
    %dma_wait3A_212 = tpu.memref_slice %arg12[%dma_wait3A_209, %dma_wait3A_210, %dma_wait3A_211] : memref<2x128x128xf32, #tpu.memory_space<vmem>> -> memref<1x32x128xf32, #tpu.memory_space<vmem>>
    %dma_wait3A_213 = tpu.memref_squeeze %dma_wait3A_212 : memref<1x32x128xf32, #tpu.memory_space<vmem>> -> memref<32x128xf32, #tpu.memory_space<vmem>>
    %dma_wait3A_214 = arith.constant 0 : i32
    %dma_wait3A_215 = tpu.memref_slice %arg9[%dma_wait3A_208, %dma_wait3A_214] : memref<2x128xi32, #tpu.memory_space<vmem>> -> memref<1x32xi32, #tpu.memory_space<vmem>>
    %dma_wait3A_216 = tpu.memref_squeeze %dma_wait3A_215 : memref<1x32xi32, #tpu.memory_space<vmem>> -> memref<32xi32, #tpu.memory_space<vmem>>
    %dma_wait3A_217 = arith.constant 0 : i32
    %dma_wait3A_218 = arith.constant 0 : i32
    %dma_wait3A_219 = tpu.memref_slice %arg5[%dma_wait3A_217, %dma_wait3A_218] : memref<1048576x128xf32, #tpu.memory_space<hbm>> -> memref<1048576x128xf32, #tpu.memory_space<hbm>>
    tpu.wait_indirect_dma semaphore(%arg16 : memref<!tpu.dma_semaphore, #tpu.memory_space<semaphore_mem>>) src(%dma_wait3A_219 : memref<1048576x128xf32, #tpu.memory_space<hbm>>) dst(%dma_wait3A_213 : memref<32x128xf32, #tpu.memory_space<vmem>>)
    %dma_wait3A_220 = arith.constant 0 : i32
    %dma_wait3A_221 = arith.constant 0 : i32
    %dma_wait3A_222 = arith.constant 32 : i32
    %dma_wait3A_223 = arith.constant 0 : i32
    %dma_wait3A_224 = tpu.memref_slice %arg12[%dma_wait3A_221, %dma_wait3A_222, %dma_wait3A_223] : memref<2x128x128xf32, #tpu.memory_space<vmem>> -> memref<1x32x128xf32, #tpu.memory_space<vmem>>
    %dma_wait3A_225 = tpu.memref_squeeze %dma_wait3A_224 : memref<1x32x128xf32, #tpu.memory_space<vmem>> -> memref<32x128xf32, #tpu.memory_space<vmem>>
    %dma_wait3A_226 = arith.constant 32 : i32
    %dma_wait3A_227 = tpu.memref_slice %arg9[%dma_wait3A_220, %dma_wait3A_226] : memref<2x128xi32, #tpu.memory_space<vmem>> -> memref<1x32xi32, #tpu.memory_space<vmem>>
    %dma_wait3A_228 = tpu.memref_squeeze %dma_wait3A_227 : memref<1x32xi32, #tpu.memory_space<vmem>> -> memref<32xi32, #tpu.memory_space<vmem>>
    %dma_wait3A_229 = arith.constant 0 : i32
    %dma_wait3A_230 = arith.constant 0 : i32
    %dma_wait3A_231 = tpu.memref_slice %arg5[%dma_wait3A_229, %dma_wait3A_230] : memref<1048576x128xf32, #tpu.memory_space<hbm>> -> memref<1048576x128xf32, #tpu.memory_space<hbm>>
    tpu.wait_indirect_dma semaphore(%arg16 : memref<!tpu.dma_semaphore, #tpu.memory_space<semaphore_mem>>) src(%dma_wait3A_231 : memref<1048576x128xf32, #tpu.memory_space<hbm>>) dst(%dma_wait3A_225 : memref<32x128xf32, #tpu.memory_space<vmem>>)
    %dma_wait3A_232 = arith.constant 0 : i32
    %dma_wait3A_233 = arith.constant 0 : i32
    %dma_wait3A_234 = arith.constant 64 : i32
    %dma_wait3A_235 = arith.constant 0 : i32
    %dma_wait3A_236 = tpu.memref_slice %arg12[%dma_wait3A_233, %dma_wait3A_234, %dma_wait3A_235] : memref<2x128x128xf32, #tpu.memory_space<vmem>> -> memref<1x32x128xf32, #tpu.memory_space<vmem>>
    %dma_wait3A_237 = tpu.memref_squeeze %dma_wait3A_236 : memref<1x32x128xf32, #tpu.memory_space<vmem>> -> memref<32x128xf32, #tpu.memory_space<vmem>>
    %dma_wait3A_238 = arith.constant 64 : i32
    %dma_wait3A_239 = tpu.memref_slice %arg9[%dma_wait3A_232, %dma_wait3A_238] : memref<2x128xi32, #tpu.memory_space<vmem>> -> memref<1x32xi32, #tpu.memory_space<vmem>>
    %dma_wait3A_240 = tpu.memref_squeeze %dma_wait3A_239 : memref<1x32xi32, #tpu.memory_space<vmem>> -> memref<32xi32, #tpu.memory_space<vmem>>
    %dma_wait3A_241 = arith.constant 0 : i32
    %dma_wait3A_242 = arith.constant 0 : i32
    %dma_wait3A_243 = tpu.memref_slice %arg5[%dma_wait3A_241, %dma_wait3A_242] : memref<1048576x128xf32, #tpu.memory_space<hbm>> -> memref<1048576x128xf32, #tpu.memory_space<hbm>>
    tpu.wait_indirect_dma semaphore(%arg16 : memref<!tpu.dma_semaphore, #tpu.memory_space<semaphore_mem>>) src(%dma_wait3A_243 : memref<1048576x128xf32, #tpu.memory_space<hbm>>) dst(%dma_wait3A_237 : memref<32x128xf32, #tpu.memory_space<vmem>>)
    %dma_wait3A_244 = arith.constant 0 : i32
    %dma_wait3A_245 = arith.constant 0 : i32
    %dma_wait3A_246 = arith.constant 96 : i32
    %dma_wait3A_247 = arith.constant 0 : i32
    %dma_wait3A_248 = tpu.memref_slice %arg12[%dma_wait3A_245, %dma_wait3A_246, %dma_wait3A_247] : memref<2x128x128xf32, #tpu.memory_space<vmem>> -> memref<1x32x128xf32, #tpu.memory_space<vmem>>
    %dma_wait3A_249 = tpu.memref_squeeze %dma_wait3A_248 : memref<1x32x128xf32, #tpu.memory_space<vmem>> -> memref<32x128xf32, #tpu.memory_space<vmem>>
    %dma_wait3A_250 = arith.constant 96 : i32
    %dma_wait3A_251 = tpu.memref_slice %arg9[%dma_wait3A_244, %dma_wait3A_250] : memref<2x128xi32, #tpu.memory_space<vmem>> -> memref<1x32xi32, #tpu.memory_space<vmem>>
    %dma_wait3A_252 = tpu.memref_squeeze %dma_wait3A_251 : memref<1x32xi32, #tpu.memory_space<vmem>> -> memref<32xi32, #tpu.memory_space<vmem>>
    %dma_wait3A_253 = arith.constant 0 : i32
    %dma_wait3A_254 = arith.constant 0 : i32
    %dma_wait3A_255 = tpu.memref_slice %arg5[%dma_wait3A_253, %dma_wait3A_254] : memref<1048576x128xf32, #tpu.memory_space<hbm>> -> memref<1048576x128xf32, #tpu.memory_space<hbm>>
    tpu.wait_indirect_dma semaphore(%arg16 : memref<!tpu.dma_semaphore, #tpu.memory_space<semaphore_mem>>) src(%dma_wait3A_255 : memref<1048576x128xf32, #tpu.memory_space<hbm>>) dst(%dma_wait3A_249 : memref<32x128xf32, #tpu.memory_space<vmem>>)
    %dma_wait3A_256 = arith.constant 1 : i32
    %dma_wait3A_257 = arith.constant 0 : i32
    %dma_wait3A_258 = tpu.memref_slice %arg9[%dma_wait3A_256, %dma_wait3A_257] : memref<2x128xi32, #tpu.memory_space<vmem>> -> memref<1x128xi32, #tpu.memory_space<vmem>>
    %dma_wait3A_259 = tpu.memref_squeeze %dma_wait3A_258 : memref<1x128xi32, #tpu.memory_space<vmem>> -> memref<128xi32, #tpu.memory_space<vmem>>
    %dma_wait3A_260 = arith.constant 0 : i32
    %dma_wait3A_261 = tpu.memref_slice %arg2[%dma_wait3A_260] : memref<426496xi32, #tpu.memory_space<hbm>> -> memref<128xi32, #tpu.memory_space<hbm>>
    %dma_wait3A_262 = arith.constant 0 : i32
    %dma_wait3A_263 = tpu.memref_slice %arg9[%dma_wait3A_256, %dma_wait3A_262] : memref<2x128xi32, #tpu.memory_space<vmem>> -> memref<1x128xi32, #tpu.memory_space<vmem>>
    %dma_wait3A_264 = tpu.memref_squeeze %dma_wait3A_263 : memref<1x128xi32, #tpu.memory_space<vmem>> -> memref<128xi32, #tpu.memory_space<vmem>>
    %dma_wait3A_265 = arith.constant 0 : i32
    %dma_wait3A_266 = tpu.memref_slice %arg2[%dma_wait3A_265] : memref<426496xi32, #tpu.memory_space<hbm>> -> memref<128xi32, #tpu.memory_space<hbm>>
    tpu.wait_dma2 semaphore(%arg15 : memref<!tpu.dma_semaphore, #tpu.memory_space<semaphore_mem>>) src(%dma_wait3A_266 : memref<128xi32, #tpu.memory_space<hbm>>) dst(%dma_wait3A_264 : memref<128xi32, #tpu.memory_space<vmem>>)
    %dma_wait3A_267 = arith.constant 1 : i32
    %dma_wait3A_268 = arith.constant 0 : i32
    %dma_wait3A_269 = tpu.memref_slice %arg10[%dma_wait3A_267, %dma_wait3A_268] : memref<2x128xi32, #tpu.memory_space<vmem>> -> memref<1x128xi32, #tpu.memory_space<vmem>>
    %dma_wait3A_270 = tpu.memref_squeeze %dma_wait3A_269 : memref<1x128xi32, #tpu.memory_space<vmem>> -> memref<128xi32, #tpu.memory_space<vmem>>
    %dma_wait3A_271 = arith.constant 0 : i32
    %dma_wait3A_272 = tpu.memref_slice %arg3[%dma_wait3A_271] : memref<426496xi32, #tpu.memory_space<hbm>> -> memref<128xi32, #tpu.memory_space<hbm>>
    %dma_wait3A_273 = arith.constant 0 : i32
    %dma_wait3A_274 = tpu.memref_slice %arg10[%dma_wait3A_267, %dma_wait3A_273] : memref<2x128xi32, #tpu.memory_space<vmem>> -> memref<1x128xi32, #tpu.memory_space<vmem>>
    %dma_wait3A_275 = tpu.memref_squeeze %dma_wait3A_274 : memref<1x128xi32, #tpu.memory_space<vmem>> -> memref<128xi32, #tpu.memory_space<vmem>>
    %dma_wait3A_276 = arith.constant 0 : i32
    %dma_wait3A_277 = tpu.memref_slice %arg3[%dma_wait3A_276] : memref<426496xi32, #tpu.memory_space<hbm>> -> memref<128xi32, #tpu.memory_space<hbm>>
    tpu.wait_dma2 semaphore(%arg15 : memref<!tpu.dma_semaphore, #tpu.memory_space<semaphore_mem>>) src(%dma_wait3A_277 : memref<128xi32, #tpu.memory_space<hbm>>) dst(%dma_wait3A_275 : memref<128xi32, #tpu.memory_space<vmem>>)
    %dma_wait3A_278 = arith.constant 1 : i32
    %dma_wait3A_279 = arith.constant 0 : i32
    %dma_wait3A_280 = tpu.memref_slice %arg11[%dma_wait3A_278, %dma_wait3A_279] : memref<2x128xf32, #tpu.memory_space<vmem>> -> memref<1x128xf32, #tpu.memory_space<vmem>>
    %dma_wait3A_281 = tpu.memref_squeeze %dma_wait3A_280 : memref<1x128xf32, #tpu.memory_space<vmem>> -> memref<128xf32, #tpu.memory_space<vmem>>
    %dma_wait3A_282 = arith.constant 0 : i32
    %dma_wait3A_283 = tpu.memref_slice %arg4[%dma_wait3A_282] : memref<426496xf32, #tpu.memory_space<hbm>> -> memref<128xf32, #tpu.memory_space<hbm>>
    %dma_wait3A_284 = arith.constant 0 : i32
    %dma_wait3A_285 = tpu.memref_slice %arg11[%dma_wait3A_278, %dma_wait3A_284] : memref<2x128xf32, #tpu.memory_space<vmem>> -> memref<1x128xf32, #tpu.memory_space<vmem>>
    %dma_wait3A_286 = tpu.memref_squeeze %dma_wait3A_285 : memref<1x128xf32, #tpu.memory_space<vmem>> -> memref<128xf32, #tpu.memory_space<vmem>>
    %dma_wait3A_287 = arith.constant 0 : i32
    %dma_wait3A_288 = tpu.memref_slice %arg4[%dma_wait3A_287] : memref<426496xf32, #tpu.memory_space<hbm>> -> memref<128xf32, #tpu.memory_space<hbm>>
    tpu.wait_dma2 semaphore(%arg15 : memref<!tpu.dma_semaphore, #tpu.memory_space<semaphore_mem>>) src(%dma_wait3A_288 : memref<128xf32, #tpu.memory_space<hbm>>) dst(%dma_wait3A_286 : memref<128xf32, #tpu.memory_space<vmem>>)
    %mul3A_289 = arith.constant 128 : i32
    %mul3A_290 = arith.muli %mul3A_2, %mul3A_289 : i32
    "tpu.region"() ({
      %run_scoped3A = tpu.sem_alloc : memref<!tpu.dma_semaphore, #tpu.memory_space<semaphore_mem>>
      %dma_start3A_291 = tpu.memref_slice %arg7[%mul3A_290] : memref<2097152xf32, #tpu.memory_space<hbm>> -> memref<65536xf32, #tpu.memory_space<hbm>>
      %dma_start3A_292 = tpu.memref_slice %arg7[%mul3A_290] : memref<2097152xf32, #tpu.memory_space<hbm>> -> memref<65536xf32, #tpu.memory_space<hbm>>
      tpu.enqueue_dma source(%arg13 : memref<65536xf32, #tpu.memory_space<vmem>>) target(%dma_start3A_292 : memref<65536xf32, #tpu.memory_space<hbm>>) target_semaphore(%run_scoped3A : memref<!tpu.dma_semaphore, #tpu.memory_space<semaphore_mem>>)
      %dma_wait3A_293 = tpu.memref_slice %arg7[%mul3A_290] : memref<2097152xf32, #tpu.memory_space<hbm>> -> memref<65536xf32, #tpu.memory_space<hbm>>
      %dma_wait3A_294 = tpu.memref_slice %arg7[%mul3A_290] : memref<2097152xf32, #tpu.memory_space<hbm>> -> memref<65536xf32, #tpu.memory_space<hbm>>
      tpu.wait_dma2 semaphore(%run_scoped3A : memref<!tpu.dma_semaphore, #tpu.memory_space<semaphore_mem>>) src(%arg13 : memref<65536xf32, #tpu.memory_space<vmem>>) dst(%dma_wait3A_294 : memref<65536xf32, #tpu.memory_space<hbm>>)
      tpu.yield
    }) : () -> ()
    return
  }
}

</mosaic_0001>

<sc_bundles>
// kernel: kernel.3.cloned.1.call-start
scs
__scs_entry_jumppad:
0x0: {  	(pc) =	sbr.rel $0x88, $3  }
0x1: {  	(tag) =	ssettag $0x0;
	lr =	simm.s32 $0x1  }
0x2: {  	[smem:$0x3F9D] =	sst lr;
	_ =	strace $0xD0000000  }
0x3: {  	_ = 	snop  }
0x4: {  	_ = 	snop  }
0x5: {  	_ = 	snop  }
0x6: {  	_ = 	snop  }
0x7: {  	_ = 	snop  }
__scs_overlays_trampoline_lowered:
0x8: {  	[smem:$0x3FAC] =	sst s0  }
0x9: {  	[smem:$0x3FAD] =	sst s1  }
0xa: {  	[smem:$0x3FAE] =	sst s2  }
0xb: {  	[smem:$0x3FAF] =	sst s3  }
0xc: {  	[smem:$0x3FB0] =	sst s4  }
0xd: {  	[smem:$0x3FB1] =	sst s5  }
0xe: {  	[smem:$0x3FB2] =	sst s6  }
0xf: {  	[smem:$0x3FB3] =	sst s7  }
0x10: {  	[smem:$0x3FB4] =	sst s8  }
0x11: {  	[smem:$0x3FB5] =	sst s9;
	s0 =	simm.s32 @!p0 $0x0  }
0x12: {  	s1 =	sld [smem:$0x3F9B];
	s0 =	simm.s32 @p0 $0x1  }
0x13: {  	[smem:$0x3FB6] =	sst s0;
	s0 =	simm.s32 @!p1 $0x0  }
0x14: {  	s2 =	sld [smem:$0x3F9A];
	s0 =	simm.s32 @p1 $0x1  }
0x15: {  	[smem:$0x3FB7] =	sst s0;
	s0 =	simm.s32 @!p2 $0x0  }
0x16: {  	s3 =	sld [smem:$0x3FDB];
	s0 =	simm.s32 @p2 $0x1  }
0x17: {  	s4 =	simm.s32 $0x1BF5;
	[smem:$0x3FB9] =	sst s0  }
0x18: {  	s0 =	sld [smem:$0x3F9C];
	_ =	swait.ge [sflag:s4], $0x0  }
0x19: {  	s7 =	sld [smem:$0x3F9D]  }
0x1a: {  	s8 =	sadd.s32 $0xFFFFE003, lr  }
0x1b: {  	s9 =	sadd.s32 $0xFFFFFEF7, lr;
	s5 =	simm.s32 $0xFFFFFFFF;
	p2 =	slt.u32 s8, $0xFFFFF086  }
0x1c: {  	p1 =	slt.u32 s9, $0xF7A;
	s5 =	simm.s32 @!p2 $0x0  }
0x1d: {  	s5 =	simm.s32 @p1 $0x1;
	p0 =	seq.s32 s7, s2  }
0x1e: {  	s7 =	smul.u32 @!p0 $0xF7A, s2;
	p2 =	seq.s32 @!p0 s5, $0x0  }
0x1f: {  	s9 =	smul.u32 $0xF7A, s1;
	s8 =	simm.s32 @!p0 $0x1BF5;
	p2 =	por !p2, p0  }
0x20: {  	[sflag:s8] =	ssyncset.s32 @!p0 $0xFFFFF086;
	s6 =	sadd.s32 @!p0 s3, s7;
	s7 =	simm.s32 @!p0 $0x108  }
0x21: {  	s3 =	sadd.s32 s3, s9;
	s6 =	sadd.s32 @!p0 $0x88, s6;
	s7 =	simm.s32 @p2 $0x1082  }
0x22: {  	[simem:s7], [sflag:s8] =	dma.local @!p0 [hbm:s6], $0xF7A  }
0x23: {  	s9 =	sor.u32 $0xD0000000, s2;
	s6 =	simm.s32 $0x108;
	_ =	swait.ge @!p0 [sflag:s8], $0x0  }
0x24: {  	s3 =	sadd.s32 $0x88, s3;
	s6 =	simm.s32 @!p1 $0x1082;
	[sflag:s4] =	ssyncset.s32 $0xFFFFF086  }
0x25: {  	[simem:s6], [sflag:s4] =	dma.local [hbm:s3], $0xF7A  }
0x26: {  	[smem:$0x3F9D] =	sst s1;
	(tag) =	ssettag s2;
	_ =	strace s9  }
0x27: {  	s1 =	sld [smem:$0x3FAD]  }
0x28: {  	s2 =	sld [smem:$0x3FAE]  }
0x29: {  	s4 =	sld [smem:$0x3FB0]  }
0x2a: {  	p0 =	seq.s32 s5, $0x0;
	s5 =	sld [smem:$0x3FB1]  }
0x2b: {  	s6 =	sld [smem:$0x3FB2]  }
0x2c: {  	s7 =	sld [smem:$0x3FB3]  }
0x2d: {  	s3 =	simm.s32 $0x108;
	s8 =	sld [smem:$0x3FB4]  }
0x2e: {  	s3 =	simm.s32 @!p0 $0x1082;
	s9 =	sld [smem:$0x3FB5]  }
0x2f: {  	lr =	sadd.s32 s0, s3;
	s0 =	sld [smem:$0x3FAC]  }
0x30: {  	s3 =	sld [smem:$0x3FAF]  }
0x31: {  	[smem:$0x3FB8] =	sst s10  }
0x32: {  	s10 =	sld [smem:$0x3FB6];
	_ =	sdelay $0x3  }
0x33: {  	p0 =	seq.s32 s10, $0x1;
	s10 =	sld [smem:$0x3FB8];
	_ =	sdelay $0x3  }
0x34: {  	[smem:$0x3FB8] =	sst s10  }
0x35: {  	s10 =	sld [smem:$0x3FB7];
	_ =	sdelay $0x3  }
0x36: {  	p1 =	seq.s32 s10, $0x1;
	s10 =	sld [smem:$0x3FB8];
	_ =	sdelay $0x3  }
0x37: {  	[smem:$0x3FB8] =	sst s10  }
0x38: {  	s10 =	sld [smem:$0x3FB9]  }
0x39: {  	_ = 	snop;
	(pc) =	sbr.ind lr, $3  }
0x3a: {  	_ = 	snop  }
0x3b: {  	_ = 	snop  }
0x3c: {  	p2 =	seq.s32 s10, $0x1;
	s10 =	sld [smem:$0x3FB8]  }
0x3d: {  	_ =	shalt  }
0x3e: {  	_ =	shalt  }
0x3f: {  	_ =	shalt  }
0x40: {  	_ =	shalt  }
0x41: {  	_ =	shalt  }
0x42: {  	_ =	shalt  }
0x43: {  	_ =	shalt  }
0x44: {  	_ =	shalt  }
0x45: {  	_ =	shalt  }
0x46: {  	_ =	shalt  }
0x47: {  	_ =	shalt  }
0x48: {  	_ =	shalt  }
0x49: {  	_ =	shalt  }
0x4a: {  	_ =	shalt  }
0x4b: {  	_ =	shalt  }
0x4c: {  	_ =	shalt  }
0x4d: {  	_ =	shalt  }
0x4e: {  	_ =	shalt  }
0x4f: {  	_ =	shalt  }
0x50: {  	_ =	shalt  }
0x51: {  	_ =	shalt  }
0x52: {  	_ =	shalt  }
0x53: {  	_ =	shalt  }
0x54: {  	_ =	shalt  }
0x55: {  	_ =	shalt  }
0x56: {  	_ =	shalt  }
0x57: {  	_ =	shalt  }
0x58: {  	_ =	shalt  }
0x59: {  	_ =	shalt  }
0x5a: {  	_ =	shalt  }
0x5b: {  	_ =	shalt  }
0x5c: {  	_ =	shalt  }
0x5d: {  	_ =	shalt  }
0x5e: {  	_ =	shalt  }
0x5f: {  	_ =	shalt  }
0x60: {  	_ =	shalt  }
0x61: {  	_ =	shalt  }
0x62: {  	_ =	shalt  }
0x63: {  	_ =	shalt  }
0x64: {  	_ =	shalt  }
0x65: {  	_ =	shalt  }
0x66: {  	_ =	shalt  }
0x67: {  	_ =	shalt  }
0x68: {  	_ =	shalt  }
0x69: {  	_ =	shalt  }
0x6a: {  	_ =	shalt  }
0x6b: {  	_ =	shalt  }
0x6c: {  	_ =	shalt  }
0x6d: {  	_ =	shalt  }
0x6e: {  	_ =	shalt  }
0x6f: {  	_ =	shalt  }
0x70: {  	_ =	shalt  }
0x71: {  	_ =	shalt  }
0x72: {  	_ =	shalt  }
0x73: {  	_ =	shalt  }
0x74: {  	_ =	shalt  }
0x75: {  	_ =	shalt  }
0x76: {  	_ =	shalt  }
0x77: {  	_ =	shalt  }
0x78: {  	_ =	shalt  }
0x79: {  	_ =	shalt  }
0x7a: {  	_ =	shalt  }
0x7b: {  	_ =	shalt  }
0x7c: {  	_ =	shalt  }
0x7d: {  	_ =	shalt  }
0x7e: {  	_ =	shalt  }
0x7f: {  	_ =	shalt  }
0x80: {  	_ =	shalt  }
0x81: {  	_ =	shalt  }
0x82: {  	_ =	shalt  }
0x83: {  	_ =	shalt  }
0x84: {  	_ =	shalt  }
0x85: {  	_ =	shalt  }
0x86: {  	_ =	shalt  }
0x87: {  	_ =	shalt  }
.Lfunc_end0:
.L_simem_size_0:
called_computation_lowered:
.L_overlay_start_0:
0x88: {  	s2 =	sld [smem:$0x3FD9]  }
0x89: {  	s3 =	sld [smem:$0x3FFE];
	_ =	sdelay $0x1  }
0x8a: {  	s1 =	srdreg.scid  }
0x8b: {  	s0 =	sand.u32 $0x1, s1  }
0x8c: {  	s17 =	sshll.u32 s0, $0xA;
	s2 =	sadd.s32 s3, s2  }
0x8d: {  	s2 =	sadd.s32 s2, s17  }
0x8e: {  	[smem:$0x3FC4] =	sst s2  }
0x8f: {  	_ = 	snop  }
0x90: {  	s2 =	sld [smem:$0x3FC6]  }
0x91: {  	s18 =	sld [smem:$0x3FD0];
	(tm) =	ssettm $0x1  }
0x92: {  	s4 =	sld [smem:$0x3FFB];
	_ =	sdelay $0x3  }
0x93: {  	_ =	strace s4  }
0x94: {  	s4 =	sld [smem:$0x3FFC];
	_ =	sdelay $0x3  }
0x95: {  	_ =	strace s4  }
0x96: {  	s4 =	sld [smem:$0x3FFD];
	_ =	sdelay $0x3  }
0x97: {  	_ =	strace s4  }
0x98: {  	_ =	strace $0x8FFFFFFF  }
0x99: {  	s19 =	sld [smem:$0x3FDB];
	_ =	sdelay $0x1  }
0x9a: {  	s5 =	simm.s32 $_scs_section_size  }
0x9b: {  	s6 =	simm.s32 $_size__tile_overlayer_lowered;
	s7 =	simm.s32 $_tile_overlayer_lowered  }
0x9c: {  	s22 =	simm.s32 $0x1BFF;
	s21 =	sshll.u32 s7, $0x1;
	s4 =	sadd.s32 s5, s19  }
0x9d: {  	s8 =	simm.s32 $0x0;
	s20 =	sshll.u32 s6, $0x1;
	s6 =	sadd.s32 s21, s4  }
0x9e: {  	[timem:s8], [sflag:s22] =	dma.local [hbm:s6], s20  }
0x9f: {  	_ =	swait.ge [sflag:s22], s20  }
0xa0: {  	s5 =	ssub.s32 $0x0, s20;
	[sflag:s22] =	ssyncset.done $0x0  }
0xa1: {  	[sflag:s22] =	ssyncadd.s32 s5;
	_ =	sdelay $0x1  }
0xa2: {  	s23 =	simm.s32 $0x1B8B  }
0xa3: {  	_ =	swait.ge [sflag:s23], $0x1  }
0xa4: {  	[sflag:s23] =	ssyncset.done $0x0  }
0xa5: {  	s25 =	simm.s32 $0x1B8E;
	s24 =	sld [smem:$0x3FFE];
	[sflag:s23] =	ssyncadd.s32 $0xFFFFFFFF  }
0xa6: {  	s26 =	simm.s32 $execute0_lowered;
	[smem:$0x3FD2] =	sst s25  }
0xa7: {  	s6 =	sshll.u32 s26, $0x1;
	_ =	strace $0x80000046;
	[dreg:$0x1] =	wrdreg $0xFFFFFFFF  }
0xa8: {  	s28 =	simm.s32 $_size_execute0_lowered;
	s4 =	sadd.s32 s4, s6;
	[dreg:$0x0] =	wrdreg $0x0  }
0xa9: {  	s6 =	sshll.u32 s28, $0x1;
	[dreg:$0x2] =	wrdreg s4  }
0xaa: {  	[dreg:$0x3] =	wrdreg s6  }
0xab: {  	[dreg:$0x4] =	wrdreg $0xC0  }
0xac: {  	_ =	task [dreg:s8], $0x5FFFF  }
0xad: {  	[dreg:$0x1] =	wrdreg $0xFFFFFFFF  }
0xae: {  	[dreg:$0x0] =	wrdreg $0x60  }
0xaf: {  	[dreg:$0x2] =	wrdreg s24  }
0xb0: {  	[dreg:$0x3] =	wrdreg s2  }
0xb1: {  	[dreg:$0x4] =	wrdreg s18  }
0xb2: {  	[dreg:$0x5] =	wrdreg $0x9  }
0xb3: {  	_ =	task.clear_ibuf [dreg:s8], $0x6FFFF;
	_ =	strace $0x90000046  }
0xb4: {  	s29 =	simm.s32 $0x9;
	_ =	strace $0x80000048  }
0xb5: {  	_ =	swait.ge [sflag:s29], $0x1  }
0xb6: {  	[sflag:s29] =	ssyncadd.s32 $0xFFFFFFFF  }
0xb7: {  	_ =	strace $0x90000048  }
0xb8: {  	_ =	sfence  }
0xb9: {  	s30 =	sld [smem:$0x0];
	_ =	sdelay $0x2  }
0xba: {  	s31 =	sshll.u32 s1, $0xD;
	s1 =	sshrl.u32 s1, $0x2  }
0xbb: {  	s3 =	sand.u32 $0x4000, s31;
	s1 =	sadd.s32 s1, s30  }
0xbc: {  	s0 =	sor.u32 s3, s0;
	s1 =	sshll.u32 s1, $0x11  }
0xbd: {  	s0 =	sor.u32 s1, s0  }
0xbe: {  	s0 =	sadd.s32 $0x8F2B, s0  }
0xbf: {  	[sflag:s0] =	ssyncadd.remote.s32 $0x1  }
0xc0: {  	_ =	sfence.sel $0xFFFF  }
0xc1: {  	[dreg:$0x0] =	wrdreg $0xFFFFFFFF;
	(pc) =	sbr.abs _section_cstart, $3  }
0xc2: {  	[dreg:$0x1] =	wrdreg $0xFFFFFFFF  }
0xc3: {  	_ =	task.clear_ibuf [dreg:s8], $0x2FFFF;
	_ =	strace $0x9FFFFFFF  }
0xc4: {  	(tm) =	ssettm $0x7FFFFFFF  }
0xc5: {  	_ =	shalt  }
tec
execute0_lowered:
.L_overlay_start_1:
0x0: {  	(tag) =	ssettag $0x1  }
0x1: {  	s0 =	rddreg [dreg:$0x0]  }
0x2: {  	s1 =	rddreg [dreg:$0x1]  }
0x3: {  	s3 =	rddreg [dreg:$0x2];
	s2 =	simm.s32 $0x0;
	s6 =	srdreg.scid  }
0x4: {  	s8 =	stileid.u32;
	s12 =	simm.s32 $0x1;
	s13 =	simm.s32 $0x80  }
0x5: {  	s16 =	simm.s32 $0x100;
	s19 =	simm.s32 $0x20;
	s28 =	simm.s32 $0x2  }
0x6: {  	s10 =	simm.s32 $0x3;
	s31 =	simm.s32 $0x83C0;
	[smem:$0x7FF] =	sst s2  }
0x7: {  	s4 =	sadd.s32 $0xC00, s0;
	s5 =	sadd.s32 $0xDE00, s0;
	s7 =	sand.u32 $0x1, s6  }
0x8: {  	s8 =	sshll.u32 s8, $0x1;
	s6 =	sadd.s32 $0x1B200, s0;
	s0 =	sadd.s32 $0x1B000, s0  }
0x9: {  	_ =	strace $0x80000047;
	s9 =	ssub.s32 $0x2, s7;
	s8 =	sor.u32 s7, s8  }
.Ltmp0:
0xa: {  	[dreg:$0x5] =	wrdreg s0;
	s30 =	sshrl.u32 s9, $0x1;
	(pc) =	sbr.rel .LBB2_1-.Ltmp0, $4  }
0xb: {  	s7 =	sshll.u32 s8, $0xD;
	[dreg:$0x4] =	wrdreg s8;
	s8 =	sshll.u32 s8, $0x9  }
0xc: {  	s0 =	ssub.s32 s9, s30;
	s3 =	sadd.s32 s3, s7;
	s7 =	simm.s32 $0x8380  }
0xd: {  	s9 =	simm.s32 $0x4;
	[dreg:$0x6] =	wrdreg s3;
	s0 =	smax.u32 s0, $0x1  }
0xe: {  	v1 =	vimm.f32 $0.0e+00;
	v2 =	vlaneseq.u32;
	v0 =	vmov s8;
	s8 =	simm.s32 $0x0;
	s3 =	simm.s32 $0x5;
	[dreg:$0x7] =	wrdreg s0  }
.LBB2_14:
0xf: {  	_ =	swait.ge [sflag:s10], $0x1000  }
0x10: {  	[sflag:s10] =	ssyncset.done $0x0  }
0x11: {  	[sflag:s10] =	ssyncadd.s32 $0xFFFFF000  }
0x12: {  	_ =	swait.ge [sflag:s10], $0x1000  }
0x13: {  	[sflag:s10] =	ssyncset.done $0x0  }
0x14: {  	[sflag:s10] =	ssyncadd.s32 $0xFFFFF000  }
0x15: {  	_ =	swait.ge [sflag:s10], $0x1000  }
0x16: {  	[sflag:s10] =	ssyncset.done $0x0  }
0x17: {  	[sflag:s10] =	ssyncadd.s32 $0xFFFFF000  }
0x18: {  	_ =	swait.ge [sflag:s10], $0x1000  }
0x19: {  	[sflag:s10] =	ssyncset.done $0x0  }
0x1a: {  	[sflag:s10] =	ssyncadd.s32 $0xFFFFF000  }
0x1b: {  	_ =	swait.ge [sflag:s28], $0x80  }
0x1c: {  	[sflag:s28] =	ssyncset.done $0x0  }
0x1d: {  	[sflag:s28] =	ssyncadd.s32 $0xFFFFFF80  }
0x1e: {  	_ =	swait.ge [sflag:s28], $0x80  }
0x1f: {  	[sflag:s28] =	ssyncset.done $0x0  }
0x20: {  	[sflag:s28] =	ssyncadd.s32 $0xFFFFFF80  }
0x21: {  	_ =	swait.ge [sflag:s28], $0x80  }
0x22: {  	[sflag:s28] =	ssyncset.done $0x0  }
0x23: {  	s3 =	simm.s32 $0x5;
	s0 =	rddreg [dreg:$0x6];
	[sflag:s28] =	ssyncadd.s32 $0xFFFFFF80  }
0x24: {  	[hbm4b:s0+s2] =	stream.linear.scatter [tilespmem:s7], [sflag:$0x5], $0x10000, $0x38;
	[tilespmem:$0x18380] =	vst v63  }
0x25: {  	_ =	swait.ge [sflag:s3], $0x10000  }
0x26: {  	s8 =	rddreg [dreg:$0x8]  }
0x27: {  	s30 =	rddreg [dreg:$0x7];
	s8 =	sadd.s32 $0x1, s8  }
0x28: {  	p0 =	sne.s32 s8, s30  }
.Ltmp1:
0x29: {  	_ = 	snop;
	(pc) =	sbr.rel @!p0 .LBB2_15-.Ltmp1, $3  }
0x2a: {  	_ =	sdelay $0x1  }
0x2b: {  	[sflag:s3] =	ssyncset.done $0x0  }
0x2c: {  	[sflag:s3] =	ssyncadd.s32 $0xFFFF0000  }
.LBB2_1:
0x2d: {  	[dreg:$0x8] =	wrdreg s8  }
0x2e: {  	s0 =	rddreg [dreg:$0x5]  }
0x2f: {  	[tilespmem:s2], [sflag:$0x5] =	stream.linear.gather [hbm4b:s0+s2], $0x80, $0x38;
	[tilespmem:$0x18380] =	vst v63  }
0x30: {  	_ =	swait.ge [sflag:s3], $0x80  }
0x31: {  	[sflag:s3] =	ssyncset.done $0x0  }
0x32: {  	s30 =	rddreg [dreg:$0x4];
	[sflag:s3] =	ssyncadd.s32 $0xFFFFFF80  }
0x33: {  	v4 =	vld [tilespmem:s30+$0x0];
	[tilespmem:s31+$0xFFFFFFC0] =	vst v1  }
0x34: {  	[tilespmem:s31+$0x30] =	vst v1  }
0x35: {  	[tilespmem:s31+$0x20] =	vst v1  }
0x36: {  	[tilespmem:s31+$0x10] =	vst v1  }
0x37: {  	[tilespmem:s31+$0x0] =	vst v1  }
0x38: {  	[tilespmem:s31+$0xFFFFFFF0] =	vst v1  }
0x39: {  	s11 =	simm.s32 $0x0;
	s0 =	simm.s32 $0x83C0;
	[tilespmem:s31+$0xFFFFFFE0] =	vst v1  }
.LBB2_2:
0x3a: {  	s11 =	sadd.s32 $0x8, s11;
	[tilespmem:s0+$0xFFFFFFD0] =	vst v1;
	s0 =	sadd.s32 $0x80, s0  }
0x3b: {  	[tilespmem:s0+$0xFFFFFFC0] =	vst v1;
	p0 =	slt.u32 s11, $0xFF8  }
0x3c: {  	[tilespmem:s0+$0x30] =	vst v1  }
.Ltmp2:
0x3d: {  	[tilespmem:s0+$0x20] =	vst v1;
	(pc) =	sbr.rel @p0 .LBB2_2-.Ltmp2, $4  }
0x3e: {  	[tilespmem:s0+$0x10] =	vst v1  }
0x3f: {  	[tilespmem:s0+$0x0] =	vst v1  }
0x40: {  	[tilespmem:s0+$0xFFFFFFF0] =	vst v1  }
0x41: {  	[tilespmem:s0+$0xFFFFFFE0] =	vst v1  }
0x42: {  	(v2sf) =	vpush v4, $0x0;
	_ =	sdelay $0x5  }
0x43: {  	(v2sf) =	vpush v4, $0x1;
	_ =	sdelay $0x8  }
0x44: {  	s18 =	spop (v2sf)  }
0x45: {  	s11 =	sshra.s32 s18, $0x1F  }
0x46: {  	s11 =	sshrl.u32 s11, $0x1D  }
0x47: {  	s11 =	sadd.s32 s11, s18  }
0x48: {  	s3 =	simm.s32 $0x180;
	s14 =	sand.u32 $0xFFFFFFF8, s11  }
0x49: {  	s23 =	simm.s32 $0x280;
	s29 =	simm.s32 $0x200;
	s11 =	sshrl.u32 s14, $0x3  }
0x4a: {  	[tilespmem:s0+$0xFFFFFFD0] =	vst v1;
	s25 =	spop (v2sf);
	s24 =	sadd.s32 $0x80, s14;
	s20 =	sadd.s32 s4, s11  }
0x4b: {  	[tilespmem:s13], [sflag:$0x1] =	stream.linear.gather [hbm4b:s20+s2], $0x80, $0x38;
	[tilespmem:$0x18380] =	vst v63  }
0x4c: {  	s21 =	sadd.s32 s5, s11;
	s22 =	sadd.s32 s6, s11;
	s11 =	ssub.s32 s25, s14  }
0x4d: {  	[tilespmem:s3], [sflag:$0x1] =	stream.linear.gather [hbm4b:s21+s2], $0x80, $0x38;
	[tilespmem:$0x18380] =	vst v63  }
0x4e: {  	s8 =	simm.s32 $0x300;
	s0 =	sshrl.u32 s24, $0x3;
	s11 =	sadd.s32 $0x7F, s11  }
0x4f: {  	[tilespmem:s23], [sflag:$0x1] =	stream.linear.gather [hbm4b:s22+s2], $0x80, $0x38;
	[tilespmem:$0x18380] =	vst v63  }
0x50: {  	s15 =	sadd.s32 s4, s0;
	s26 =	sadd.s32 s5, s0;
	s20 =	sand.u32 $0x7F, s11  }
0x51: {  	[tilespmem:s16], [sflag:$0x2] =	stream.linear.gather [hbm4b:s15+s2], $0x80, $0x38;
	[tilespmem:$0x18380] =	vst v63  }
0x52: {  	s30 =	sshra.s32 s11, $0x1F;
	p0 =	slt.s32 s11, $0x1;
	p1 =	sne.s32 s20, $0x0  }
0x53: {  	[tilespmem:s29], [sflag:$0x2] =	stream.linear.gather [hbm4b:s26+s2], $0x80, $0x38;
	[tilespmem:$0x18380] =	vst v63  }
0x54: {  	s0 =	sadd.s32 s6, s0;
	s17 =	sshrl.u32 s30, $0x19;
	p0 =	por !p0, !p1  }
0x55: {  	[tilespmem:s8], [sflag:$0x2] =	stream.linear.gather [hbm4b:s0+s2], $0x80, $0x38;
	[tilespmem:$0x18380] =	vst v63  }
0x56: {  	p0 =	por !p0, !p0;
	s0 =	sadd.s32 s17, s11;
	s11 =	simm.s32 $0x1  }
0x57: {  	_ =	swait.ge [sflag:s12], $0x80;
	s0 =	sshra.s32 s0, $0x7;
	s11 =	simm.s32 @!p0 $0x0  }
0x58: {  	[sflag:s12] =	ssyncset.done $0x0;
	s0 =	ssub.s32 s0, s11  }
0x59: {  	[sflag:s12] =	ssyncadd.s32 $0xFFFFFF80;
	s11 =	sadd.s32 $0x1, s0  }
0x5a: {  	p5 =	slt.s32 s0, $0x0;
	_ =	swait.ge [sflag:s12], $0x80;
	s21 =	sand.u32 $0x1, s11  }
0x5b: {  	s22 =	sshrl.u32 s11, $0x1F;
	[sflag:s12] =	ssyncset.done $0x0;
	p6 =	seq.s32 s21, $0x1  }
0x5c: {  	s0 =	sadd.s32 s22, s11;
	[sflag:s12] =	ssyncadd.s32 $0xFFFFFF80;
	p0 =	por !p5, !p6  }
0x5d: {  	s11 =	simm.s32 $0x1;
	_ =	swait.ge [sflag:s12], $0x80;
	p0 =	por !p0, !p0  }
0x5e: {  	s0 =	sshra.s32 s0, $0x1;
	[sflag:s12] =	ssyncset.done $0x0;
	s11 =	simm.s32 @!p0 $0x0  }
0x5f: {  	s23 =	simm.s32 $0x380;
	[sflag:s12] =	ssyncadd.s32 $0xFFFFFF80;
	s15 =	ssub.s32 s0, s11  }
0x60: {  	[tilespmem:s23], [sflag:$0x3] =	stream.indirect.gather [hbm4b:s1+s19], $0x80, s13, s19, $0xb8;
	[tilespmem:$0x18380] =	vst v63  }
0x61: {  	s24 =	simm.s32 $0xA0;
	s8 =	simm.s32 $0x1380;
	p0 =	slt.s32 s15, $0x1  }
0x62: {  	[tilespmem:s8], [sflag:$0x3] =	stream.indirect.gather [hbm4b:s1+s19], $0x80, s24, s19, $0xb8;
	[tilespmem:$0x18380] =	vst v63  }
.Ltmp3:
0x63: {  	_ = 	snop;
	(pc) =	sbr.rel @p0 .LBB2_14-.Ltmp3, $4  }
0x64: {  	s25 =	simm.s32 $0xC0;
	s26 =	simm.s32 $0x2380  }
0x65: {  	[tilespmem:s26], [sflag:$0x3] =	stream.indirect.gather [hbm4b:s1+s19], $0x80, s25, s19, $0xb8;
	[tilespmem:$0x18380] =	vst v63  }
0x66: {  	s30 =	simm.s32 $0x3380;
	s29 =	simm.s32 $0xE0  }
0x67: {  	[tilespmem:s30], [sflag:$0x3] =	stream.indirect.gather [hbm4b:s1+s19], $0x80, s29, s19, $0xb8;
	[tilespmem:$0x18380] =	vst v63  }
0x68: {  	s0 =	ssub.s32 s18, s14  }
0x69: {  	s17 =	sadd.s32 $0x100, s14;
	s0 =	ssub.s32 s18, s0  }
0x6a: {  	v3 =	vbroadcast v4, $0x0;
	v4 =	vbroadcast v4, $0x1;
	s21 =	simm.s32 $0x0;
	s18 =	sadd.s32 $0x180, s14;
	s11 =	sadd.s32 $0x90, s0  }
.LBB2_5:
0x6b: {  	_ =	swait.ge [sflag:s28], $0x80  }
0x6c: {  	[sflag:s28] =	ssyncset.done $0x0  }
0x6d: {  	[sflag:s28] =	ssyncadd.s32 $0xFFFFFF80  }
0x6e: {  	_ =	swait.ge [sflag:s28], $0x80  }
0x6f: {  	[sflag:s28] =	ssyncset.done $0x0  }
0x70: {  	[sflag:s28] =	ssyncadd.s32 $0xFFFFFF80  }
0x71: {  	_ =	swait.ge [sflag:s28], $0x80  }
0x72: {  	[sflag:s28] =	ssyncset.done $0x0  }
0x73: {  	s0 =	simm.s32 $0x4380;
	[sflag:s28] =	ssyncadd.s32 $0xFFFFFF80  }
0x74: {  	[tilespmem:s0], [sflag:$0x4] =	stream.indirect.gather [hbm4b:s1+s19], $0x80, s16, s19, $0xb8;
	[tilespmem:$0x18380] =	vst v63  }
0x75: {  	s20 =	simm.s32 $0x120;
	s3 =	simm.s32 $0x5380  }
0x76: {  	[tilespmem:s3], [sflag:$0x4] =	stream.indirect.gather [hbm4b:s1+s19], $0x80, s20, s19, $0xb8;
	[tilespmem:$0x18380] =	vst v63  }
0x77: {  	s22 =	simm.s32 $0x140;
	s23 =	simm.s32 $0x6380  }
0x78: {  	[tilespmem:s23], [sflag:$0x4] =	stream.indirect.gather [hbm4b:s1+s19], $0x80, s22, s19, $0xb8;
	[tilespmem:$0x18380] =	vst v63  }
0x79: {  	s24 =	simm.s32 $0x160;
	s25 =	simm.s32 $0x7380  }
0x7a: {  	[tilespmem:s25], [sflag:$0x4] =	stream.indirect.gather [hbm4b:s1+s19], $0x80, s24, s19, $0xb8;
	[tilespmem:$0x18380] =	vst v63  }
0x7b: {  	_ =	swait.ge [sflag:s10], $0x1000  }
0x7c: {  	[sflag:s10] =	ssyncset.done $0x0  }
0x7d: {  	[sflag:s10] =	ssyncadd.s32 $0xFFFFF000  }
0x7e: {  	_ =	swait.ge [sflag:s10], $0x1000  }
0x7f: {  	[sflag:s10] =	ssyncset.done $0x0  }
0x80: {  	[sflag:s10] =	ssyncadd.s32 $0xFFFFF000  }
0x81: {  	_ =	swait.ge [sflag:s10], $0x1000  }
0x82: {  	[sflag:s10] =	ssyncset.done $0x0  }
0x83: {  	[sflag:s10] =	ssyncadd.s32 $0xFFFFF000  }
0x84: {  	_ =	swait.ge [sflag:s10], $0x1000  }
0x85: {  	[sflag:s10] =	ssyncset.done $0x0  }
0x86: {  	s26 =	simm.s32 $0x190;
	[sflag:s10] =	ssyncadd.s32 $0xFFFFF000  }
0x87: {  	v5 =	vld [tilespmem:s26+$0x0];
	_ =	sdelay $0x3  }
0x88: {  	v6 =	vld [tilespmem:s26+$0xFFFFFFF0]  }
0x89: {  	s24 =	simm.s32 $0x1B0;
	v5 =	vsub.s32 v5, v0  }
0x8a: {  	v7 =	vld [tilespmem:s24+$0x0];
	vm0 =	vgt.s32 v5, $0x0  }
0x8b: {  	v5 =	vnsel vm0, $0x0, v5  }
0x8c: {  	v9 =	vld [tilespmem:s24+$0xFFFFFFF0];
	v5 =	vmin.u32 v5, $0x1FF  }
0x8d: {  	v6 =	vsub.s32 v6, v0;
	v8 =	vshll.u32 v5, $0x7  }
0x8e: {  	s25 =	simm.s32 $0x290;
	vm1 =	vgt.s32 v6, $0x0;
	[tilespmem:s26+$0x0] =	vst v8  }
0x8f: {  	v10 =	vsub.s32 v7, v0;
	v6 =	vnsel vm1, $0x0, v6;
	v7 =	vld [tilespmem:s25+$0x0]  }
0x90: {  	s20 =	sadd.s32 $0x10, s14;
	v6 =	vmin.u32 v6, $0x1FF;
	v5 =	vlaneseq.u32  }
0x91: {  	v9 =	vsub.s32 v9, v0;
	v6 =	vshll.u32 v6, $0x7;
	v11 =	vadd.s32 s20, v5  }
0x92: {  	s29 =	simm.s32 $0x2;
	s30 =	simm.s32 $0x1D0;
	vm0 =	vgt.s32 v10, $0x0;
	[tilespmem:s26+$0xFFFFFFF0] =	vst v6;
	vm1 =	vge.s32 v11, v3;
	vm2 =	vlt.s32 v11, v4  }
0x93: {  	s22 =	sshll.u32 s21, $0x8;
	v10 =	vnsel vm0, $0x0, v10;
	v8 =	vadd.s32 s14, v5;
	s20 =	smov.u32 s14;
	s26 =	simm.s32 $0x290;
	v6 =	vld [tilespmem:s25+$0xFFFFFFF0];
	vm0 =	vmand vm1, vm2  }
.LBB2_6:
0x94: {  	v11 =	vld [tilespmem:s30+$0x0];
	s29 =	sadd.s32 $0x2, s29;
	vm1 =	vgt.s32 v9, $0x0;
	v10 =	vmin.u32 v10, $0x1FF;
	v7 =	vnsel vm0, $0x0, v7;
	s23 =	simm.s32 $0x400  }
0x95: {  	vm0 =	vge.s32 v8, v3;
	v12 =	vld [tilespmem:s30+$0xFFFFFFF0];
	p0 =	slt.u32 s29, $0x6;
	v9 =	vnsel vm1, $0x0, v9;
	v10 =	vshll.u32 v10, $0x7;
	[tilespmem:s25+$0x0] =	vst v7  }
0x96: {  	vm1 =	vlt.s32 v8, v4;
	s25 =	sadd.s32 $0x20, s25;
	v7 =	vmin.u32 v9, $0x1FF;
	[tilespmem:s24+$0x0] =	vst v10  }
.Ltmp4:
0x97: {  	s20 =	sadd.s32 $0x20, s20;
	vm0 =	vmand vm0, vm1;
	v8 =	vshll.u32 v7, $0x7;
	v7 =	vld [tilespmem:s25+$0x0];
	(pc) =	sbr.rel @p0 .LBB2_6-.Ltmp4, $4  }
0x98: {  	s0 =	sadd.s32 $0x10, s20;
	v9 =	vnsel vm0, $0x0, v6;
	[tilespmem:s24+$0xFFFFFFF0] =	vst v8;
	s24 =	smov.u32 s30  }
0x99: {  	v8 =	vadd.s32 s20, v5;
	v10 =	vsub.s32 v11, v0;
	v6 =	vld [tilespmem:s25+$0xFFFFFFF0];
	v11 =	vadd.s32 s0, v5;
	[tilespmem:s26+$0xFFFFFFF0] =	vst v9;
	s26 =	smov.u32 s25  }
0x9a: {  	vm0 =	vgt.s32 v10, $0x0;
	vm1 =	vge.s32 v11, v3;
	vm2 =	vlt.s32 v11, v4  }
0x9b: {  	s30 =	sadd.s32 $0x20, s30;
	v9 =	vsub.s32 v12, v0;
	v10 =	vnsel vm0, $0x0, v10;
	vm0 =	vmand vm1, vm2  }
0x9c: {  	vm1 =	vgt.s32 v9, $0x0  }
0x9d: {  	v5 =	vmin.u32 v10, $0x1FF;
	v9 =	vnsel vm1, $0x0, v9  }
0x9e: {  	v5 =	vshll.u32 v5, $0x7;
	v9 =	vmin.u32 v9, $0x1FF  }
0x9f: {  	s0 =	sadd.s32 $0x20, s25;
	[tilespmem:s24+$0x0] =	vst v5;
	v5 =	vshll.u32 v9, $0x7  }
0xa0: {  	vm10 =	vge.s32 v8, v3;
	vm2 =	vlt.s32 v8, v4;
	s20 =	sadd.s32 $0x20, s20;
	v8 =	vld [tilespmem:s0+$0x0];
	[tilespmem:s24+$0xFFFFFFF0] =	vst v5  }
0xa1: {  	vm1 =	vmand vm10, vm2;
	s3 =	sadd.s32 $0x10, s20;
	v5 =	vlaneseq.u32;
	v9 =	vld [tilespmem:s0+$0xFFFFFFF0]  }
0xa2: {  	v7 =	vnsel vm0, $0x0, v7;
	v6 =	vnsel vm1, $0x0, v6;
	v10 =	vadd.s32 s3, v5  }
0xa3: {  	v11 =	vadd.s32 s20, v5;
	vm11 =	vge.s32 v10, v3;
	vm12 =	vlt.s32 v10, v4  }
0xa4: {  	[tilespmem:s25+$0x0] =	vst v7;
	vm13 =	vge.s32 v11, v3;
	vm14 =	vlt.s32 v11, v4;
	vm0 =	vmand vm11, vm12  }
0xa5: {  	[tilespmem:s26+$0xFFFFFFF0] =	vst v6;
	vm15 =	vmand vm13, vm14;
	v7 =	vnsel vm0, $0x0, v8  }
0xa6: {  	s8 =	simm.s32 $0x0;
	[tilespmem:s0+$0x0] =	vst v7;
	v6 =	vnsel vm15, $0x0, v9  }
0xa7: {  	s25 =	sand.u32 $0x70, s8;
	[tilespmem:s0+$0xFFFFFFF0] =	vst v6  }
0xa8: {  	s26 =	sand.u32 $0xFFFFFFF0, s8;
	v6 =	vld [tilespmem:s25+$0x180]  }
0xa9: {  	s24 =	ssub.s32 $0x1, s26  }
0xaa: {  	s24 =	sadd.s32 $0x0, s24  }
0xab: {  	s20 =	sand.u32 $0xE, s8;
	v7 =	vmov s24  }
0xac: {  	v7 =	vshrl.u32 v7, $0x1B;
	v9 =	vmov s20  }
0xad: {  	v7 =	vand.u32 $0x10, v7;
	v11 =	vld [tilespmem:s23+$0xFFFFFFE0];
	v8 =	vperm.xlane v6, v9  }
0xae: {  	v10 =	vadd.s32 s24, v7;
	v12 =	vld [tilespmem:s25+$0x280]  }
0xaf: {  	v13 =	vld [tilespmem:s23+$0xFFFFFFC0];
	v6 =	vperm.xlane v6, v10;
	v8 =	vadd.s32 v2, v8  }
0xb0: {  	v14 =	vld [tilespmem:s23+$0x70];
	(v2sf) =	vpush v8, $0x0  }
0xb1: {  	v16 =	vld [tilespmem:s23+$0x60];
	v6 =	vadd.s32 v2, v6  }
0xb2: {  	v17 =	vld [tilespmem:s23+$0x50];
	(v2sf) =	vpush v6, $0x0  }
0xb3: {  	v7 =	vld [tilespmem:s23+$0xFFFFFF80]  }
0xb4: {  	v15 =	vld [tilespmem:s23+$0xFFFFFF90]  }
0xb5: {  	v18 =	vld [tilespmem:s23+$0xFFFFFFA0]  }
0xb6: {  	v19 =	vld [tilespmem:s23+$0xFFFFFFB0]  }
0xb7: {  	v20 =	vld [tilespmem:s23+$0x40]  }
0xb8: {  	v21 =	vld [tilespmem:s23+$0x30]  }
0xb9: {  	v22 =	vld [tilespmem:s23+$0x20]  }
0xba: {  	v23 =	vld [tilespmem:s23+$0x10]  }
0xbb: {  	v24 =	vld [tilespmem:s23+$0x0]  }
0xbc: {  	s20 =	simm.s32 $0x2;
	v26 =	vld [tilespmem:s23+$0xFFFFFFD0]  }
0xbd: {  	s3 =	sand.u32 $0x70, s20;
	v27 =	vld [tilespmem:s23+$0xFFFFFFF0];
	v9 =	vperm.xlane v12, v9  }
0xbe: {  	s24 =	simm.s32 $0x500;
	v31 =	vld [tilespmem:s3+$0x280]  }
0xbf: {  	v30 =	vld [tilespmem:s24+$0xFFFFFFE0];
	v25 =	vmul.f32 v7, v9;
	v15 =	vmul.f32 v15, v9;
	s30 =	spop (v2sf)  }
0xc0: {  	v42 =	vld [tilespmem:s24+$0xFFFFFFC0];
	v7 =	vimm.f32 $0.0e+00;
	v18 =	vmul.f32 v18, v9;
	p1 =	sne.s32 s30, $0xFFFFFFFF  }
0xc1: {  	v43 =	vld [tilespmem:s24+$0x70];
	v19 =	vmul.f32 v19, v9;
	s23 =	spop (v2sf);
	s25 =	simm.s32 @p1 $0x8380;
	v28 =	vadd.f32 @!p1 v25, v7;
	v29 =	vadd.f32 @!p1 v15, v7  }
0xc2: {  	v13 =	vmul.f32 v13, v9;
	p2 =	sne.s32 s23, s30;
	v32 =	vadd.f32 @!p1 v18, v7;
	[tilespmem:v5+s25+$0x0] =	vst.idx.add.f32.msk @p1 $0xffff, v7  }
0xc3: {  	s0 =	simm.s32 @p2 $0x8380;
	p0 =	por p2, p2;
	v33 =	vpsel p1, v25, v28;
	v25 =	vmul.f32 v26, v9;
	v26 =	vpsel p1, v15, v29;
	v29 =	vld [tilespmem:s3+$0x180]  }
0xc4: {  	s8 =	sand.u32 $0xFFFFFFF0, s20;
	v11 =	vmul.f32 v11, v9;
	s25 =	simm.s32 @p2 $0x8390;
	v15 =	vadd.f32 @!p1 v19, v7;
	[tilespmem:v8+s0+$0x0] =	vst.idx.add.f32.msk @p0 $0xffff, v33  }
0xc5: {  	s30 =	ssub.s32 $0x1, s8;
	v18 =	vpsel p1, v18, v32;
	v28 =	vadd.f32 @!p1 v13, v7;
	s0 =	simm.s32 @p0 $0x83A0;
	[tilespmem:v8+s25+$0x0] =	vst.idx.add.f32.msk @p0 $0xffff, v26  }
0xc6: {  	v19 =	vpsel p1, v19, v15;
	v15 =	vadd.f32 @!p1 v25, v7;
	[tilespmem:v8+s0+$0x0] =	vst.idx.add.f32.msk @p0 $0xffff, v18;
	s0 =	sadd.s32 $0x2, s30  }
0xc7: {  	v38 =	vld [tilespmem:s24+$0xFFFFFF80];
	v13 =	vpsel p1, v13, v28;
	v28 =	vadd.f32 @!p1 v11, v7;
	v63 =	vmov s0  }
0xc8: {  	s20 =	sand.u32 $0xE, s20;
	v40 =	vld [tilespmem:s24+$0xFFFFFF90];
	v25 =	vpsel p1, v25, v15;
	v15 =	vshrl.u32 v63, $0x1B  }
0xc9: {  	v34 =	vmov s20;
	v41 =	vld [tilespmem:s24+$0xFFFFFFA0];
	v32 =	vpsel p1, v11, v28;
	v11 =	vand.u32 $0x10, v15  }
0xca: {  	v44 =	vld [tilespmem:s24+$0xFFFFFFB0];
	v12 =	vperm.xlane v12, v10;
	s20 =	simm.s32 @p1 $0x8390;
	v37 =	vadd.s32 s0, v11;
	v11 =	vperm.xlane v29, v34  }
0xcb: {  	v35 =	vperm.xlane v31, v34;
	[tilespmem:v5+s20+$0x0] =	vst.idx.add.f32.msk @p1 $0xffff, v7;
	v15 =	vperm.xlane v29, v37  }
0xcc: {  	v22 =	vmul.f32 v22, v12;
	v9 =	vmul.f32 v27, v9;
	v27 =	vld [tilespmem:s24+$0x50];
	s25 =	simm.s32 @p0 $0x83B0;
	v10 =	vadd.s32 v2, v11  }
0xcd: {  	v21 =	vmul.f32 v21, v12;
	s26 =	simm.s32 @p0 $0x83C0;
	[tilespmem:v8+s25+$0x0] =	vst.idx.add.f32.msk @p0 $0xffff, v19;
	v11 =	vadd.s32 v2, v15;
	(v2sf) =	vpush v10, $0x0  }
0xce: {  	v20 =	vmul.f32 v20, v12;
	s25 =	simm.s32 @p0 $0x83D0;
	v28 =	vadd.f32 @!p1 v9, v7;
	[tilespmem:v8+s26+$0x0] =	vst.idx.add.f32.msk @p0 $0xffff, v13;
	(v2sf) =	vpush v11, $0x0  }
0xcf: {  	v17 =	vmul.f32 v17, v12;
	v36 =	vmul.f32 v24, v12;
	s26 =	simm.s32 @p0 $0x83E0;
	[tilespmem:v8+s25+$0x0] =	vst.idx.add.f32.msk @p0 $0xffff, v25  }
0xd0: {  	v24 =	vpsel p1, v9, v28;
	v9 =	vadd.f32 @!p0 v20, v13;
	[tilespmem:v8+s26+$0x0] =	vst.idx.add.f32.msk @p0 $0xffff, v32  }
0xd1: {  	v14 =	vmul.f32 v14, v12;
	v23 =	vmul.f32 v23, v12;
	v19 =	vadd.f32 @!p0 v21, v19;
	v29 =	vld [tilespmem:s24+$0x40]  }
0xd2: {  	v45 =	vadd.f32 @!p0 v17, v25;
	v25 =	vpsel p0, v20, v9;
	v9 =	vadd.f32 @!p0 v22, v18;
	v18 =	vld [tilespmem:s24+$0x30]  }
0xd3: {  	v16 =	vmul.f32 v16, v12;
	v28 =	vpsel p0, v21, v19;
	v19 =	vadd.f32 @!p0 v23, v26;
	p1 =	por p1, p1;
	v20 =	vld [tilespmem:s24+$0x20]  }
0xd4: {  	v12 =	vadd.f32 @!p0 v14, v24;
	s0 =	simm.s32 @p1 $0x83A0;
	v34 =	vperm.xlane v31, v37;
	v37 =	vmul.f32 v41, v35;
	v41 =	vld [tilespmem:s24+$0xFFFFFFF0]  }
0xd5: {  	[tilespmem:v5+s0+$0x0] =	vst.idx.add.f32.msk @p1 $0xffff, v7  }
0xd6: {  	v13 =	vpsel p0, v14, v12;
	v14 =	vadd.f32 @!p0 v36, v33;
	v12 =	vpsel p0, v23, v19;
	v19 =	vld [tilespmem:s24+$0x10]  }
0xd7: {  	v39 =	vmul.f32 v38, v35;
	v38 =	vmul.f32 v40, v35;
	v33 =	vpsel p0, v22, v9;
	v22 =	vld [tilespmem:s24+$0xFFFFFFD0]  }
0xd8: {  	v30 =	vmul.f32 v30, v35;
	v21 =	vadd.f32 @!p0 v16, v32;
	s0 =	simm.s32 @p1 $0x83B0;
	v36 =	vpsel p0, v36, v14;
	v14 =	vld [tilespmem:s24+$0x0]  }
0xd9: {  	v40 =	vmul.f32 v44, v35;
	v42 =	vmul.f32 v42, v35;
	[tilespmem:v5+s0+$0x0] =	vst.idx.add.f32.msk @p1 $0xffff, v7  }
0xda: {  	v32 =	vpsel p0, v17, v45;
	s0 =	simm.s32 @p1 $0x83C0;
	v15 =	vld [tilespmem:s24+$0x60];
	v9 =	vpsel p0, v16, v21;
	v21 =	vmul.f32 v43, v34  }
0xdb: {  	v17 =	vmov v32;
	v16 =	vmul.f32 v27, v34;
	[tilespmem:v5+s0+$0x0] =	vst.idx.add.f32.msk @p1 $0xffff, v7;
	s0 =	simm.s32 @p1 $0x83D0;
	v23 =	vmul.f32 v20, v34  }
0xdc: {  	s29 =	simm.s32 $0x4;
	s25 =	simm.s32 @p0 $0x83F0;
	[tilespmem:v5+s0+$0x0] =	vst.idx.add.f32.msk @p1 $0xffff, v7;
	v31 =	vmul.f32 v18, v34;
	v20 =	vimm.f32 $0.0e+00;
	v18 =	vmovc v25;
	v26 =	vmul.f32 v19, v34;
	s20 =	spop (v2sf)  }
0xdd: {  	s24 =	simm.s32 $0x600;
	v19 =	vmovc v28;
	v43 =	vmul.f32 v22, v35;
	v22 =	vmovc v33;
	v27 =	vmul.f32 v14, v34;
	v14 =	vmov v13;
	p2 =	sne.s32 s20, s23;
	s23 =	spop (v2sf)  }
.LBB2_8:
0xde: {  	s0 =	sand.u32 $0xFFFFFFF0, s29  }
0xdf: {  	s30 =	sand.u32 $0x70, s29;
	v44 =	vld [tilespmem:s24+$0xFFFFFFE0];
	v35 =	vmul.f32 v41, v35;
	s3 =	simm.s32 @p2 $0x8380;
	v41 =	vadd.f32 @!p2 v39, v36;
	v28 =	vadd.f32 @!p2 v40, v28;
	v45 =	vmovc v11;
	s8 =	smov.u32 s29  }
0xe0: {  	s26 =	sadd.s32 $0x2, s29;
	v11 =	vadd.f32 @!p2 v38, v12;
	v29 =	vmul.f32 v29, v34;
	p4 =	sne.s32 s23, s20;
	s0 =	ssub.s32 $0x1, s0;
	[tilespmem:v6+s3+$0x0] =	vst.idx.add.f32.msk @p2 $0xffff, v36  }
0xe1: {  	p3 =	slt.u32 s29, $0x7E;
	v33 =	vadd.f32 @!p2 v37, v33;
	v15 =	vmul.f32 v15, v34;
	s3 =	simm.s32 @p4 $0x8380;
	v46 =	vld [tilespmem:s30+$0x280];
	s0 =	sadd.s32 s0, s8;
	v28 =	vpsel p2, v40, v28  }
0xe2: {  	s20 =	simm.s32 @p4 $0x8390;
	v36 =	vpsel p2, v39, v41;
	v11 =	vpsel p2, v38, v11;
	v34 =	vmov s0;
	[tilespmem:v8+s25+$0x0] =	vst.idx.add.f32.msk @p0 $0xffff, v24;
	v8 =	vmovc v10;
	p0 =	por p4, p4  }
0xe3: {  	v25 =	vadd.f32 @!p2 v42, v25;
	v32 =	vadd.f32 @!p2 v43, v32;
	s8 =	sand.u32 $0xE, s8;
	v24 =	vshrl.u32 v34, $0x1B;
	[tilespmem:v10+s3+$0x0] =	vst.idx.add.f32.msk @p0 $0xffff, v36;
	s3 =	simm.s32 @p0 $0x83A0  }
0xe4: {  	v33 =	vpsel p2, v37, v33;
	v34 =	vmov s8;
	s8 =	simm.s32 @p0 $0x83B0;
	v24 =	vand.u32 $0x10, v24;
	[tilespmem:v10+s20+$0x0] =	vst.idx.add.f32.msk @p0 $0xffff, v11  }
0xe5: {  	v25 =	vpsel p2, v42, v25;
	v32 =	vpsel p2, v43, v32;
	v41 =	vadd.s32 s0, v24;
	[tilespmem:v10+s3+$0x0] =	vst.idx.add.f32.msk @p0 $0xffff, v33;
	s0 =	simm.s32 @p0 $0x83C0  }
0xe6: {  	v13 =	vadd.f32 @!p2 v35, v13;
	v24 =	vadd.f32 @!p2 v30, v9;
	s3 =	simm.s32 @p0 $0x83D0;
	[tilespmem:v10+s8+$0x0] =	vst.idx.add.f32.msk @p0 $0xffff, v28  }
0xe7: {  	v37 =	vadd.f32 @!p0 v16, v32;
	[tilespmem:v10+s0+$0x0] =	vst.idx.add.f32.msk @p0 $0xffff, v25;
	v10 =	vadd.f32 @!p0 v31, v28  }
0xe8: {  	v30 =	vpsel p2, v30, v24;
	v24 =	vpsel p2, v35, v13;
	s0 =	simm.s32 @p0 $0x83E0;
	v13 =	vadd.f32 @!p0 v29, v25;
	v38 =	vld [tilespmem:s30+$0x180]  }
0xe9: {  	s25 =	simm.s32 @p0 $0x83F0;
	[tilespmem:v8+s3+$0x0] =	vst.idx.add.f32.msk @p0 $0xffff, v32;
	v32 =	vadd.f32 @!p0 v21, v24;
	v28 =	vpsel p0, v31, v10  }
0xea: {  	s3 =	simm.s32 @p2 $0x8390;
	v10 =	vadd.f32 @!p0 v26, v11;
	v25 =	vpsel p0, v29, v13;
	[tilespmem:v8+s0+$0x0] =	vst.idx.add.f32.msk @p0 $0xffff, v30  }
0xeb: {  	v11 =	vadd.f32 @!p0 v23, v33;
	[tilespmem:v6+s3+$0x0] =	vst.idx.add.f32.msk @p2 $0xffff, v12;
	v13 =	vpsel p0, v21, v32  }
0xec: {  	v29 =	vadd.f32 @!p0 v15, v30;
	v21 =	vadd.f32 @!p0 v27, v36;
	v12 =	vpsel p0, v26, v10;
	v31 =	vld [tilespmem:s24+$0xFFFFFFC0]  }
0xed: {  	s0 =	simm.s32 @p1 $0x83E0;
	v33 =	vpsel p0, v23, v11;
	v10 =	vperm.xlane v38, v34;
	v26 =	vperm.xlane v38, v41;
	v42 =	vld [tilespmem:s24+$0x70]  }
0xee: {  	v36 =	vpsel p0, v27, v21;
	[tilespmem:v5+s0+$0x0] =	vst.idx.add.f32.msk @p1 $0xffff, v7;
	s0 =	simm.s32 @p1 $0x83F0;
	v7 =	vmov v9;
	v9 =	vpsel p0, v15, v29  }
0xef: {  	v10 =	vadd.s32 v2, v10;
	v11 =	vadd.s32 v2, v26;
	[tilespmem:v5+s0+$0x0] =	vst.idx.add.f32.msk @p1 $0xffff, v20;
	v20 =	vmov v14;
	p1 =	por p2, p2  }
0xf0: {  	v32 =	vpsel p0, v16, v37;
	v14 =	vmovc v13;
	v5 =	vmovc v6;
	v6 =	vmov v45;
	v15 =	vld [tilespmem:s24+$0x60];
	(v2sf) =	vpush v10, $0x0  }
0xf1: {  	v16 =	vld [tilespmem:s24+$0x50];
	(v2sf) =	vpush v11, $0x0  }
0xf2: {  	v21 =	vld [tilespmem:s24+$0xFFFFFF80]  }
0xf3: {  	v23 =	vld [tilespmem:s24+$0xFFFFFF90]  }
0xf4: {  	v26 =	vld [tilespmem:s24+$0xFFFFFFA0]  }
0xf5: {  	v35 =	vperm.xlane v46, v34;
	v27 =	vld [tilespmem:s24+$0xFFFFFFB0]  }
0xf6: {  	v29 =	vld [tilespmem:s24+$0x40]  }
0xf7: {  	v39 =	vmul.f32 v21, v35;
	v45 =	vld [tilespmem:s24+$0x30]  }
0xf8: {  	v30 =	vmul.f32 v44, v35;
	v38 =	vmul.f32 v23, v35;
	v23 =	vld [tilespmem:s24+$0x20]  }
0xf9: {  	v37 =	vmul.f32 v26, v35;
	v26 =	vld [tilespmem:s24+$0x10]  }
0xfa: {  	v34 =	vperm.xlane v46, v41;
	v40 =	vmul.f32 v27, v35;
	v27 =	vld [tilespmem:s24+$0x0]  }
0xfb: {  	v43 =	vld [tilespmem:s24+$0xFFFFFFD0]  }
.Ltmp5:
0xfc: {  	s0 =	simm.s32 @p1 $0x83A0;
	v21 =	vmul.f32 v42, v34;
	v41 =	vld [tilespmem:s24+$0xFFFFFFF0];
	(pc) =	sbr.rel @p3 .LBB2_8-.Ltmp5, $4  }
0xfd: {  	v23 =	vmul.f32 v23, v34;
	[tilespmem:v5+s0+$0x0] =	vst.idx.add.f32.msk @p1 $0xffff, v22;
	s0 =	simm.s32 @p1 $0x83B0;
	v22 =	vmov v33  }
0xfe: {  	v16 =	vmul.f32 v16, v34;
	v26 =	vmul.f32 v26, v34;
	[tilespmem:v5+s0+$0x0] =	vst.idx.add.f32.msk @p1 $0xffff, v19;
	s0 =	simm.s32 @p1 $0x83C0;
	v19 =	vmov v28  }
0xff: {  	s29 =	smov.u32 s26;
	v42 =	vmul.f32 v31, v35;
	v27 =	vmul.f32 v27, v34;
	s20 =	spop (v2sf);
	[tilespmem:v5+s0+$0x0] =	vst.idx.add.f32.msk @p1 $0xffff, v18;
	s0 =	simm.s32 @p1 $0x83D0;
	v18 =	vmov v25  }
0x100: {  	v31 =	vmul.f32 v45, v34;
	s24 =	sadd.s32 $0x100, s24;
	v43 =	vmul.f32 v43, v35;
	p2 =	sne.s32 s20, s23;
	s23 =	spop (v2sf);
	[tilespmem:v5+s0+$0x0] =	vst.idx.add.f32.msk @p1 $0xffff, v17;
	v17 =	vmov v32  }
0x101: {  	_ =	sdelay $0x2  }
0x102: {  	s0 =	simm.s32 @p2 $0x8380;
	v44 =	vadd.f32 @!p2 v39, v36  }
0x103: {  	p3 =	sne.s32 s23, s20;
	[tilespmem:v6+s0+$0x0] =	vst.idx.add.f32.msk @p2 $0xffff, v36;
	v36 =	vadd.f32 @!p2 v38, v12  }
0x104: {  	v33 =	vadd.f32 @!p2 v37, v33;
	[tilespmem:v8+s25+$0x0] =	vst.idx.add.f32.msk @p0 $0xffff, v24;
	s0 =	simm.s32 @p3 $0x8380;
	p0 =	por p3, p3;
	v39 =	vpsel p2, v39, v44  }
0x105: {  	v8 =	vadd.f32 @!p2 v40, v28;
	s3 =	simm.s32 @p3 $0x8390;
	v24 =	vpsel p2, v38, v36;
	[tilespmem:v10+s0+$0x0] =	vst.idx.add.f32.msk @p0 $0xffff, v39  }
0x106: {  	v25 =	vadd.f32 @!p2 v42, v25;
	v28 =	vpsel p2, v37, v33;
	s0 =	simm.s32 @p0 $0x83A0;
	[tilespmem:v10+s3+$0x0] =	vst.idx.add.f32.msk @p0 $0xffff, v24  }
0x107: {  	v32 =	vadd.f32 @!p2 v43, v32;
	v8 =	vpsel p2, v40, v8;
	s3 =	simm.s32 @p0 $0x83B0;
	[tilespmem:v10+s0+$0x0] =	vst.idx.add.f32.msk @p0 $0xffff, v28  }
0x108: {  	v25 =	vpsel p2, v42, v25;
	v33 =	vadd.f32 @!p2 v30, v9;
	s0 =	simm.s32 @p0 $0x83C0;
	[tilespmem:v10+s3+$0x0] =	vst.idx.add.f32.msk @p0 $0xffff, v8  }
0x109: {  	v32 =	vpsel p2, v43, v32;
	s3 =	simm.s32 @p0 $0x83D0;
	[tilespmem:v10+s0+$0x0] =	vst.idx.add.f32.msk @p0 $0xffff, v25  }
0x10a: {  	v30 =	vpsel p2, v30, v33;
	s0 =	simm.s32 @p0 $0x83E0;
	[tilespmem:v10+s3+$0x0] =	vst.idx.add.f32.msk @p0 $0xffff, v32  }
0x10b: {  	s3 =	simm.s32 @p2 $0x8390;
	[tilespmem:v10+s0+$0x0] =	vst.idx.add.f32.msk @p0 $0xffff, v30  }
0x10c: {  	[tilespmem:v6+s3+$0x0] =	vst.idx.add.f32.msk @p2 $0xffff, v12;
	s0 =	simm.s32 @p1 $0x83E0  }
0x10d: {  	p3 =	por p2, p2;
	[tilespmem:v5+s0+$0x0] =	vst.idx.add.f32.msk @p1 $0xffff, v7;
	s0 =	simm.s32 @p1 $0x83F0  }
0x10e: {  	v7 =	vmul.f32 v41, v35;
	[tilespmem:v5+s0+$0x0] =	vst.idx.add.f32.msk @p1 $0xffff, v20;
	s0 =	simm.s32 @p3 $0x83A0  }
0x10f: {  	[tilespmem:v6+s0+$0x0] =	vst.idx.add.f32.msk @p3 $0xffff, v22;
	s0 =	simm.s32 @p3 $0x83B0  }
0x110: {  	v5 =	vadd.f32 @!p2 v7, v13;
	[tilespmem:v6+s0+$0x0] =	vst.idx.add.f32.msk @p3 $0xffff, v19;
	s0 =	simm.s32 @p3 $0x83C0  }
0x111: {  	v12 =	vadd.f32 @!p0 v27, v39;
	[tilespmem:v6+s0+$0x0] =	vst.idx.add.f32.msk @p3 $0xffff, v18;
	s0 =	simm.s32 @p3 $0x83D0  }
0x112: {  	s3 =	simm.s32 @p0 $0x83F0;
	v5 =	vpsel p2, v7, v5;
	[tilespmem:v6+s0+$0x0] =	vst.idx.add.f32.msk @p3 $0xffff, v17  }
0x113: {  	v12 =	vpsel p0, v27, v12;
	[tilespmem:v10+s3+$0x0] =	vst.idx.add.f32.msk @p0 $0xffff, v5;
	s0 =	simm.s32 @p3 $0x83E0  }
0x114: {  	v13 =	vadd.f32 @!p0 v26, v24;
	v7 =	vmul.f32 v29, v34;
	[tilespmem:v6+s0+$0x0] =	vst.idx.add.f32.msk @p3 $0xffff, v9;
	s0 =	simm.s32 @p3 $0x83F0  }
0x115: {  	v10 =	vmul.f32 v15, v34;
	v9 =	vadd.f32 @!p0 v23, v28;
	[tilespmem:v6+s0+$0x0] =	vst.idx.add.f32.msk @p3 $0xffff, v14  }
0x116: {  	s20 =	simm.s32 $0x8390;
	v6 =	vadd.f32 @!p0 v31, v8;
	v8 =	vpsel p0, v26, v13;
	[tilespmem:v11+s7+$0x0] =	vst.idx.add.f32.msk $0xffff, v12  }
0x117: {  	s23 =	simm.s32 $0x83A0;
	v12 =	vadd.f32 @!p0 v7, v25;
	v9 =	vpsel p0, v23, v9;
	[tilespmem:v11+s20+$0x0] =	vst.idx.add.f32.msk $0xffff, v8  }
0x118: {  	s24 =	simm.s32 $0x83B0;
	v8 =	vadd.f32 @!p0 v16, v32;
	v6 =	vpsel p0, v31, v6;
	[tilespmem:v11+s23+$0x0] =	vst.idx.add.f32.msk $0xffff, v9  }
0x119: {  	v7 =	vpsel p0, v7, v12;
	v9 =	vadd.f32 @!p0 v10, v30;
	[tilespmem:v11+s24+$0x0] =	vst.idx.add.f32.msk $0xffff, v6  }
0x11a: {  	s25 =	simm.s32 $0x83D0;
	v5 =	vadd.f32 @!p0 v21, v5;
	v6 =	vpsel p0, v16, v8;
	[tilespmem:v11+s31+$0x0] =	vst.idx.add.f32.msk $0xffff, v7  }
0x11b: {  	s26 =	sadd.s32 s22, s17;
	s8 =	simm.s32 $0x83E0;
	v7 =	vpsel p0, v10, v9;
	[tilespmem:v11+s25+$0x0] =	vst.idx.add.f32.msk $0xffff, v6  }
0x11c: {  	v5 =	vpsel p0, v21, v5;
	s0 =	sshrl.u32 s26, $0x3;
	s20 =	simm.s32 $0x83F0;
	[tilespmem:v11+s8+$0x0] =	vst.idx.add.f32.msk $0xffff, v7  }
0x11d: {  	s23 =	sadd.s32 s4, s0;
	[tilespmem:v11+s20+$0x0] =	vst.idx.add.f32.msk $0xffff, v5  }
0x11e: {  	[tilespmem:s13], [sflag:$0x1] =	stream.linear.gather [hbm4b:s23+s2], $0x80, $0x38;
	[tilespmem:$0x18380] =	vst v63  }
0x11f: {  	s24 =	sadd.s32 s5, s0;
	s8 =	simm.s32 $0x180  }
0x120: {  	[tilespmem:s8], [sflag:$0x1] =	stream.linear.gather [hbm4b:s24+s2], $0x80, $0x38;
	[tilespmem:$0x18380] =	vst v63  }
0x121: {  	s0 =	sadd.s32 s6, s0;
	s25 =	simm.s32 $0x280  }
0x122: {  	[tilespmem:s25], [sflag:$0x1] =	stream.linear.gather [hbm4b:s0+s2], $0x80, $0x38;
	[tilespmem:$0x18380] =	vst v63  }
0x123: {  	_ =	swait.ge [sflag:s12], $0x80  }
0x124: {  	[sflag:s12] =	ssyncset.done $0x0  }
0x125: {  	[sflag:s12] =	ssyncadd.s32 $0xFFFFFF80  }
0x126: {  	_ =	swait.ge [sflag:s12], $0x80  }
0x127: {  	[sflag:s12] =	ssyncset.done $0x0  }
0x128: {  	[sflag:s12] =	ssyncadd.s32 $0xFFFFFF80  }
0x129: {  	_ =	swait.ge [sflag:s12], $0x80  }
0x12a: {  	[sflag:s12] =	ssyncset.done $0x0  }
0x12b: {  	s26 =	simm.s32 $0x380;
	[sflag:s12] =	ssyncadd.s32 $0xFFFFFF80  }
0x12c: {  	[tilespmem:s26], [sflag:$0x3] =	stream.indirect.gather [hbm4b:s1+s19], $0x80, s13, s19, $0xb8;
	[tilespmem:$0x18380] =	vst v63  }
0x12d: {  	s3 =	simm.s32 $0xA0;
	s8 =	simm.s32 $0x1380  }
0x12e: {  	[tilespmem:s8], [sflag:$0x3] =	stream.indirect.gather [hbm4b:s1+s19], $0x80, s3, s19, $0xb8;
	[tilespmem:$0x18380] =	vst v63  }
0x12f: {  	s20 =	simm.s32 $0xC0;
	s23 =	simm.s32 $0x2380  }
0x130: {  	[tilespmem:s23], [sflag:$0x3] =	stream.indirect.gather [hbm4b:s1+s19], $0x80, s20, s19, $0xb8;
	[tilespmem:$0x18380] =	vst v63  }
0x131: {  	s24 =	simm.s32 $0xE0;
	s25 =	simm.s32 $0x3380  }
0x132: {  	[tilespmem:s25], [sflag:$0x3] =	stream.indirect.gather [hbm4b:s1+s19], $0x80, s24, s19, $0xb8;
	[tilespmem:$0x18380] =	vst v63  }
0x133: {  	_ =	swait.ge [sflag:s9], $0x1000  }
0x134: {  	[sflag:s9] =	ssyncset.done $0x0  }
0x135: {  	[sflag:s9] =	ssyncadd.s32 $0xFFFFF000  }
0x136: {  	_ =	swait.ge [sflag:s9], $0x1000  }
0x137: {  	[sflag:s9] =	ssyncset.done $0x0  }
0x138: {  	[sflag:s9] =	ssyncadd.s32 $0xFFFFF000  }
0x139: {  	_ =	swait.ge [sflag:s9], $0x1000  }
0x13a: {  	[sflag:s9] =	ssyncset.done $0x0  }
0x13b: {  	[sflag:s9] =	ssyncadd.s32 $0xFFFFF000  }
0x13c: {  	_ =	swait.ge [sflag:s9], $0x1000  }
0x13d: {  	[sflag:s9] =	ssyncset.done $0x0  }
0x13e: {  	s26 =	simm.s32 $0x210;
	[sflag:s9] =	ssyncadd.s32 $0xFFFFF000  }
0x13f: {  	v5 =	vld [tilespmem:s26+$0x0];
	_ =	sdelay $0x3  }
0x140: {  	v6 =	vld [tilespmem:s26+$0xFFFFFFF0]  }
0x141: {  	s25 =	simm.s32 $0x230;
	v5 =	vsub.s32 v5, v0  }
0x142: {  	v7 =	vld [tilespmem:s25+$0x0];
	vm0 =	vgt.s32 v5, $0x0  }
0x143: {  	v5 =	vnsel vm0, $0x0, v5  }
0x144: {  	v5 =	vmin.u32 v5, $0x1FF  }
0x145: {  	v6 =	vsub.s32 v6, v0;
	v9 =	vshll.u32 v5, $0x7  }
0x146: {  	s24 =	simm.s32 $0x310;
	v8 =	vld [tilespmem:s25+$0xFFFFFFF0];
	vm0 =	vgt.s32 v6, $0x0;
	[tilespmem:s26+$0x0] =	vst v9  }
0x147: {  	v6 =	vnsel vm0, $0x0, v6;
	v9 =	vsub.s32 v7, v0;
	v7 =	vld [tilespmem:s24+$0x0]  }
0x148: {  	v6 =	vmin.u32 v6, $0x1FF;
	v5 =	vlaneseq.u32  }
0x149: {  	v6 =	vshll.u32 v6, $0x7;
	v10 =	vadd.s32 s11, v5  }
0x14a: {  	s29 =	simm.s32 $0x2;
	s30 =	simm.s32 $0x250;
	[tilespmem:s26+$0xFFFFFFF0] =	vst v6;
	vm0 =	vgt.s32 v9, $0x0;
	vm1 =	vge.s32 v10, v3;
	vm2 =	vlt.s32 v10, v4  }
0x14b: {  	s0 =	sadd.s32 $0xFFFFFFF0, s11;
	s20 =	smov.u32 s11;
	v8 =	vsub.s32 v8, v0;
	s26 =	simm.s32 $0x310;
	v6 =	vld [tilespmem:s24+$0xFFFFFFF0];
	v9 =	vnsel vm0, $0x0, v9;
	vm0 =	vmand vm1, vm2  }
.LBB2_10:
0x14c: {  	v10 =	vld [tilespmem:s30+$0x0];
	s29 =	sadd.s32 $0x2, s29;
	vm1 =	vgt.s32 v8, $0x0;
	v9 =	vmin.u32 v9, $0x1FF;
	v7 =	vnsel vm0, $0x0, v7;
	s23 =	simm.s32 $0x4470  }
0x14d: {  	v12 =	vadd.s32 s0, v5;
	v11 =	vld [tilespmem:s30+$0xFFFFFFF0];
	p0 =	slt.u32 s29, $0x6;
	v8 =	vnsel vm1, $0x0, v8;
	v9 =	vshll.u32 v9, $0x7;
	[tilespmem:s24+$0x0] =	vst v7  }
0x14e: {  	vm0 =	vge.s32 v12, v3;
	vm1 =	vlt.s32 v12, v4;
	s24 =	sadd.s32 $0x20, s24;
	v7 =	vmin.u32 v8, $0x1FF;
	[tilespmem:s25+$0x0] =	vst v9  }
.Ltmp6:
0x14f: {  	vm0 =	vmand vm0, vm1;
	v8 =	vshll.u32 v7, $0x7;
	v7 =	vld [tilespmem:s24+$0x0];
	(pc) =	sbr.rel @p0 .LBB2_10-.Ltmp6, $4  }
0x150: {  	s20 =	sadd.s32 $0x20, s20;
	[tilespmem:s25+$0xFFFFFFF0] =	vst v8;
	v8 =	vnsel vm0, $0x0, v6;
	s25 =	smov.u32 s30  }
0x151: {  	s0 =	sadd.s32 $0xFFFFFFF0, s20;
	v9 =	vsub.s32 v10, v0;
	v6 =	vld [tilespmem:s24+$0xFFFFFFF0];
	v10 =	vadd.s32 s20, v5;
	[tilespmem:s26+$0xFFFFFFF0] =	vst v8;
	s26 =	smov.u32 s24  }
0x152: {  	vm0 =	vgt.s32 v9, $0x0;
	vm1 =	vge.s32 v10, v3;
	vm2 =	vlt.s32 v10, v4  }
0x153: {  	s30 =	sadd.s32 $0x20, s30;
	v8 =	vsub.s32 v11, v0;
	v9 =	vnsel vm0, $0x0, v9;
	vm0 =	vmand vm1, vm2  }
0x154: {  	vm1 =	vgt.s32 v8, $0x0  }
0x155: {  	v9 =	vmin.u32 v9, $0x1FF;
	v8 =	vnsel vm1, $0x0, v8  }
0x156: {  	v9 =	vshll.u32 v9, $0x7;
	v8 =	vmin.u32 v8, $0x1FF  }
0x157: {  	v5 =	vadd.s32 s0, v5;
	s30 =	sadd.s32 $0x20, s24;
	[tilespmem:s25+$0x0] =	vst v9;
	v8 =	vshll.u32 v8, $0x7  }
0x158: {  	vm10 =	vge.s32 v5, v3;
	vm2 =	vlt.s32 v5, v4;
	v9 =	vld [tilespmem:s30+$0x0];
	[tilespmem:s25+$0xFFFFFFF0] =	vst v8  }
0x159: {  	s3 =	sadd.s32 $0x20, s20;
	v5 =	vlaneseq.u32;
	vm1 =	vmand vm10, vm2;
	v8 =	vld [tilespmem:s30+$0xFFFFFFF0]  }
0x15a: {  	v7 =	vnsel vm0, $0x0, v7;
	s8 =	sadd.s32 $0xFFFFFFF0, s3;
	v10 =	vadd.s32 s3, v5;
	v6 =	vnsel vm1, $0x0, v6  }
0x15b: {  	vm11 =	vge.s32 v10, v3;
	vm12 =	vlt.s32 v10, v4;
	v10 =	vadd.s32 s8, v5  }
0x15c: {  	[tilespmem:s24+$0x0] =	vst v7;
	vm0 =	vmand vm11, vm12;
	vm13 =	vge.s32 v10, v3;
	vm14 =	vlt.s32 v10, v4  }
0x15d: {  	[tilespmem:s26+$0xFFFFFFF0] =	vst v6;
	vm15 =	vmand vm13, vm14;
	v7 =	vnsel vm0, $0x0, v9  }
0x15e: {  	s25 =	simm.s32 $0x0;
	[tilespmem:s30+$0x0] =	vst v7;
	v6 =	vnsel vm15, $0x0, v8  }
0x15f: {  	s26 =	sand.u32 $0x70, s25;
	[tilespmem:s30+$0xFFFFFFF0] =	vst v6  }
0x160: {  	s30 =	sand.u32 $0xFFFFFFF0, s25;
	v6 =	vld [tilespmem:s26+$0x200]  }
0x161: {  	s8 =	ssub.s32 $0x1, s30  }
0x162: {  	s8 =	sadd.s32 $0x0, s8  }
0x163: {  	s3 =	sand.u32 $0xE, s25;
	v7 =	vmov s8  }
0x164: {  	v9 =	vmov s3;
	v7 =	vshrl.u32 v7, $0x1B  }
0x165: {  	v11 =	vld [tilespmem:s23+$0xFFFFFF70];
	v7 =	vand.u32 $0x10, v7;
	v8 =	vperm.xlane v6, v9  }
0x166: {  	v12 =	vld [tilespmem:s26+$0x300];
	v10 =	vadd.s32 s8, v7  }
0x167: {  	v13 =	vld [tilespmem:s23+$0xFFFFFF50];
	v6 =	vperm.xlane v6, v10;
	v8 =	vadd.s32 v2, v8  }
0x168: {  	v14 =	vld [tilespmem:s23+$0x0];
	(v2sf) =	vpush v8, $0x0  }
0x169: {  	v16 =	vld [tilespmem:s23+$0xFFFFFFF0];
	v6 =	vadd.s32 v2, v6  }
0x16a: {  	v17 =	vld [tilespmem:s23+$0xFFFFFFE0];
	(v2sf) =	vpush v6, $0x0  }
0x16b: {  	v15 =	vld [tilespmem:s23+$0xFFFFFF20]  }
0x16c: {  	v18 =	vld [tilespmem:s23+$0xFFFFFF30]  }
0x16d: {  	v19 =	vld [tilespmem:s23+$0xFFFFFF40]  }
0x16e: {  	v20 =	vld [tilespmem:s23+$0xFFFFFFD0]  }
0x16f: {  	v21 =	vld [tilespmem:s23+$0xFFFFFFC0]  }
0x170: {  	v22 =	vld [tilespmem:s23+$0xFFFFFFB0]  }
0x171: {  	v23 =	vld [tilespmem:s23+$0xFFFFFFA0]  }
0x172: {  	v7 =	vld [tilespmem:s23+$0xFFFFFF10]  }
0x173: {  	v24 =	vld [tilespmem:s23+$0xFFFFFF90]  }
0x174: {  	v26 =	vld [tilespmem:s23+$0xFFFFFF60]  }
0x175: {  	s24 =	simm.s32 $0x4570;
	s3 =	simm.s32 $0x2;
	v27 =	vld [tilespmem:s23+$0xFFFFFF80];
	v9 =	vperm.xlane v12, v9  }
0x176: {  	s25 =	sand.u32 $0x70, s3;
	v30 =	vld [tilespmem:s24+$0xFFFFFF70]  }
0x177: {  	v31 =	vld [tilespmem:s25+$0x300];
	v15 =	vmul.f32 v15, v9;
	v25 =	vmul.f32 v7, v9;
	s20 =	spop (v2sf)  }
0x178: {  	v42 =	vld [tilespmem:s24+$0xFFFFFF50];
	v18 =	vmul.f32 v18, v9;
	v7 =	vimm.f32 $0.0e+00;
	p1 =	sne.s32 s20, $0xFFFFFFFF  }
0x179: {  	v43 =	vld [tilespmem:s24+$0x0];
	v19 =	vmul.f32 v19, v9;
	s23 =	spop (v2sf);
	s8 =	simm.s32 @p1 $0x8380;
	v28 =	vadd.f32 @!p1 v25, v7;
	v29 =	vadd.f32 @!p1 v15, v7  }
0x17a: {  	v13 =	vmul.f32 v13, v9;
	p2 =	sne.s32 s23, s20;
	v32 =	vadd.f32 @!p1 v18, v7;
	[tilespmem:v5+s8+$0x0] =	vst.idx.add.f32.msk @p1 $0xffff, v7  }
0x17b: {  	s0 =	simm.s32 @p2 $0x8380;
	p0 =	por p2, p2;
	v33 =	vpsel p1, v25, v28;
	v25 =	vmul.f32 v26, v9;
	v26 =	vpsel p1, v15, v29;
	v29 =	vld [tilespmem:s25+$0x200]  }
0x17c: {  	s26 =	sand.u32 $0xFFFFFFF0, s3;
	v11 =	vmul.f32 v11, v9;
	s8 =	simm.s32 @p2 $0x8390;
	v15 =	vadd.f32 @!p1 v19, v7;
	[tilespmem:v8+s0+$0x0] =	vst.idx.add.f32.msk @p0 $0xffff, v33  }
0x17d: {  	s30 =	ssub.s32 $0x1, s26;
	v18 =	vpsel p1, v18, v32;
	v28 =	vadd.f32 @!p1 v13, v7;
	s0 =	simm.s32 @p0 $0x83A0;
	[tilespmem:v8+s8+$0x0] =	vst.idx.add.f32.msk @p0 $0xffff, v26  }
0x17e: {  	v19 =	vpsel p1, v19, v15;
	v15 =	vadd.f32 @!p1 v25, v7;
	[tilespmem:v8+s0+$0x0] =	vst.idx.add.f32.msk @p0 $0xffff, v18;
	s0 =	sadd.s32 $0x2, s30  }
0x17f: {  	v38 =	vld [tilespmem:s24+$0xFFFFFF10];
	v13 =	vpsel p1, v13, v28;
	v28 =	vadd.f32 @!p1 v11, v7;
	v63 =	vmov s0  }
0x180: {  	s3 =	sand.u32 $0xE, s3;
	v40 =	vld [tilespmem:s24+$0xFFFFFF20];
	v25 =	vpsel p1, v25, v15;
	v15 =	vshrl.u32 v63, $0x1B  }
0x181: {  	v41 =	vld [tilespmem:s24+$0xFFFFFF30];
	v34 =	vmov s3;
	v32 =	vpsel p1, v11, v28;
	v11 =	vand.u32 $0x10, v15  }
0x182: {  	v44 =	vld [tilespmem:s24+$0xFFFFFF40];
	v12 =	vperm.xlane v12, v10;
	s3 =	simm.s32 @p1 $0x8390;
	v37 =	vadd.s32 s0, v11;
	v11 =	vperm.xlane v29, v34  }
0x183: {  	v35 =	vperm.xlane v31, v34;
	[tilespmem:v5+s3+$0x0] =	vst.idx.add.f32.msk @p1 $0xffff, v7;
	v15 =	vperm.xlane v29, v37  }
0x184: {  	v22 =	vmul.f32 v22, v12;
	v9 =	vmul.f32 v27, v9;
	v27 =	vld [tilespmem:s24+$0xFFFFFFE0];
	s8 =	simm.s32 @p0 $0x83B0;
	v10 =	vadd.s32 v2, v11  }
0x185: {  	v21 =	vmul.f32 v21, v12;
	s20 =	simm.s32 @p0 $0x83C0;
	[tilespmem:v8+s8+$0x0] =	vst.idx.add.f32.msk @p0 $0xffff, v19;
	v11 =	vadd.s32 v2, v15;
	(v2sf) =	vpush v10, $0x0  }
0x186: {  	v20 =	vmul.f32 v20, v12;
	s8 =	simm.s32 @p0 $0x83D0;
	v28 =	vadd.f32 @!p1 v9, v7;
	[tilespmem:v8+s20+$0x0] =	vst.idx.add.f32.msk @p0 $0xffff, v13;
	(v2sf) =	vpush v11, $0x0  }
0x187: {  	v17 =	vmul.f32 v17, v12;
	v36 =	vmul.f32 v24, v12;
	s20 =	simm.s32 @p0 $0x83E0;
	[tilespmem:v8+s8+$0x0] =	vst.idx.add.f32.msk @p0 $0xffff, v25  }
0x188: {  	v24 =	vpsel p1, v9, v28;
	v9 =	vadd.f32 @!p0 v20, v13;
	[tilespmem:v8+s20+$0x0] =	vst.idx.add.f32.msk @p0 $0xffff, v32  }
0x189: {  	v14 =	vmul.f32 v14, v12;
	v23 =	vmul.f32 v23, v12;
	v19 =	vadd.f32 @!p0 v21, v19;
	v29 =	vld [tilespmem:s24+$0xFFFFFFD0]  }
0x18a: {  	v45 =	vadd.f32 @!p0 v17, v25;
	v25 =	vpsel p0, v20, v9;
	v9 =	vadd.f32 @!p0 v22, v18;
	v18 =	vld [tilespmem:s24+$0xFFFFFFC0]  }
0x18b: {  	v16 =	vmul.f32 v16, v12;
	v28 =	vpsel p0, v21, v19;
	v19 =	vadd.f32 @!p0 v23, v26;
	p1 =	por p1, p1;
	v20 =	vld [tilespmem:s24+$0xFFFFFFB0]  }
0x18c: {  	v12 =	vadd.f32 @!p0 v14, v24;
	s0 =	simm.s32 @p1 $0x83A0;
	v34 =	vperm.xlane v31, v37;
	v37 =	vmul.f32 v41, v35;
	v41 =	vld [tilespmem:s24+$0xFFFFFF80]  }
0x18d: {  	[tilespmem:v5+s0+$0x0] =	vst.idx.add.f32.msk @p1 $0xffff, v7  }
0x18e: {  	v13 =	vpsel p0, v14, v12;
	v14 =	vadd.f32 @!p0 v36, v33;
	v12 =	vpsel p0, v23, v19;
	v19 =	vld [tilespmem:s24+$0xFFFFFFA0]  }
0x18f: {  	v39 =	vmul.f32 v38, v35;
	v38 =	vmul.f32 v40, v35;
	v33 =	vpsel p0, v22, v9;
	v22 =	vld [tilespmem:s24+$0xFFFFFF60]  }
0x190: {  	v30 =	vmul.f32 v30, v35;
	v21 =	vadd.f32 @!p0 v16, v32;
	s0 =	simm.s32 @p1 $0x83B0;
	v36 =	vpsel p0, v36, v14;
	v14 =	vld [tilespmem:s24+$0xFFFFFF90]  }
0x191: {  	v40 =	vmul.f32 v44, v35;
	v42 =	vmul.f32 v42, v35;
	[tilespmem:v5+s0+$0x0] =	vst.idx.add.f32.msk @p1 $0xffff, v7  }
0x192: {  	v32 =	vpsel p0, v17, v45;
	s0 =	simm.s32 @p1 $0x83C0;
	v15 =	vld [tilespmem:s24+$0xFFFFFFF0];
	v9 =	vpsel p0, v16, v21;
	v21 =	vmul.f32 v43, v34  }
0x193: {  	v17 =	vmov v32;
	v16 =	vmul.f32 v27, v34;
	[tilespmem:v5+s0+$0x0] =	vst.idx.add.f32.msk @p1 $0xffff, v7;
	s0 =	simm.s32 @p1 $0x83D0;
	v23 =	vmul.f32 v20, v34  }
0x194: {  	s29 =	simm.s32 $0x4;
	s25 =	simm.s32 @p0 $0x83F0;
	[tilespmem:v5+s0+$0x0] =	vst.idx.add.f32.msk @p1 $0xffff, v7;
	v31 =	vmul.f32 v18, v34;
	v20 =	vimm.f32 $0.0e+00;
	v18 =	vmovc v25;
	v26 =	vmul.f32 v19, v34;
	s20 =	spop (v2sf)  }
0x195: {  	s24 =	simm.s32 $0x4670;
	v19 =	vmovc v28;
	v43 =	vmul.f32 v22, v35;
	v22 =	vmovc v33;
	v27 =	vmul.f32 v14, v34;
	v14 =	vmov v13;
	p2 =	sne.s32 s20, s23;
	s23 =	spop (v2sf)  }
.LBB2_12:
0x196: {  	s0 =	sand.u32 $0xFFFFFFF0, s29  }
0x197: {  	s3 =	sand.u32 $0x70, s29;
	v44 =	vld [tilespmem:s24+$0xFFFFFF70];
	v35 =	vmul.f32 v41, v35;
	s8 =	simm.s32 @p2 $0x8380;
	v41 =	vadd.f32 @!p2 v39, v36;
	v28 =	vadd.f32 @!p2 v40, v28;
	v45 =	vmovc v11;
	s30 =	smov.u32 s29  }
0x198: {  	s26 =	sadd.s32 $0x2, s29;
	v11 =	vadd.f32 @!p2 v38, v12;
	v29 =	vmul.f32 v29, v34;
	p4 =	sne.s32 s23, s20;
	s0 =	ssub.s32 $0x1, s0;
	[tilespmem:v6+s8+$0x0] =	vst.idx.add.f32.msk @p2 $0xffff, v36  }
0x199: {  	p3 =	slt.u32 s29, $0x7E;
	v33 =	vadd.f32 @!p2 v37, v33;
	v15 =	vmul.f32 v15, v34;
	s8 =	simm.s32 @p4 $0x8380;
	v46 =	vld [tilespmem:s3+$0x300];
	s0 =	sadd.s32 s0, s30;
	v28 =	vpsel p2, v40, v28  }
0x19a: {  	s20 =	simm.s32 @p4 $0x8390;
	v36 =	vpsel p2, v39, v41;
	v11 =	vpsel p2, v38, v11;
	v34 =	vmov s0;
	[tilespmem:v8+s25+$0x0] =	vst.idx.add.f32.msk @p0 $0xffff, v24;
	v8 =	vmovc v10;
	p0 =	por p4, p4  }
0x19b: {  	v25 =	vadd.f32 @!p2 v42, v25;
	v32 =	vadd.f32 @!p2 v43, v32;
	s25 =	sand.u32 $0xE, s30;
	v24 =	vshrl.u32 v34, $0x1B;
	[tilespmem:v10+s8+$0x0] =	vst.idx.add.f32.msk @p0 $0xffff, v36;
	s8 =	simm.s32 @p0 $0x83A0  }
0x19c: {  	v33 =	vpsel p2, v37, v33;
	v34 =	vmov s25;
	v24 =	vand.u32 $0x10, v24;
	[tilespmem:v10+s20+$0x0] =	vst.idx.add.f32.msk @p0 $0xffff, v11;
	s20 =	simm.s32 @p0 $0x83B0  }
0x19d: {  	v25 =	vpsel p2, v42, v25;
	v32 =	vpsel p2, v43, v32;
	v41 =	vadd.s32 s0, v24;
	[tilespmem:v10+s8+$0x0] =	vst.idx.add.f32.msk @p0 $0xffff, v33;
	s0 =	simm.s32 @p0 $0x83C0  }
0x19e: {  	v13 =	vadd.f32 @!p2 v35, v13;
	v24 =	vadd.f32 @!p2 v30, v9;
	s8 =	simm.s32 @p0 $0x83D0;
	[tilespmem:v10+s20+$0x0] =	vst.idx.add.f32.msk @p0 $0xffff, v28  }
0x19f: {  	v37 =	vadd.f32 @!p0 v16, v32;
	[tilespmem:v10+s0+$0x0] =	vst.idx.add.f32.msk @p0 $0xffff, v25;
	v10 =	vadd.f32 @!p0 v31, v28  }
0x1a0: {  	v30 =	vpsel p2, v30, v24;
	v24 =	vpsel p2, v35, v13;
	s0 =	simm.s32 @p0 $0x83E0;
	v13 =	vadd.f32 @!p0 v29, v25;
	v38 =	vld [tilespmem:s3+$0x200]  }
0x1a1: {  	s25 =	simm.s32 @p0 $0x83F0;
	[tilespmem:v8+s8+$0x0] =	vst.idx.add.f32.msk @p0 $0xffff, v32;
	v32 =	vadd.f32 @!p0 v21, v24;
	v28 =	vpsel p0, v31, v10  }
0x1a2: {  	s3 =	simm.s32 @p2 $0x8390;
	v10 =	vadd.f32 @!p0 v26, v11;
	v25 =	vpsel p0, v29, v13;
	[tilespmem:v8+s0+$0x0] =	vst.idx.add.f32.msk @p0 $0xffff, v30  }
0x1a3: {  	v11 =	vadd.f32 @!p0 v23, v33;
	[tilespmem:v6+s3+$0x0] =	vst.idx.add.f32.msk @p2 $0xffff, v12;
	v13 =	vpsel p0, v21, v32  }
0x1a4: {  	v29 =	vadd.f32 @!p0 v15, v30;
	v21 =	vadd.f32 @!p0 v27, v36;
	v12 =	vpsel p0, v26, v10;
	v31 =	vld [tilespmem:s24+$0xFFFFFF50]  }
0x1a5: {  	s0 =	simm.s32 @p1 $0x83E0;
	v33 =	vpsel p0, v23, v11;
	v10 =	vperm.xlane v38, v34;
	v26 =	vperm.xlane v38, v41;
	v42 =	vld [tilespmem:s24+$0x0]  }
0x1a6: {  	v36 =	vpsel p0, v27, v21;
	[tilespmem:v5+s0+$0x0] =	vst.idx.add.f32.msk @p1 $0xffff, v7;
	s0 =	simm.s32 @p1 $0x83F0;
	v7 =	vmov v9;
	v9 =	vpsel p0, v15, v29  }
0x1a7: {  	v10 =	vadd.s32 v2, v10;
	v11 =	vadd.s32 v2, v26;
	[tilespmem:v5+s0+$0x0] =	vst.idx.add.f32.msk @p1 $0xffff, v20;
	v20 =	vmov v14;
	p1 =	por p2, p2  }
0x1a8: {  	v32 =	vpsel p0, v16, v37;
	v14 =	vmovc v13;
	v5 =	vmovc v6;
	v6 =	vmov v45;
	v15 =	vld [tilespmem:s24+$0xFFFFFFF0];
	(v2sf) =	vpush v10, $0x0  }
0x1a9: {  	v16 =	vld [tilespmem:s24+$0xFFFFFFE0];
	(v2sf) =	vpush v11, $0x0  }
0x1aa: {  	v21 =	vld [tilespmem:s24+$0xFFFFFF10]  }
0x1ab: {  	v23 =	vld [tilespmem:s24+$0xFFFFFF20]  }
0x1ac: {  	v26 =	vld [tilespmem:s24+$0xFFFFFF30]  }
0x1ad: {  	v35 =	vperm.xlane v46, v34;
	v27 =	vld [tilespmem:s24+$0xFFFFFF40]  }
0x1ae: {  	v29 =	vld [tilespmem:s24+$0xFFFFFFD0]  }
0x1af: {  	v39 =	vmul.f32 v21, v35;
	v45 =	vld [tilespmem:s24+$0xFFFFFFC0]  }
0x1b0: {  	v30 =	vmul.f32 v44, v35;
	v38 =	vmul.f32 v23, v35;
	v23 =	vld [tilespmem:s24+$0xFFFFFFB0]  }
0x1b1: {  	v37 =	vmul.f32 v26, v35;
	v26 =	vld [tilespmem:s24+$0xFFFFFFA0]  }
0x1b2: {  	v34 =	vperm.xlane v46, v41;
	v40 =	vmul.f32 v27, v35;
	v27 =	vld [tilespmem:s24+$0xFFFFFF90]  }
0x1b3: {  	v43 =	vld [tilespmem:s24+$0xFFFFFF60]  }
.Ltmp7:
0x1b4: {  	s0 =	simm.s32 @p1 $0x83A0;
	v21 =	vmul.f32 v42, v34;
	v41 =	vld [tilespmem:s24+$0xFFFFFF80];
	(pc) =	sbr.rel @p3 .LBB2_12-.Ltmp7, $4  }
0x1b5: {  	v23 =	vmul.f32 v23, v34;
	[tilespmem:v5+s0+$0x0] =	vst.idx.add.f32.msk @p1 $0xffff, v22;
	s0 =	simm.s32 @p1 $0x83B0;
	v22 =	vmov v33  }
0x1b6: {  	v16 =	vmul.f32 v16, v34;
	v26 =	vmul.f32 v26, v34;
	[tilespmem:v5+s0+$0x0] =	vst.idx.add.f32.msk @p1 $0xffff, v19;
	s0 =	simm.s32 @p1 $0x83C0;
	v19 =	vmov v28  }
0x1b7: {  	s29 =	smov.u32 s26;
	v42 =	vmul.f32 v31, v35;
	v27 =	vmul.f32 v27, v34;
	s20 =	spop (v2sf);
	[tilespmem:v5+s0+$0x0] =	vst.idx.add.f32.msk @p1 $0xffff, v18;
	s0 =	simm.s32 @p1 $0x83D0;
	v18 =	vmov v25  }
0x1b8: {  	v31 =	vmul.f32 v45, v34;
	s24 =	sadd.s32 $0x100, s24;
	v43 =	vmul.f32 v43, v35;
	p2 =	sne.s32 s20, s23;
	s23 =	spop (v2sf);
	[tilespmem:v5+s0+$0x0] =	vst.idx.add.f32.msk @p1 $0xffff, v17;
	v17 =	vmov v32  }
0x1b9: {  	_ =	sdelay $0x2  }
0x1ba: {  	s0 =	simm.s32 @p2 $0x8380;
	v44 =	vadd.f32 @!p2 v39, v36  }
0x1bb: {  	p3 =	sne.s32 s23, s20;
	[tilespmem:v6+s0+$0x0] =	vst.idx.add.f32.msk @p2 $0xffff, v36;
	v36 =	vadd.f32 @!p2 v38, v12  }
0x1bc: {  	v33 =	vadd.f32 @!p2 v37, v33;
	[tilespmem:v8+s25+$0x0] =	vst.idx.add.f32.msk @p0 $0xffff, v24;
	s0 =	simm.s32 @p3 $0x8380;
	p0 =	por p3, p3;
	v39 =	vpsel p2, v39, v44  }
0x1bd: {  	v8 =	vadd.f32 @!p2 v40, v28;
	s3 =	simm.s32 @p3 $0x8390;
	v24 =	vpsel p2, v38, v36;
	[tilespmem:v10+s0+$0x0] =	vst.idx.add.f32.msk @p0 $0xffff, v39  }
0x1be: {  	v25 =	vadd.f32 @!p2 v42, v25;
	v28 =	vpsel p2, v37, v33;
	s0 =	simm.s32 @p0 $0x83A0;
	[tilespmem:v10+s3+$0x0] =	vst.idx.add.f32.msk @p0 $0xffff, v24  }
0x1bf: {  	v32 =	vadd.f32 @!p2 v43, v32;
	v8 =	vpsel p2, v40, v8;
	s3 =	simm.s32 @p0 $0x83B0;
	[tilespmem:v10+s0+$0x0] =	vst.idx.add.f32.msk @p0 $0xffff, v28  }
0x1c0: {  	v25 =	vpsel p2, v42, v25;
	v33 =	vadd.f32 @!p2 v30, v9;
	s0 =	simm.s32 @p0 $0x83C0;
	[tilespmem:v10+s3+$0x0] =	vst.idx.add.f32.msk @p0 $0xffff, v8  }
0x1c1: {  	v32 =	vpsel p2, v43, v32;
	s3 =	simm.s32 @p0 $0x83D0;
	[tilespmem:v10+s0+$0x0] =	vst.idx.add.f32.msk @p0 $0xffff, v25  }
0x1c2: {  	v30 =	vpsel p2, v30, v33;
	s0 =	simm.s32 @p0 $0x83E0;
	[tilespmem:v10+s3+$0x0] =	vst.idx.add.f32.msk @p0 $0xffff, v32  }
0x1c3: {  	s3 =	simm.s32 @p2 $0x8390;
	[tilespmem:v10+s0+$0x0] =	vst.idx.add.f32.msk @p0 $0xffff, v30  }
0x1c4: {  	[tilespmem:v6+s3+$0x0] =	vst.idx.add.f32.msk @p2 $0xffff, v12;
	s0 =	simm.s32 @p1 $0x83E0  }
0x1c5: {  	p3 =	por p2, p2;
	[tilespmem:v5+s0+$0x0] =	vst.idx.add.f32.msk @p1 $0xffff, v7;
	s0 =	simm.s32 @p1 $0x83F0  }
0x1c6: {  	v7 =	vmul.f32 v41, v35;
	[tilespmem:v5+s0+$0x0] =	vst.idx.add.f32.msk @p1 $0xffff, v20;
	s0 =	simm.s32 @p3 $0x83A0  }
0x1c7: {  	[tilespmem:v6+s0+$0x0] =	vst.idx.add.f32.msk @p3 $0xffff, v22;
	s0 =	simm.s32 @p3 $0x83B0  }
0x1c8: {  	v5 =	vadd.f32 @!p2 v7, v13;
	[tilespmem:v6+s0+$0x0] =	vst.idx.add.f32.msk @p3 $0xffff, v19;
	s0 =	simm.s32 @p3 $0x83C0  }
0x1c9: {  	[tilespmem:v6+s0+$0x0] =	vst.idx.add.f32.msk @p3 $0xffff, v18;
	s0 =	simm.s32 @p3 $0x83D0  }
0x1ca: {  	s3 =	simm.s32 @p0 $0x83F0;
	v12 =	vadd.f32 @!p0 v27, v39;
	v5 =	vpsel p2, v7, v5;
	[tilespmem:v6+s0+$0x0] =	vst.idx.add.f32.msk @p3 $0xffff, v17  }
0x1cb: {  	v13 =	vadd.f32 @!p0 v26, v24;
	[tilespmem:v10+s3+$0x0] =	vst.idx.add.f32.msk @p0 $0xffff, v5;
	s0 =	simm.s32 @p3 $0x83E0  }
0x1cc: {  	v12 =	vpsel p0, v27, v12;
	v7 =	vmul.f32 v29, v34;
	[tilespmem:v6+s0+$0x0] =	vst.idx.add.f32.msk @p3 $0xffff, v9;
	s0 =	simm.s32 @p3 $0x83F0  }
0x1cd: {  	v63 =	vpsel p0, v26, v13;
	v9 =	vadd.f32 @!p0 v23, v28;
	[tilespmem:v6+s0+$0x0] =	vst.idx.add.f32.msk @p3 $0xffff, v14  }
0x1ce: {  	s30 =	simm.s32 $0x8390;
	v10 =	vmul.f32 v15, v34;
	v6 =	vadd.f32 @!p0 v31, v8;
	[tilespmem:v11+s7+$0x0] =	vst.idx.add.f32.msk $0xffff, v12  }
0x1cf: {  	s3 =	simm.s32 $0x83A0;
	v12 =	vadd.f32 @!p0 v7, v25;
	v9 =	vpsel p0, v23, v9;
	[tilespmem:v11+s30+$0x0] =	vst.idx.add.f32.msk $0xffff, v63  }
0x1d0: {  	s8 =	simm.s32 $0x83B0;
	v8 =	vadd.f32 @!p0 v16, v32;
	v6 =	vpsel p0, v31, v6;
	[tilespmem:v11+s3+$0x0] =	vst.idx.add.f32.msk $0xffff, v9  }
0x1d1: {  	v7 =	vpsel p0, v7, v12;
	v9 =	vadd.f32 @!p0 v10, v30;
	[tilespmem:v11+s8+$0x0] =	vst.idx.add.f32.msk $0xffff, v6  }
0x1d2: {  	s20 =	simm.s32 $0x83D0;
	v5 =	vadd.f32 @!p0 v21, v5;
	v6 =	vpsel p0, v16, v8;
	[tilespmem:v11+s31+$0x0] =	vst.idx.add.f32.msk $0xffff, v7  }
0x1d3: {  	s23 =	sadd.s32 s22, s18;
	s24 =	simm.s32 $0x83E0;
	v7 =	vpsel p0, v10, v9;
	[tilespmem:v11+s20+$0x0] =	vst.idx.add.f32.msk $0xffff, v6  }
0x1d4: {  	s25 =	simm.s32 $0x83F0;
	s21 =	sadd.s32 $0x1, s21;
	v5 =	vpsel p0, v21, v5;
	s0 =	sshrl.u32 s23, $0x3;
	[tilespmem:v11+s24+$0x0] =	vst.idx.add.f32.msk $0xffff, v7  }
0x1d5: {  	s26 =	sadd.s32 s4, s0;
	p0 =	sne.s32 s21, s15;
	[tilespmem:v11+s25+$0x0] =	vst.idx.add.f32.msk $0xffff, v5  }
0x1d6: {  	[tilespmem:s16], [sflag:$0x2] =	stream.linear.gather [hbm4b:s26+s2], $0x80, $0x38;
	[tilespmem:$0x18380] =	vst v63  }
.Ltmp8:
0x1d7: {  	s14 =	sadd.s32 $0x100, s14;
	(pc) =	sbr.rel @p0 .LBB2_5-.Ltmp8, $4  }
.Ltmp9:
0x1d8: {  	s29 =	sadd.s32 s5, s0;
	s8 =	simm.s32 $0x200;
	(pc) =	sbr.rel @!p0 .LBB2_14-.Ltmp9, $4  }
0x1d9: {  	[tilespmem:s8], [sflag:$0x2] =	stream.linear.gather [hbm4b:s29+s2], $0x80, $0x38;
	[tilespmem:$0x18380] =	vst v63  }
0x1da: {  	s11 =	sadd.s32 $0x100, s11;
	s0 =	sadd.s32 s6, s0;
	s30 =	simm.s32 $0x300  }
0x1db: {  	[tilespmem:s30], [sflag:$0x2] =	stream.linear.gather [hbm4b:s0+s2], $0x80, $0x38;
	[tilespmem:$0x18380] =	vst v63  }
0x1dc: {  	_ = 	snop  }
.LBB2_15:
0x1dd: {  	_ =	sfence.sel $0x180000  }
0x1de: {  	[bflag:$0x0] =	sbarrier.arrive $0xFFFF  }
0x1df: {  	_ =	strace $0x90000047  }
0x1e0: {  	s0 =	stileid.u32;
	[bflag:$0x2] =	sbarrier.arrive $0xFFFF  }
0x1e1: {  	p0 =	sne.s32 s0, $0x0;
	s0 =	rddreg [dreg:$0x3]  }
0x1e2: {  	s0 =	sadd.s32 @!p0 $0x100000, s0  }
0x1e3: {  	[sflag:s0] =	ssyncadd.tile.s32 @!p0 $0x1;
	_ =	shalt  }
.Lfunc_end2:
_tile_overlayer_lowered:
.L_overlay_start_2:
0x1e4: {  	(tag) =	ssettag $0x2  }
0x1e5: {  	s0 =	rddreg [dreg:$0x0];
	s2 =	stileid.u32  }
0x1e6: {  	s1 =	rddreg [dreg:$0x1];
	p0 =	sne.s32 s2, $0x0  }
0x1e7: {  	s3 =	rddreg [dreg:$0x2];
	[bflag:$0x3] =	sbarrier.arrive $0xFFFF;
	s2 =	simm.s32 @!p0 $0x1C05  }
0x1e8: {  	[timem:s3], [sflag:s2] =	dma.local @!p0 [hbm:s0], s1  }
0x1e9: {  	s0 =	simm.s32 @!p0 $0x5  }
0x1ea: {  	_ =	swait.ge @!p0 [sflag:s0], s1  }
0x1eb: {  	s1 =	ssub.s32 @!p0 $0x0, s1;
	[sflag:s0] =	ssyncset.done @!p0 $0x0  }
0x1ec: {  	[sflag:s0] =	ssyncadd.s32 @!p0 s1  }
0x1ed: {  	[bflag:$0x3] =	sbarrier.arrive $0xFFFF  }
0x1ee: {  	_ =	shalt  }

</sc_bundles>
